<compile_context>
chip_gen: v7x
topology: tpu7x:2x2x1
jax: 0.10.2.dev20260603
libtpu: 0.0.44.dev20260713+nightly
codegen_flags: <defaults>
</compile_context>

<pallas_src>
import functools

import jax
import jax.numpy as jnp
from jax import lax
from jax.experimental import pallas as pl
from jax.experimental.pallas import tpu as pltpu
from jax.experimental.pallas import tpu_sc as plsc

_MIN_NORM = 1e-15
_MAXNORM = 1.0 - 4e-3
_ATANH_CLIP = 1.0 - 1e-7

_NC = 2
_NS = 16
_NW = _NC * _NS
_L = 16
_C = 128


def _rn(x):
    return jnp.maximum(jnp.sqrt(jnp.sum(x * x, axis=-1, keepdims=True)),
                       _MIN_NORM)


def _atanh(x):
    return 0.5 * jnp.log((1.0 + x) / (1.0 - x))


def _proj(x):
    n = _rn(x)
    return jnp.where(n > _MAXNORM, x * (_MAXNORM / n), x)


def _expmap0(u):
    n = _rn(u)
    return jnp.tanh(n) * u / n


def _logmap0(p):
    n = _rn(p)
    return _atanh(jnp.minimum(n, _ATANH_CLIP)) * p / n


def _hyp_linear(x, W, b):
    xn = _rn(x)
    mx = lax.dot_general(x, W, (((1,), (1,)), ((), ())),
                         precision=lax.Precision.HIGHEST)
    mxn = _rn(mx)
    res = jnp.tanh(mxn / xn * _atanh(jnp.minimum(xn, _ATANH_CLIP))) * mx / mxn
    zero_rows = jnp.all(mx == 0.0, axis=-1, keepdims=True)
    mv = _proj(jnp.where(zero_rows, 0.0, res))
    hyp_b = _proj(_expmap0(b))
    x2 = jnp.sum(mv * mv, axis=-1, keepdims=True)
    y2 = jnp.sum(hyp_b * hyp_b, axis=-1, keepdims=True)
    xy = jnp.sum(mv * hyp_b, axis=-1, keepdims=True)
    num = (1.0 + 2.0 * xy + y2) * mv + (1.0 - x2) * hyp_b
    den = 1.0 + 2.0 * xy + x2 * y2
    return _proj(num / jnp.maximum(den, _MIN_NORM))


def _segment_mean_in(pl_, pr_, dg0_, dg1_):
    deg = jnp.maximum(dg0_[:, :1] + dg1_[:, :1], 1.0)
    return jnp.concatenate([pl_, pr_], axis=-1) / deg


def _stage1_body(x_ref, w_ref, b_ref, oa_ref, ob_ref):
    xh = _proj(_expmap0(x_ref[...]))
    h = _hyp_linear(xh, w_ref[...], b_ref[...])
    out = _logmap0(h)
    dh = out.shape[1] // 2
    oa_ref[...] = out[:, :dh]
    ob_ref[...] = out[:, dh:]


def _stage2_body(p0_ref, p1_ref, dg0_ref, dg1_ref, w_ref, b_ref,
                 oa_ref, ob_ref):
    support = _segment_mean_in(p0_ref[...], p1_ref[...],
                               dg0_ref[...], dg1_ref[...])
    h = _proj(_expmap0(support))
    xt = jnp.maximum(_logmap0(h), 0.0)
    h2 = _proj(_expmap0(xt))
    h3 = _hyp_linear(h2, w_ref[...], b_ref[...])
    out = _logmap0(h3)
    dh = out.shape[1] // 2
    oa_ref[...] = out[:, :dh]
    ob_ref[...] = out[:, dh:]


def _stage3_body(p0_ref, p1_ref, dg0_ref, dg1_ref, o_ref):
    support = _segment_mean_in(p0_ref[...], p1_ref[...],
                               dg0_ref[...], dg1_ref[...])
    h = _proj(_expmap0(support))
    xt = jnp.maximum(_logmap0(h), 0.0)
    o_ref[...] = _proj(_expmap0(xt))


def _tc_stage1(x, W, b, block_rows=1000):
    n, d = x.shape
    return pl.pallas_call(
        _stage1_body,
        grid=(n // block_rows,),
        in_specs=[pl.BlockSpec((block_rows, d), lambda i: (i, 0)),
                  pl.BlockSpec((d, d), lambda i: (0, 0)),
                  pl.BlockSpec((1, d), lambda i: (0, 0))],
        out_specs=[pl.BlockSpec((block_rows, d // 2), lambda i: (i, 0)),
                   pl.BlockSpec((block_rows, d // 2), lambda i: (i, 0))],
        out_shape=[jax.ShapeDtypeStruct((n, d // 2), jnp.float32),
                   jax.ShapeDtypeStruct((n, d // 2), jnp.float32)],
    )(x, W, b[None, :])


def _tc_stage2(p0, p1, dg0, dg1, W, b, block_rows=1000):
    n, dh = p0.shape
    d = 2 * dh
    return pl.pallas_call(
        _stage2_body,
        grid=(n // block_rows,),
        in_specs=[pl.BlockSpec((block_rows, dh), lambda i: (i, 0)),
                  pl.BlockSpec((block_rows, dh), lambda i: (i, 0)),
                  pl.BlockSpec((block_rows, _L), lambda i: (i, 0)),
                  pl.BlockSpec((block_rows, _L), lambda i: (i, 0)),
                  pl.BlockSpec((d, d), lambda i: (0, 0)),
                  pl.BlockSpec((1, d), lambda i: (0, 0))],
        out_specs=[pl.BlockSpec((block_rows, dh), lambda i: (i, 0)),
                   pl.BlockSpec((block_rows, dh), lambda i: (i, 0))],
        out_shape=[jax.ShapeDtypeStruct((n, dh), jnp.float32),
                   jax.ShapeDtypeStruct((n, dh), jnp.float32)],
    )(p0, p1, dg0, dg1, W, b[None, :])


def _tc_stage3(p0, p1, dg0, dg1, block_rows=1000):
    n, dh = p0.shape
    d = 2 * dh
    return pl.pallas_call(
        _stage3_body,
        grid=(n // block_rows,),
        in_specs=[pl.BlockSpec((block_rows, dh), lambda i: (i, 0)),
                  pl.BlockSpec((block_rows, dh), lambda i: (i, 0)),
                  pl.BlockSpec((block_rows, _L), lambda i: (i, 0)),
                  pl.BlockSpec((block_rows, _L), lambda i: (i, 0))],
        out_specs=pl.BlockSpec((block_rows, d), lambda i: (i, 0)),
        out_shape=jax.ShapeDtypeStruct((n, d), jnp.float32),
    )(p0, p1, dg0, dg1)


def _sc_agg(xta, xtb, src3, dst3, n_nodes, do_deg=True):
    dh = xta.shape[1]
    n_chunks = src3.shape[1]
    np1 = -(-(n_nodes + 1) // (_NS * 128)) * (_NS * 128)
    rows_per_tile = np1 // _NS
    zr = 128
    assert rows_per_tile % zr == 0

    mesh = plsc.VectorSubcoreMesh(core_axis_name="c", subcore_axis_name="s")
    assert n_chunks % 2 == 0 and n_chunks >= 4

    @functools.partial(
        pl.kernel,
        out_type=(jax.ShapeDtypeStruct((_NC * np1, dh), jnp.float32),
                  jax.ShapeDtypeStruct((_NC * np1, _L), jnp.float32)),
        mesh=mesh,
        scratch_types=[
            pltpu.VMEM((n_chunks, _C), jnp.int32),
            pltpu.VMEM((n_chunks, _C), jnp.int32),
            pltpu.VMEM((_C, dh), jnp.float32),
            pltpu.VMEM((_C, dh), jnp.float32),
            pltpu.VMEM((_C, _L), jnp.float32),
            pltpu.VMEM_SHARED((np1, dh), jnp.float32),
            pltpu.VMEM_SHARED((np1, _L), jnp.float32),
            pltpu.SemaphoreType.DMA,
            pltpu.SemaphoreType.DMA,
        ],
        compiler_params=pltpu.CompilerParams(use_tc_tiling_on_sc=False),
    )
    def k(xta_hbm, xtb_hbm, src_hbm, dst_hbm, out_hbm, deg_hbm,
          src_v, dst_v, rows_a, rows_b, ones_v,
          acc_sh, deg_sh, gsem_a, gsem_b):
        c = lax.axis_index("c")
        s = lax.axis_index("s")

        zero16 = jnp.zeros((_L,), jnp.float32)
        one16 = jnp.ones((_L,), jnp.float32)

        def _zrow(i, _):
            for q in range(dh // _L):
                rows_a[i, pl.ds(q * _L, _L)] = zero16
            ones_v[i, :] = zero16
            return 0
        lax.fori_loop(0, _C, _zrow, 0)

        row0 = s * rows_per_tile
        for t in range(rows_per_tile // zr):
            pltpu.sync_copy(rows_a, acc_sh.at[pl.ds(row0 + t * zr, zr)])
            if do_deg:
                pltpu.sync_copy(ones_v, deg_sh.at[pl.ds(row0 + t * zr, zr)])

        if do_deg:
            def _orow(i, _):
                ones_v[i, :] = one16
                return 0
            lax.fori_loop(0, _C, _orow, 0)
        plsc.subcore_barrier()

        pltpu.sync_copy(src_hbm.at[s], src_v)
        pltpu.sync_copy(dst_hbm.at[s], dst_v)

        def _edge_loop(x_hbm, deg_parity):
            pltpu.async_copy(x_hbm.at[src_v.at[0]], rows_a, gsem_a)

            def _pair(i, _):
                ja = 2 * i
                jb = 2 * i + 1
                pltpu.async_copy(x_hbm.at[src_v.at[jb]], rows_b, gsem_b)
                pltpu.make_async_copy(x_hbm.at[src_v.at[ja]],
                                      rows_a, gsem_a).wait()
                pltpu.sync_copy(rows_a, acc_sh.at[dst_v.at[ja]], add=True)
                if deg_parity == 0:
                    pltpu.sync_copy(ones_v, deg_sh.at[dst_v.at[ja]],
                                    add=True)

                @pl.when(jb + 1 < n_chunks)
                def _():
                    pltpu.async_copy(x_hbm.at[src_v.at[jb + 1]],
                                     rows_a, gsem_a)

                pltpu.make_async_copy(x_hbm.at[src_v.at[jb]],
                                      rows_b, gsem_b).wait()
                pltpu.sync_copy(rows_b, acc_sh.at[dst_v.at[jb]], add=True)
                if deg_parity == 1:
                    pltpu.sync_copy(ones_v, deg_sh.at[dst_v.at[jb]],
                                    add=True)
                return 0
            lax.fori_loop(0, n_chunks // 2, _pair, 0)

        @pl.when(c == 0)
        def _():
            _edge_loop(xta_hbm, 0 if do_deg else None)

        @pl.when(c == 1)
        def _():
            _edge_loop(xtb_hbm, 1 if do_deg else None)

        plsc.subcore_barrier()

        pltpu.sync_copy(acc_sh.at[pl.ds(row0, rows_per_tile)],
                        out_hbm.at[pl.ds(c * np1 + row0, rows_per_tile)])
        if do_deg:
            pltpu.sync_copy(deg_sh.at[pl.ds(row0, rows_per_tile)],
                            deg_hbm.at[pl.ds(c * np1 + row0, rows_per_tile)])

    acc, deg = k(xta, xtb, src3, dst3)
    acc = acc.reshape(_NC, np1, dh)[:, :n_nodes]
    deg = deg.reshape(_NC, np1, _L)[:, :n_nodes]
    return acc, deg


def kernel(x, edge_index, W1, b1, W2, b2):
    n, d = x.shape
    dh = d // 2
    e = edge_index.shape[1]
    per_tile = -(-e // (_NS * 2 * _C)) * 2 * _C
    n_chunks = per_tile // _C
    pad = _NS * per_tile - e

    ei = edge_index.astype(jnp.int32)
    src = jnp.concatenate([ei[0], jnp.zeros((pad,), jnp.int32)])
    dst = jnp.concatenate([ei[1], jnp.full((pad,), n, jnp.int32)])
    src3 = src.reshape(_NS, n_chunks, _C)
    dst3 = dst.reshape(_NS, n_chunks, _C)

    xt1a, xt1b = _tc_stage1(x, W1, b1)
    acc, deg = _sc_agg(xt1a, xt1b, src3, dst3, n, do_deg=True)
    xt2a, xt2b = _tc_stage2(acc[0], acc[1], deg[0], deg[1], W2, b2)
    acc2, _ = _sc_agg(xt2a, xt2b, src3, dst3, n, do_deg=False)
    return _tc_stage3(acc2[0], acc2[1], deg[0], deg[1])

# --- scband reference (transcript-rebuilt; emitter-appended) ---
"""Pipeline reference for scband-hgcae-32650341384677 (READ-ONLY COPY).

The authoritative reference and input builder live on the scoring server;
editing this copy changes nothing except your own understanding.
"""

import jax, jax.numpy as jnp
import numpy as np

MIN_NORM = 1e-15
PROJ_EPS = 4e-3

def _norm(x):
    return jnp.clip(jnp.linalg.norm(x, axis=-1, keepdims=True), MIN_NORM, None)

def proj(x, c):
    n = _norm(x)
    maxnorm = (1.0 - PROJ_EPS) / (c ** 0.5)
    return jnp.where(n > maxnorm, x / n * maxnorm, x)

def proj_tan0(u, c):
    return u

def expmap0(u, c):
    sqrt_c = c ** 0.5
    u_norm = _norm(u)
    return jnp.tanh(sqrt_c * u_norm) * u / (sqrt_c * u_norm)

def logmap0(p, c):
    sqrt_c = c ** 0.5
    p_norm = _norm(p)
    arg = jnp.clip(sqrt_c * p_norm, None, 1.0 - 1e-7)
    return jnp.arctanh(arg) * p / (sqrt_c * p_norm)

def mobius_matvec(m, x, c):
    # m: [out_dim, in_dim]
    sqrt_c = c ** 0.5
    x_norm = _norm(x)
    mx = x @ m.T
    mx_norm = _norm(mx)
    arg = jnp.clip(sqrt_c * x_norm, None, 1.0 - 1e-7)
    res = jnp.tanh(mx_norm / x_norm * jnp.arctanh(arg)) * mx / (mx_norm * sqrt_c)
    zero_rows = jnp.all(mx == 0.0, axis=-1, keepdims=True)
    return jnp.where(zero_rows, jnp.zeros_like(res), res)

def mobius_add(x, y, c):
    x2 = jnp.sum(x * x, axis=-1, keepdims=True)
    y2 = jnp.sum(y * y, axis=-1, keepdims=True)
    xy = jnp.sum(x * y, axis=-1, keepdims=True)
    num = (1.0 + 2.0 * c * xy + c * y2) * x + (1.0 - c * x2) * y
    denom = 1.0 + 2.0 * c * xy + (c ** 2) * x2 * y2
    return num / jnp.clip(denom, MIN_NORM, None)

def hyp_linear(x, W, b, c):
    mv = proj(mobius_matvec(W, x, c), c)
    hyp_b = proj(expmap0(proj_tan0(b[None, :], c), c), c)
    return proj(mobius_add(mv, hyp_b, c), c)

def hyp_agg(x, edge_index, c, n_nodes):
    # spmm with row-normalized adjacency (scatter-add gather pattern)
    src, dst = edge_index[0], edge_index[1]
    x_t = logmap0(x, c)
    msgs = jnp.take(x_t, src, axis=0)
    agg = jax.ops.segment_sum(msgs, dst, num_segments=n_nodes)
    deg = jax.ops.segment_sum(jnp.ones((edge_index.shape[1],), jnp.float32), dst, num_segments=n_nodes)
    deg = jnp.clip(deg, 1.0, None)[:, None]
    support_t = agg / deg
    return proj(expmap0(support_t, c), c)

def hyp_act(x, c_in, c_out):
    xt = jax.nn.relu(logmap0(x, c_in))
    xt = proj_tan0(xt, c_out)
    return proj(expmap0(xt, c_out), c_out)

def hgc_layer(x, edge_index, W, b, c_in, c_out, n_nodes):
    h = hyp_linear(x, W, b, c_in)
    h = hyp_agg(h, edge_index, c_in, n_nodes)
    h = hyp_act(h, c_in, c_out)
    return h

def setup_inputs(seed: int = 0) -> dict:
    key = jax.random.key(seed)
    k1, k2, k3, k4, k5 = jax.random.split(key, 5)
    N, D, E = 10000, 128, 320000
    x = jax.random.normal(k1, (N, D), dtype=jnp.float32)
    edge_index = jax.random.randint(k2, (2, E), 0, N, dtype=jnp.int64)
    W1 = jax.random.normal(k3, (D, D), dtype=jnp.float32) * (1.0 / np.sqrt(D))
    b1 = jax.random.normal(k4, (D,), dtype=jnp.float32) * 0.02
    W2 = jax.random.normal(k5, (D, D), dtype=jnp.float32) * (1.0 / np.sqrt(D))
    b2 = jax.random.normal(jax.random.fold_in(key, 7), (D,), dtype=jnp.float32) * 0.02
    return {"x": x, "edge_index": edge_index, "W1": W1, "b1": b1, "W2": W2, "b2": b2}

def reference(x, edge_index, W1, b1, W2, b2):
    n_nodes = x.shape[0]
    c0 = c1 = c2 = 1.0
    # HGCAE.encode: map features onto Poincare ball
    x_hyp = proj(expmap0(proj_tan0(x, c0), c0), c0)
    h = hgc_layer(x_hyp, edge_index, W1, b1, c0, c1, n_nodes)
    h = hgc_layer(h, edge_index, W2, b2, c1, c2, n_nodes)
    return h

if __name__ == "__main__":
    import jax
    _d = setup_inputs()
    print(jax.jit(kernel)(*tuple(_d.values())))

</pallas_src>

<mosaic_0001>
#map = affine_map<(d0, d1) -> (0, 0)>
#map1 = affine_map<(d0, d1) -> (0, 0, 0)>
module attributes {stable_mosaic.version = 14 : i64} {
  func.func @k(%arg0: i32, %arg1: i32, %arg2: memref<10000x64xf32, #tpu.memory_space<hbm>>, %arg3: memref<10000x64xf32, #tpu.memory_space<hbm>>, %arg4: memref<16x158x128xi32, #tpu.memory_space<hbm>>, %arg5: memref<16x158x128xi32, #tpu.memory_space<hbm>>, %arg6: memref<20480x64xf32, #tpu.memory_space<hbm>>, %arg7: memref<20480x16xf32, #tpu.memory_space<hbm>>, %arg8: memref<158x128xi32, #tpu.memory_space<vmem>>, %arg9: memref<158x128xi32, #tpu.memory_space<vmem>>, %arg10: memref<128x64xf32, #tpu.memory_space<vmem>>, %arg11: memref<128x64xf32, #tpu.memory_space<vmem>>, %arg12: memref<128x16xf32, #tpu.memory_space<vmem>>, %arg13: memref<10240x64xf32, #tpu.memory_space<vmem_shared>>, %arg14: memref<10240x16xf32, #tpu.memory_space<vmem_shared>>, %arg15: memref<!tpu.dma_semaphore, #tpu.memory_space<semaphore_mem>>, %arg16: memref<!tpu.dma_semaphore, #tpu.memory_space<semaphore_mem>>) attributes {dimension_semantics = [#tpu.dimension_semantics<core_parallel>, #tpu.dimension_semantics<subcore_parallel>], iteration_bounds = array<i64: 2, 16>, scalar_prefetch = 0 : i64, scratch_operands = 9 : i64, tpu.core_type = #tpu.core_type<sc_vector_subcore>, window_params = [{transform_indices = #map}, {transform_indices = #map}, {transform_indices = #map1}, {transform_indices = #map1}, {transform_indices = #map}, {transform_indices = #map}]} {
    %broadcast_in_dim3A = arith.constant 0.000000e+00 : f32
    %broadcast_in_dim3A_0 = vector.broadcast %broadcast_in_dim3A : f32 to vector<16xf32>
    %broadcast_in_dim3A_1 = arith.constant 1.000000e+00 : f32
    %broadcast_in_dim3A_2 = vector.broadcast %broadcast_in_dim3A_1 : f32 to vector<16xf32>
    %scan3A = arith.constant 0 : i32
    %scan3A_3 = arith.constant 0 : i32
    %scan3A_4 = arith.constant 128 : i32
    %scan3A_5 = arith.addi %scan3A_3, %scan3A_4 : i32
    %scan3A_6 = arith.constant 1 : i32
    %scan3A_7 = scf.for %scan3A_50 = %scan3A_3 to %scan3A_5 step %scan3A_6 iter_args(%scan3A_51 = %scan3A) -> (i32)  : i32 {
      %swap3A = arith.index_cast %scan3A_50 : i32 to index
      %swap3A_52 = arith.constant 0 : index
      %swap3A_53 = tpu.vector_load %arg10[%swap3A, %swap3A_52] {strides = array<i32>} : memref<128x64xf32, #tpu.memory_space<vmem>>, vector<1x16xf32>,
      %swap3A_54 = vector.shape_cast %swap3A_53 : vector<1x16xf32> to vector<16xf32>
      %swap3A_55 = vector.shape_cast %broadcast_in_dim3A_0 : vector<16xf32> to vector<1x16xf32>
      tpu.vector_store %arg10[%swap3A, %swap3A_52], %swap3A_55 {strides = array<i32>} : memref<128x64xf32, #tpu.memory_space<vmem>>, vector<1x16xf32>,
      %swap3A_56 = arith.index_cast %scan3A_50 : i32 to index
      %swap3A_57 = arith.constant 16 : index
      %swap3A_58 = tpu.vector_load %arg10[%swap3A_56, %swap3A_57] {strides = array<i32>} : memref<128x64xf32, #tpu.memory_space<vmem>>, vector<1x16xf32>,
      %swap3A_59 = vector.shape_cast %swap3A_58 : vector<1x16xf32> to vector<16xf32>
      %swap3A_60 = vector.shape_cast %broadcast_in_dim3A_0 : vector<16xf32> to vector<1x16xf32>
      tpu.vector_store %arg10[%swap3A_56, %swap3A_57], %swap3A_60 {strides = array<i32>} : memref<128x64xf32, #tpu.memory_space<vmem>>, vector<1x16xf32>,
      %swap3A_61 = arith.index_cast %scan3A_50 : i32 to index
      %swap3A_62 = arith.constant 32 : index
      %swap3A_63 = tpu.vector_load %arg10[%swap3A_61, %swap3A_62] {strides = array<i32>} : memref<128x64xf32, #tpu.memory_space<vmem>>, vector<1x16xf32>,
      %swap3A_64 = vector.shape_cast %swap3A_63 : vector<1x16xf32> to vector<16xf32>
      %swap3A_65 = vector.shape_cast %broadcast_in_dim3A_0 : vector<16xf32> to vector<1x16xf32>
      tpu.vector_store %arg10[%swap3A_61, %swap3A_62], %swap3A_65 {strides = array<i32>} : memref<128x64xf32, #tpu.memory_space<vmem>>, vector<1x16xf32>,
      %swap3A_66 = arith.index_cast %scan3A_50 : i32 to index
      %swap3A_67 = arith.constant 48 : index
      %swap3A_68 = tpu.vector_load %arg10[%swap3A_66, %swap3A_67] {strides = array<i32>} : memref<128x64xf32, #tpu.memory_space<vmem>>, vector<1x16xf32>,
      %swap3A_69 = vector.shape_cast %swap3A_68 : vector<1x16xf32> to vector<16xf32>
      %swap3A_70 = vector.shape_cast %broadcast_in_dim3A_0 : vector<16xf32> to vector<1x16xf32>
      tpu.vector_store %arg10[%swap3A_66, %swap3A_67], %swap3A_70 {strides = array<i32>} : memref<128x64xf32, #tpu.memory_space<vmem>>, vector<1x16xf32>,
      %swap3A_71 = arith.index_cast %scan3A_50 : i32 to index
      %swap3A_72 = arith.constant 0 : index
      %swap3A_73 = tpu.vector_load %arg12[%swap3A_71, %swap3A_72] {strides = array<i32>} : memref<128x16xf32, #tpu.memory_space<vmem>>, vector<1x16xf32>,
      %swap3A_74 = vector.shape_cast %swap3A_73 : vector<1x16xf32> to vector<16xf32>
      %swap3A_75 = vector.shape_cast %broadcast_in_dim3A_0 : vector<16xf32> to vector<1x16xf32>
      tpu.vector_store %arg12[%swap3A_71, %swap3A_72], %swap3A_75 {strides = array<i32>} : memref<128x16xf32, #tpu.memory_space<vmem>>, vector<1x16xf32>,
      %scan3A_76 = arith.constant 0 : i32
      scf.yield %scan3A_76 : i32
    }
    %scan3A_8 = arith.constant 128 : i32
    %mul3A = arith.constant 640 : i32
    %mul3A_9 = arith.muli %arg1, %mul3A : i32
    %add3A = arith.constant 0 : i32
    %add3A_10 = arith.addi %mul3A_9, %add3A : i32
    "tpu.region"() ({
      %run_scoped3A = tpu.sem_alloc : memref<!tpu.dma_semaphore, #tpu.memory_space<semaphore_mem>>
      %dma_start3A = arith.constant 0 : i32
      %dma_start3A_50 = tpu.memref_slice %arg13[%add3A_10, %dma_start3A] : memref<10240x64xf32, #tpu.memory_space<vmem_shared>> -> memref<128x64xf32, #tpu.memory_space<vmem_shared>>
      %dma_start3A_51 = arith.constant 0 : i32
      %dma_start3A_52 = tpu.memref_slice %arg13[%add3A_10, %dma_start3A_51] : memref<10240x64xf32, #tpu.memory_space<vmem_shared>> -> memref<128x64xf32, #tpu.memory_space<vmem_shared>>
      tpu.enqueue_dma source(%arg10 : memref<128x64xf32, #tpu.memory_space<vmem>>) target(%dma_start3A_52 : memref<128x64xf32, #tpu.memory_space<vmem_shared>>) target_semaphore(%run_scoped3A : memref<!tpu.dma_semaphore, #tpu.memory_space<semaphore_mem>>)
      %dma_wait3A = arith.constant 0 : i32
      %dma_wait3A_53 = tpu.memref_slice %arg13[%add3A_10, %dma_wait3A] : memref<10240x64xf32, #tpu.memory_space<vmem_shared>> -> memref<128x64xf32, #tpu.memory_space<vmem_shared>>
      %dma_wait3A_54 = arith.constant 0 : i32
      %dma_wait3A_55 = tpu.memref_slice %arg13[%add3A_10, %dma_wait3A_54] : memref<10240x64xf32, #tpu.memory_space<vmem_shared>> -> memref<128x64xf32, #tpu.memory_space<vmem_shared>>
      tpu.wait_dma2 semaphore(%run_scoped3A : memref<!tpu.dma_semaphore, #tpu.memory_space<semaphore_mem>>) src(%arg10 : memref<128x64xf32, #tpu.memory_space<vmem>>) dst(%dma_wait3A_55 : memref<128x64xf32, #tpu.memory_space<vmem_shared>>)
      tpu.yield
    }) : () -> ()
    %add3A_11 = arith.constant 0 : i32
    %add3A_12 = arith.addi %mul3A_9, %add3A_11 : i32
    "tpu.region"() ({
      %run_scoped3A = tpu.sem_alloc : memref<!tpu.dma_semaphore, #tpu.memory_space<semaphore_mem>>
      %dma_start3A = arith.constant 0 : i32
      %dma_start3A_50 = tpu.memref_slice %arg14[%add3A_12, %dma_start3A] : memref<10240x16xf32, #tpu.memory_space<vmem_shared>> -> memref<128x16xf32, #tpu.memory_space<vmem_shared>>
      %dma_start3A_51 = arith.constant 0 : i32
      %dma_start3A_52 = tpu.memref_slice %arg14[%add3A_12, %dma_start3A_51] : memref<10240x16xf32, #tpu.memory_space<vmem_shared>> -> memref<128x16xf32, #tpu.memory_space<vmem_shared>>
      tpu.enqueue_dma source(%arg12 : memref<128x16xf32, #tpu.memory_space<vmem>>) target(%dma_start3A_52 : memref<128x16xf32, #tpu.memory_space<vmem_shared>>) target_semaphore(%run_scoped3A : memref<!tpu.dma_semaphore, #tpu.memory_space<semaphore_mem>>)
      %dma_wait3A = arith.constant 0 : i32
      %dma_wait3A_53 = tpu.memref_slice %arg14[%add3A_12, %dma_wait3A] : memref<10240x16xf32, #tpu.memory_space<vmem_shared>> -> memref<128x16xf32, #tpu.memory_space<vmem_shared>>
      %dma_wait3A_54 = arith.constant 0 : i32
      %dma_wait3A_55 = tpu.memref_slice %arg14[%add3A_12, %dma_wait3A_54] : memref<10240x16xf32, #tpu.memory_space<vmem_shared>> -> memref<128x16xf32, #tpu.memory_space<vmem_shared>>
      tpu.wait_dma2 semaphore(%run_scoped3A : memref<!tpu.dma_semaphore, #tpu.memory_space<semaphore_mem>>) src(%arg12 : memref<128x16xf32, #tpu.memory_space<vmem>>) dst(%dma_wait3A_55 : memref<128x16xf32, #tpu.memory_space<vmem_shared>>)
      tpu.yield
    }) : () -> ()
    %add3A_13 = arith.constant 128 : i32
    %add3A_14 = arith.addi %mul3A_9, %add3A_13 : i32
    "tpu.region"() ({
      %run_scoped3A = tpu.sem_alloc : memref<!tpu.dma_semaphore, #tpu.memory_space<semaphore_mem>>
      %dma_start3A = arith.constant 0 : i32
      %dma_start3A_50 = tpu.memref_slice %arg13[%add3A_14, %dma_start3A] : memref<10240x64xf32, #tpu.memory_space<vmem_shared>> -> memref<128x64xf32, #tpu.memory_space<vmem_shared>>
      %dma_start3A_51 = arith.constant 0 : i32
      %dma_start3A_52 = tpu.memref_slice %arg13[%add3A_14, %dma_start3A_51] : memref<10240x64xf32, #tpu.memory_space<vmem_shared>> -> memref<128x64xf32, #tpu.memory_space<vmem_shared>>
      tpu.enqueue_dma source(%arg10 : memref<128x64xf32, #tpu.memory_space<vmem>>) target(%dma_start3A_52 : memref<128x64xf32, #tpu.memory_space<vmem_shared>>) target_semaphore(%run_scoped3A : memref<!tpu.dma_semaphore, #tpu.memory_space<semaphore_mem>>)
      %dma_wait3A = arith.constant 0 : i32
      %dma_wait3A_53 = tpu.memref_slice %arg13[%add3A_14, %dma_wait3A] : memref<10240x64xf32, #tpu.memory_space<vmem_shared>> -> memref<128x64xf32, #tpu.memory_space<vmem_shared>>
      %dma_wait3A_54 = arith.constant 0 : i32
      %dma_wait3A_55 = tpu.memref_slice %arg13[%add3A_14, %dma_wait3A_54] : memref<10240x64xf32, #tpu.memory_space<vmem_shared>> -> memref<128x64xf32, #tpu.memory_space<vmem_shared>>
      tpu.wait_dma2 semaphore(%run_scoped3A : memref<!tpu.dma_semaphore, #tpu.memory_space<semaphore_mem>>) src(%arg10 : memref<128x64xf32, #tpu.memory_space<vmem>>) dst(%dma_wait3A_55 : memref<128x64xf32, #tpu.memory_space<vmem_shared>>)
      tpu.yield
    }) : () -> ()
    %add3A_15 = arith.constant 128 : i32
    %add3A_16 = arith.addi %mul3A_9, %add3A_15 : i32
    "tpu.region"() ({
      %run_scoped3A = tpu.sem_alloc : memref<!tpu.dma_semaphore, #tpu.memory_space<semaphore_mem>>
      %dma_start3A = arith.constant 0 : i32
      %dma_start3A_50 = tpu.memref_slice %arg14[%add3A_16, %dma_start3A] : memref<10240x16xf32, #tpu.memory_space<vmem_shared>> -> memref<128x16xf32, #tpu.memory_space<vmem_shared>>
      %dma_start3A_51 = arith.constant 0 : i32
      %dma_start3A_52 = tpu.memref_slice %arg14[%add3A_16, %dma_start3A_51] : memref<10240x16xf32, #tpu.memory_space<vmem_shared>> -> memref<128x16xf32, #tpu.memory_space<vmem_shared>>
      tpu.enqueue_dma source(%arg12 : memref<128x16xf32, #tpu.memory_space<vmem>>) target(%dma_start3A_52 : memref<128x16xf32, #tpu.memory_space<vmem_shared>>) target_semaphore(%run_scoped3A : memref<!tpu.dma_semaphore, #tpu.memory_space<semaphore_mem>>)
      %dma_wait3A = arith.constant 0 : i32
      %dma_wait3A_53 = tpu.memref_slice %arg14[%add3A_16, %dma_wait3A] : memref<10240x16xf32, #tpu.memory_space<vmem_shared>> -> memref<128x16xf32, #tpu.memory_space<vmem_shared>>
      %dma_wait3A_54 = arith.constant 0 : i32
      %dma_wait3A_55 = tpu.memref_slice %arg14[%add3A_16, %dma_wait3A_54] : memref<10240x16xf32, #tpu.memory_space<vmem_shared>> -> memref<128x16xf32, #tpu.memory_space<vmem_shared>>
      tpu.wait_dma2 semaphore(%run_scoped3A : memref<!tpu.dma_semaphore, #tpu.memory_space<semaphore_mem>>) src(%arg12 : memref<128x16xf32, #tpu.memory_space<vmem>>) dst(%dma_wait3A_55 : memref<128x16xf32, #tpu.memory_space<vmem_shared>>)
      tpu.yield
    }) : () -> ()
    %add3A_17 = arith.constant 256 : i32
    %add3A_18 = arith.addi %mul3A_9, %add3A_17 : i32
    "tpu.region"() ({
      %run_scoped3A = tpu.sem_alloc : memref<!tpu.dma_semaphore, #tpu.memory_space<semaphore_mem>>
      %dma_start3A = arith.constant 0 : i32
      %dma_start3A_50 = tpu.memref_slice %arg13[%add3A_18, %dma_start3A] : memref<10240x64xf32, #tpu.memory_space<vmem_shared>> -> memref<128x64xf32, #tpu.memory_space<vmem_shared>>
      %dma_start3A_51 = arith.constant 0 : i32
      %dma_start3A_52 = tpu.memref_slice %arg13[%add3A_18, %dma_start3A_51] : memref<10240x64xf32, #tpu.memory_space<vmem_shared>> -> memref<128x64xf32, #tpu.memory_space<vmem_shared>>
      tpu.enqueue_dma source(%arg10 : memref<128x64xf32, #tpu.memory_space<vmem>>) target(%dma_start3A_52 : memref<128x64xf32, #tpu.memory_space<vmem_shared>>) target_semaphore(%run_scoped3A : memref<!tpu.dma_semaphore, #tpu.memory_space<semaphore_mem>>)
      %dma_wait3A = arith.constant 0 : i32
      %dma_wait3A_53 = tpu.memref_slice %arg13[%add3A_18, %dma_wait3A] : memref<10240x64xf32, #tpu.memory_space<vmem_shared>> -> memref<128x64xf32, #tpu.memory_space<vmem_shared>>
      %dma_wait3A_54 = arith.constant 0 : i32
      %dma_wait3A_55 = tpu.memref_slice %arg13[%add3A_18, %dma_wait3A_54] : memref<10240x64xf32, #tpu.memory_space<vmem_shared>> -> memref<128x64xf32, #tpu.memory_space<vmem_shared>>
      tpu.wait_dma2 semaphore(%run_scoped3A : memref<!tpu.dma_semaphore, #tpu.memory_space<semaphore_mem>>) src(%arg10 : memref<128x64xf32, #tpu.memory_space<vmem>>) dst(%dma_wait3A_55 : memref<128x64xf32, #tpu.memory_space<vmem_shared>>)
      tpu.yield
    }) : () -> ()
    %add3A_19 = arith.constant 256 : i32
    %add3A_20 = arith.addi %mul3A_9, %add3A_19 : i32
    "tpu.region"() ({
      %run_scoped3A = tpu.sem_alloc : memref<!tpu.dma_semaphore, #tpu.memory_space<semaphore_mem>>
      %dma_start3A = arith.constant 0 : i32
      %dma_start3A_50 = tpu.memref_slice %arg14[%add3A_20, %dma_start3A] : memref<10240x16xf32, #tpu.memory_space<vmem_shared>> -> memref<128x16xf32, #tpu.memory_space<vmem_shared>>
      %dma_start3A_51 = arith.constant 0 : i32
      %dma_start3A_52 = tpu.memref_slice %arg14[%add3A_20, %dma_start3A_51] : memref<10240x16xf32, #tpu.memory_space<vmem_shared>> -> memref<128x16xf32, #tpu.memory_space<vmem_shared>>
      tpu.enqueue_dma source(%arg12 : memref<128x16xf32, #tpu.memory_space<vmem>>) target(%dma_start3A_52 : memref<128x16xf32, #tpu.memory_space<vmem_shared>>) target_semaphore(%run_scoped3A : memref<!tpu.dma_semaphore, #tpu.memory_space<semaphore_mem>>)
      %dma_wait3A = arith.constant 0 : i32
      %dma_wait3A_53 = tpu.memref_slice %arg14[%add3A_20, %dma_wait3A] : memref<10240x16xf32, #tpu.memory_space<vmem_shared>> -> memref<128x16xf32, #tpu.memory_space<vmem_shared>>
      %dma_wait3A_54 = arith.constant 0 : i32
      %dma_wait3A_55 = tpu.memref_slice %arg14[%add3A_20, %dma_wait3A_54] : memref<10240x16xf32, #tpu.memory_space<vmem_shared>> -> memref<128x16xf32, #tpu.memory_space<vmem_shared>>
      tpu.wait_dma2 semaphore(%run_scoped3A : memref<!tpu.dma_semaphore, #tpu.memory_space<semaphore_mem>>) src(%arg12 : memref<128x16xf32, #tpu.memory_space<vmem>>) dst(%dma_wait3A_55 : memref<128x16xf32, #tpu.memory_space<vmem_shared>>)
      tpu.yield
    }) : () -> ()
    %add3A_21 = arith.constant 384 : i32
    %add3A_22 = arith.addi %mul3A_9, %add3A_21 : i32
    "tpu.region"() ({
      %run_scoped3A = tpu.sem_alloc : memref<!tpu.dma_semaphore, #tpu.memory_space<semaphore_mem>>
      %dma_start3A = arith.constant 0 : i32
      %dma_start3A_50 = tpu.memref_slice %arg13[%add3A_22, %dma_start3A] : memref<10240x64xf32, #tpu.memory_space<vmem_shared>> -> memref<128x64xf32, #tpu.memory_space<vmem_shared>>
      %dma_start3A_51 = arith.constant 0 : i32
      %dma_start3A_52 = tpu.memref_slice %arg13[%add3A_22, %dma_start3A_51] : memref<10240x64xf32, #tpu.memory_space<vmem_shared>> -> memref<128x64xf32, #tpu.memory_space<vmem_shared>>
      tpu.enqueue_dma source(%arg10 : memref<128x64xf32, #tpu.memory_space<vmem>>) target(%dma_start3A_52 : memref<128x64xf32, #tpu.memory_space<vmem_shared>>) target_semaphore(%run_scoped3A : memref<!tpu.dma_semaphore, #tpu.memory_space<semaphore_mem>>)
      %dma_wait3A = arith.constant 0 : i32
      %dma_wait3A_53 = tpu.memref_slice %arg13[%add3A_22, %dma_wait3A] : memref<10240x64xf32, #tpu.memory_space<vmem_shared>> -> memref<128x64xf32, #tpu.memory_space<vmem_shared>>
      %dma_wait3A_54 = arith.constant 0 : i32
      %dma_wait3A_55 = tpu.memref_slice %arg13[%add3A_22, %dma_wait3A_54] : memref<10240x64xf32, #tpu.memory_space<vmem_shared>> -> memref<128x64xf32, #tpu.memory_space<vmem_shared>>
      tpu.wait_dma2 semaphore(%run_scoped3A : memref<!tpu.dma_semaphore, #tpu.memory_space<semaphore_mem>>) src(%arg10 : memref<128x64xf32, #tpu.memory_space<vmem>>) dst(%dma_wait3A_55 : memref<128x64xf32, #tpu.memory_space<vmem_shared>>)
      tpu.yield
    }) : () -> ()
    %add3A_23 = arith.constant 384 : i32
    %add3A_24 = arith.addi %mul3A_9, %add3A_23 : i32
    "tpu.region"() ({
      %run_scoped3A = tpu.sem_alloc : memref<!tpu.dma_semaphore, #tpu.memory_space<semaphore_mem>>
      %dma_start3A = arith.constant 0 : i32
      %dma_start3A_50 = tpu.memref_slice %arg14[%add3A_24, %dma_start3A] : memref<10240x16xf32, #tpu.memory_space<vmem_shared>> -> memref<128x16xf32, #tpu.memory_space<vmem_shared>>
      %dma_start3A_51 = arith.constant 0 : i32
      %dma_start3A_52 = tpu.memref_slice %arg14[%add3A_24, %dma_start3A_51] : memref<10240x16xf32, #tpu.memory_space<vmem_shared>> -> memref<128x16xf32, #tpu.memory_space<vmem_shared>>
      tpu.enqueue_dma source(%arg12 : memref<128x16xf32, #tpu.memory_space<vmem>>) target(%dma_start3A_52 : memref<128x16xf32, #tpu.memory_space<vmem_shared>>) target_semaphore(%run_scoped3A : memref<!tpu.dma_semaphore, #tpu.memory_space<semaphore_mem>>)
      %dma_wait3A = arith.constant 0 : i32
      %dma_wait3A_53 = tpu.memref_slice %arg14[%add3A_24, %dma_wait3A] : memref<10240x16xf32, #tpu.memory_space<vmem_shared>> -> memref<128x16xf32, #tpu.memory_space<vmem_shared>>
      %dma_wait3A_54 = arith.constant 0 : i32
      %dma_wait3A_55 = tpu.memref_slice %arg14[%add3A_24, %dma_wait3A_54] : memref<10240x16xf32, #tpu.memory_space<vmem_shared>> -> memref<128x16xf32, #tpu.memory_space<vmem_shared>>
      tpu.wait_dma2 semaphore(%run_scoped3A : memref<!tpu.dma_semaphore, #tpu.memory_space<semaphore_mem>>) src(%arg12 : memref<128x16xf32, #tpu.memory_space<vmem>>) dst(%dma_wait3A_55 : memref<128x16xf32, #tpu.memory_space<vmem_shared>>)
      tpu.yield
    }) : () -> ()
    %add3A_25 = arith.constant 512 : i32
    %add3A_26 = arith.addi %mul3A_9, %add3A_25 : i32
    "tpu.region"() ({
      %run_scoped3A = tpu.sem_alloc : memref<!tpu.dma_semaphore, #tpu.memory_space<semaphore_mem>>
      %dma_start3A = arith.constant 0 : i32
      %dma_start3A_50 = tpu.memref_slice %arg13[%add3A_26, %dma_start3A] : memref<10240x64xf32, #tpu.memory_space<vmem_shared>> -> memref<128x64xf32, #tpu.memory_space<vmem_shared>>
      %dma_start3A_51 = arith.constant 0 : i32
      %dma_start3A_52 = tpu.memref_slice %arg13[%add3A_26, %dma_start3A_51] : memref<10240x64xf32, #tpu.memory_space<vmem_shared>> -> memref<128x64xf32, #tpu.memory_space<vmem_shared>>
      tpu.enqueue_dma source(%arg10 : memref<128x64xf32, #tpu.memory_space<vmem>>) target(%dma_start3A_52 : memref<128x64xf32, #tpu.memory_space<vmem_shared>>) target_semaphore(%run_scoped3A : memref<!tpu.dma_semaphore, #tpu.memory_space<semaphore_mem>>)
      %dma_wait3A = arith.constant 0 : i32
      %dma_wait3A_53 = tpu.memref_slice %arg13[%add3A_26, %dma_wait3A] : memref<10240x64xf32, #tpu.memory_space<vmem_shared>> -> memref<128x64xf32, #tpu.memory_space<vmem_shared>>
      %dma_wait3A_54 = arith.constant 0 : i32
      %dma_wait3A_55 = tpu.memref_slice %arg13[%add3A_26, %dma_wait3A_54] : memref<10240x64xf32, #tpu.memory_space<vmem_shared>> -> memref<128x64xf32, #tpu.memory_space<vmem_shared>>
      tpu.wait_dma2 semaphore(%run_scoped3A : memref<!tpu.dma_semaphore, #tpu.memory_space<semaphore_mem>>) src(%arg10 : memref<128x64xf32, #tpu.memory_space<vmem>>) dst(%dma_wait3A_55 : memref<128x64xf32, #tpu.memory_space<vmem_shared>>)
      tpu.yield
    }) : () -> ()
    %add3A_27 = arith.constant 512 : i32
    %add3A_28 = arith.addi %mul3A_9, %add3A_27 : i32
    "tpu.region"() ({
      %run_scoped3A = tpu.sem_alloc : memref<!tpu.dma_semaphore, #tpu.memory_space<semaphore_mem>>
      %dma_start3A = arith.constant 0 : i32
      %dma_start3A_50 = tpu.memref_slice %arg14[%add3A_28, %dma_start3A] : memref<10240x16xf32, #tpu.memory_space<vmem_shared>> -> memref<128x16xf32, #tpu.memory_space<vmem_shared>>
      %dma_start3A_51 = arith.constant 0 : i32
      %dma_start3A_52 = tpu.memref_slice %arg14[%add3A_28, %dma_start3A_51] : memref<10240x16xf32, #tpu.memory_space<vmem_shared>> -> memref<128x16xf32, #tpu.memory_space<vmem_shared>>
      tpu.enqueue_dma source(%arg12 : memref<128x16xf32, #tpu.memory_space<vmem>>) target(%dma_start3A_52 : memref<128x16xf32, #tpu.memory_space<vmem_shared>>) target_semaphore(%run_scoped3A : memref<!tpu.dma_semaphore, #tpu.memory_space<semaphore_mem>>)
      %dma_wait3A = arith.constant 0 : i32
      %dma_wait3A_53 = tpu.memref_slice %arg14[%add3A_28, %dma_wait3A] : memref<10240x16xf32, #tpu.memory_space<vmem_shared>> -> memref<128x16xf32, #tpu.memory_space<vmem_shared>>
      %dma_wait3A_54 = arith.constant 0 : i32
      %dma_wait3A_55 = tpu.memref_slice %arg14[%add3A_28, %dma_wait3A_54] : memref<10240x16xf32, #tpu.memory_space<vmem_shared>> -> memref<128x16xf32, #tpu.memory_space<vmem_shared>>
      tpu.wait_dma2 semaphore(%run_scoped3A : memref<!tpu.dma_semaphore, #tpu.memory_space<semaphore_mem>>) src(%arg12 : memref<128x16xf32, #tpu.memory_space<vmem>>) dst(%dma_wait3A_55 : memref<128x16xf32, #tpu.memory_space<vmem_shared>>)
      tpu.yield
    }) : () -> ()
    %scan3A_29 = arith.constant 0 : i32
    %scan3A_30 = arith.constant 0 : i32
    %scan3A_31 = arith.constant 128 : i32
    %scan3A_32 = arith.addi %scan3A_30, %scan3A_31 : i32
    %scan3A_33 = arith.constant 1 : i32
    %scan3A_34 = scf.for %scan3A_50 = %scan3A_30 to %scan3A_32 step %scan3A_33 iter_args(%scan3A_51 = %scan3A_29) -> (i32)  : i32 {
      %swap3A = arith.index_cast %scan3A_50 : i32 to index
      %swap3A_52 = arith.constant 0 : index
      %swap3A_53 = tpu.vector_load %arg12[%swap3A, %swap3A_52] {strides = array<i32>} : memref<128x16xf32, #tpu.memory_space<vmem>>, vector<1x16xf32>,
      %swap3A_54 = vector.shape_cast %swap3A_53 : vector<1x16xf32> to vector<16xf32>
      %swap3A_55 = vector.shape_cast %broadcast_in_dim3A_2 : vector<16xf32> to vector<1x16xf32>
      tpu.vector_store %arg12[%swap3A, %swap3A_52], %swap3A_55 {strides = array<i32>} : memref<128x16xf32, #tpu.memory_space<vmem>>, vector<1x16xf32>,
      %scan3A_56 = arith.constant 0 : i32
      scf.yield %scan3A_56 : i32
    }
    %scan3A_35 = arith.constant 128 : i32
    %barrier3A = arith.constant 0 : index
    tpu.barrier barrier_id(%barrier3A)
    "tpu.region"() ({
      %run_scoped3A = tpu.sem_alloc : memref<!tpu.dma_semaphore, #tpu.memory_space<semaphore_mem>>
      %dma_start3A = arith.constant 0 : i32
      %dma_start3A_50 = arith.constant 0 : i32
      %dma_start3A_51 = tpu.memref_slice %arg4[%arg1, %dma_start3A, %dma_start3A_50] : memref<16x158x128xi32, #tpu.memory_space<hbm>> -> memref<1x158x128xi32, #tpu.memory_space<hbm>>
      %dma_start3A_52 = tpu.memref_squeeze %dma_start3A_51 : memref<1x158x128xi32, #tpu.memory_space<hbm>> -> memref<158x128xi32, #tpu.memory_space<hbm>>
      %dma_start3A_53 = arith.constant 0 : i32
      %dma_start3A_54 = arith.constant 0 : i32
      %dma_start3A_55 = tpu.memref_slice %arg4[%arg1, %dma_start3A_53, %dma_start3A_54] : memref<16x158x128xi32, #tpu.memory_space<hbm>> -> memref<1x158x128xi32, #tpu.memory_space<hbm>>
      %dma_start3A_56 = tpu.memref_squeeze %dma_start3A_55 : memref<1x158x128xi32, #tpu.memory_space<hbm>> -> memref<158x128xi32, #tpu.memory_space<hbm>>
      tpu.enqueue_dma source(%dma_start3A_56 : memref<158x128xi32, #tpu.memory_space<hbm>>) target(%arg8 : memref<158x128xi32, #tpu.memory_space<vmem>>) target_semaphore(%run_scoped3A : memref<!tpu.dma_semaphore, #tpu.memory_space<semaphore_mem>>)
      %dma_wait3A = arith.constant 0 : i32
      %dma_wait3A_57 = arith.constant 0 : i32
      %dma_wait3A_58 = tpu.memref_slice %arg4[%arg1, %dma_wait3A, %dma_wait3A_57] : memref<16x158x128xi32, #tpu.memory_space<hbm>> -> memref<1x158x128xi32, #tpu.memory_space<hbm>>
      %dma_wait3A_59 = tpu.memref_squeeze %dma_wait3A_58 : memref<1x158x128xi32, #tpu.memory_space<hbm>> -> memref<158x128xi32, #tpu.memory_space<hbm>>
      %dma_wait3A_60 = arith.constant 0 : i32
      %dma_wait3A_61 = arith.constant 0 : i32
      %dma_wait3A_62 = tpu.memref_slice %arg4[%arg1, %dma_wait3A_60, %dma_wait3A_61] : memref<16x158x128xi32, #tpu.memory_space<hbm>> -> memref<1x158x128xi32, #tpu.memory_space<hbm>>
      %dma_wait3A_63 = tpu.memref_squeeze %dma_wait3A_62 : memref<1x158x128xi32, #tpu.memory_space<hbm>> -> memref<158x128xi32, #tpu.memory_space<hbm>>
      tpu.wait_dma2 semaphore(%run_scoped3A : memref<!tpu.dma_semaphore, #tpu.memory_space<semaphore_mem>>) src(%dma_wait3A_63 : memref<158x128xi32, #tpu.memory_space<hbm>>) dst(%arg8 : memref<158x128xi32, #tpu.memory_space<vmem>>)
      tpu.yield
    }) : () -> ()
    "tpu.region"() ({
      %run_scoped3A = tpu.sem_alloc : memref<!tpu.dma_semaphore, #tpu.memory_space<semaphore_mem>>
      %dma_start3A = arith.constant 0 : i32
      %dma_start3A_50 = arith.constant 0 : i32
      %dma_start3A_51 = tpu.memref_slice %arg5[%arg1, %dma_start3A, %dma_start3A_50] : memref<16x158x128xi32, #tpu.memory_space<hbm>> -> memref<1x158x128xi32, #tpu.memory_space<hbm>>
      %dma_start3A_52 = tpu.memref_squeeze %dma_start3A_51 : memref<1x158x128xi32, #tpu.memory_space<hbm>> -> memref<158x128xi32, #tpu.memory_space<hbm>>
      %dma_start3A_53 = arith.constant 0 : i32
      %dma_start3A_54 = arith.constant 0 : i32
      %dma_start3A_55 = tpu.memref_slice %arg5[%arg1, %dma_start3A_53, %dma_start3A_54] : memref<16x158x128xi32, #tpu.memory_space<hbm>> -> memref<1x158x128xi32, #tpu.memory_space<hbm>>
      %dma_start3A_56 = tpu.memref_squeeze %dma_start3A_55 : memref<1x158x128xi32, #tpu.memory_space<hbm>> -> memref<158x128xi32, #tpu.memory_space<hbm>>
      tpu.enqueue_dma source(%dma_start3A_56 : memref<158x128xi32, #tpu.memory_space<hbm>>) target(%arg9 : memref<158x128xi32, #tpu.memory_space<vmem>>) target_semaphore(%run_scoped3A : memref<!tpu.dma_semaphore, #tpu.memory_space<semaphore_mem>>)
      %dma_wait3A = arith.constant 0 : i32
      %dma_wait3A_57 = arith.constant 0 : i32
      %dma_wait3A_58 = tpu.memref_slice %arg5[%arg1, %dma_wait3A, %dma_wait3A_57] : memref<16x158x128xi32, #tpu.memory_space<hbm>> -> memref<1x158x128xi32, #tpu.memory_space<hbm>>
      %dma_wait3A_59 = tpu.memref_squeeze %dma_wait3A_58 : memref<1x158x128xi32, #tpu.memory_space<hbm>> -> memref<158x128xi32, #tpu.memory_space<hbm>>
      %dma_wait3A_60 = arith.constant 0 : i32
      %dma_wait3A_61 = arith.constant 0 : i32
      %dma_wait3A_62 = tpu.memref_slice %arg5[%arg1, %dma_wait3A_60, %dma_wait3A_61] : memref<16x158x128xi32, #tpu.memory_space<hbm>> -> memref<1x158x128xi32, #tpu.memory_space<hbm>>
      %dma_wait3A_63 = tpu.memref_squeeze %dma_wait3A_62 : memref<1x158x128xi32, #tpu.memory_space<hbm>> -> memref<158x128xi32, #tpu.memory_space<hbm>>
      tpu.wait_dma2 semaphore(%run_scoped3A : memref<!tpu.dma_semaphore, #tpu.memory_space<semaphore_mem>>) src(%dma_wait3A_63 : memref<158x128xi32, #tpu.memory_space<hbm>>) dst(%arg9 : memref<158x128xi32, #tpu.memory_space<vmem>>)
      tpu.yield
    }) : () -> ()
    %eq3A = arith.constant 0 : i32
    %eq3A_36 = arith.cmpi eq, %arg0, %eq3A : i32
    %convert_element_type3A = arith.extui %eq3A_36 : i1 to i32
    %cond3A = arith.constant 0 : i32
    %cond3A_37 = arith.cmpi ne, %convert_element_type3A, %cond3A : i32
    scf.if %cond3A_37 {
      %dma_start3A = arith.constant 0 : i32
      %dma_start3A_50 = arith.constant 0 : i32
      %dma_start3A_51 = tpu.memref_slice %arg8[%dma_start3A, %dma_start3A_50] : memref<158x128xi32, #tpu.memory_space<vmem>> -> memref<1x128xi32, #tpu.memory_space<vmem>>
      %dma_start3A_52 = tpu.memref_squeeze %dma_start3A_51 : memref<1x128xi32, #tpu.memory_space<vmem>> -> memref<128xi32, #tpu.memory_space<vmem>>
      %dma_start3A_53 = arith.constant 0 : i32
      %dma_start3A_54 = arith.constant 0 : i32
      %dma_start3A_55 = tpu.memref_slice %arg2[%dma_start3A_53, %dma_start3A_54] : memref<10000x64xf32, #tpu.memory_space<hbm>> -> memref<10000x64xf32, #tpu.memory_space<hbm>>
      tpu.enqueue_indirect_dma source(%dma_start3A_55 : memref<10000x64xf32, #tpu.memory_space<hbm>>) target(%arg10 : memref<128x64xf32, #tpu.memory_space<vmem>>) offsets(%dma_start3A_52 : memref<128xi32, #tpu.memory_space<vmem>>) semaphore(%arg15 : memref<!tpu.dma_semaphore, #tpu.memory_space<semaphore_mem>>)
      %scan3A_56 = arith.constant 0 : i32
      %scan3A_57 = arith.constant 0 : i32
      %scan3A_58 = arith.constant 79 : i32
      %scan3A_59 = arith.addi %scan3A_57, %scan3A_58 : i32
      %scan3A_60 = arith.constant 1 : i32
      %scan3A_61 = scf.for %scan3A_63 = %scan3A_57 to %scan3A_59 step %scan3A_60 iter_args(%scan3A_64 = %scan3A_56) -> (i32)  : i32 {
        %mul3A_65 = arith.constant 2 : i32
        %mul3A_66 = arith.muli %mul3A_65, %scan3A_63 : i32
        %mul3A_67 = arith.constant 2 : i32
        %mul3A_68 = arith.muli %mul3A_67, %scan3A_63 : i32
        %add3A_69 = arith.constant 1 : i32
        %add3A_70 = arith.addi %mul3A_68, %add3A_69 : i32
        %dma_start3A_71 = arith.constant 0 : i32
        %dma_start3A_72 = tpu.memref_slice %arg8[%add3A_70, %dma_start3A_71] : memref<158x128xi32, #tpu.memory_space<vmem>> -> memref<1x128xi32, #tpu.memory_space<vmem>>
        %dma_start3A_73 = tpu.memref_squeeze %dma_start3A_72 : memref<1x128xi32, #tpu.memory_space<vmem>> -> memref<128xi32, #tpu.memory_space<vmem>>
        %dma_start3A_74 = arith.constant 0 : i32
        %dma_start3A_75 = arith.constant 0 : i32
        %dma_start3A_76 = tpu.memref_slice %arg2[%dma_start3A_74, %dma_start3A_75] : memref<10000x64xf32, #tpu.memory_space<hbm>> -> memref<10000x64xf32, #tpu.memory_space<hbm>>
        tpu.enqueue_indirect_dma source(%dma_start3A_76 : memref<10000x64xf32, #tpu.memory_space<hbm>>) target(%arg11 : memref<128x64xf32, #tpu.memory_space<vmem>>) offsets(%dma_start3A_73 : memref<128xi32, #tpu.memory_space<vmem>>) semaphore(%arg16 : memref<!tpu.dma_semaphore, #tpu.memory_space<semaphore_mem>>)
        %dma_wait3A = arith.constant 0 : i32
        %dma_wait3A_77 = tpu.memref_slice %arg8[%mul3A_66, %dma_wait3A] : memref<158x128xi32, #tpu.memory_space<vmem>> -> memref<1x128xi32, #tpu.memory_space<vmem>>
        %dma_wait3A_78 = tpu.memref_squeeze %dma_wait3A_77 : memref<1x128xi32, #tpu.memory_space<vmem>> -> memref<128xi32, #tpu.memory_space<vmem>>
        %dma_wait3A_79 = arith.constant 0 : i32
        %dma_wait3A_80 = arith.constant 0 : i32
        %dma_wait3A_81 = tpu.memref_slice %arg2[%dma_wait3A_79, %dma_wait3A_80] : memref<10000x64xf32, #tpu.memory_space<hbm>> -> memref<10000x64xf32, #tpu.memory_space<hbm>>
        tpu.wait_indirect_dma semaphore(%arg15 : memref<!tpu.dma_semaphore, #tpu.memory_space<semaphore_mem>>) src(%dma_wait3A_81 : memref<10000x64xf32, #tpu.memory_space<hbm>>) dst(%arg10 : memref<128x64xf32, #tpu.memory_space<vmem>>)
        "tpu.region"() ({
          %run_scoped3A = tpu.sem_alloc : memref<!tpu.dma_semaphore, #tpu.memory_space<semaphore_mem>>
          %dma_start3A_95 = arith.constant 0 : i32
          %dma_start3A_96 = tpu.memref_slice %arg9[%mul3A_66, %dma_start3A_95] : memref<158x128xi32, #tpu.memory_space<vmem>> -> memref<1x128xi32, #tpu.memory_space<vmem>>
          %dma_start3A_97 = tpu.memref_squeeze %dma_start3A_96 : memref<1x128xi32, #tpu.memory_space<vmem>> -> memref<128xi32, #tpu.memory_space<vmem>>
          %dma_start3A_98 = arith.constant 0 : i32
          %dma_start3A_99 = arith.constant 0 : i32
          %dma_start3A_100 = tpu.memref_slice %arg13[%dma_start3A_98, %dma_start3A_99] : memref<10240x64xf32, #tpu.memory_space<vmem_shared>> -> memref<10240x64xf32, #tpu.memory_space<vmem_shared>>
          tpu.enqueue_indirect_dma source(%arg10 : memref<128x64xf32, #tpu.memory_space<vmem>>) target(%dma_start3A_100 : memref<10240x64xf32, #tpu.memory_space<vmem_shared>>) offsets(%dma_start3A_97 : memref<128xi32, #tpu.memory_space<vmem>>) semaphore(%run_scoped3A : memref<!tpu.dma_semaphore, #tpu.memory_space<semaphore_mem>>) {add = true}
          %dma_wait3A_101 = arith.constant 0 : i32
          %dma_wait3A_102 = tpu.memref_slice %arg9[%mul3A_66, %dma_wait3A_101] : memref<158x128xi32, #tpu.memory_space<vmem>> -> memref<1x128xi32, #tpu.memory_space<vmem>>
          %dma_wait3A_103 = tpu.memref_squeeze %dma_wait3A_102 : memref<1x128xi32, #tpu.memory_space<vmem>> -> memref<128xi32, #tpu.memory_space<vmem>>
          %dma_wait3A_104 = arith.constant 0 : i32
          %dma_wait3A_105 = arith.constant 0 : i32
          %dma_wait3A_106 = tpu.memref_slice %arg13[%dma_wait3A_104, %dma_wait3A_105] : memref<10240x64xf32, #tpu.memory_space<vmem_shared>> -> memref<10240x64xf32, #tpu.memory_space<vmem_shared>>
          tpu.wait_indirect_dma semaphore(%run_scoped3A : memref<!tpu.dma_semaphore, #tpu.memory_space<semaphore_mem>>) src(%arg10 : memref<128x64xf32, #tpu.memory_space<vmem>>) dst(%dma_wait3A_106 : memref<10240x64xf32, #tpu.memory_space<vmem_shared>>)
          tpu.yield
        }) : () -> ()
        "tpu.region"() ({
          %run_scoped3A = tpu.sem_alloc : memref<!tpu.dma_semaphore, #tpu.memory_space<semaphore_mem>>
          %dma_start3A_95 = arith.constant 0 : i32
          %dma_start3A_96 = tpu.memref_slice %arg9[%mul3A_66, %dma_start3A_95] : memref<158x128xi32, #tpu.memory_space<vmem>> -> memref<1x128xi32, #tpu.memory_space<vmem>>
          %dma_start3A_97 = tpu.memref_squeeze %dma_start3A_96 : memref<1x128xi32, #tpu.memory_space<vmem>> -> memref<128xi32, #tpu.memory_space<vmem>>
          %dma_start3A_98 = arith.constant 0 : i32
          %dma_start3A_99 = arith.constant 0 : i32
          %dma_start3A_100 = tpu.memref_slice %arg14[%dma_start3A_98, %dma_start3A_99] : memref<10240x16xf32, #tpu.memory_space<vmem_shared>> -> memref<10240x16xf32, #tpu.memory_space<vmem_shared>>
          tpu.enqueue_indirect_dma source(%arg12 : memref<128x16xf32, #tpu.memory_space<vmem>>) target(%dma_start3A_100 : memref<10240x16xf32, #tpu.memory_space<vmem_shared>>) offsets(%dma_start3A_97 : memref<128xi32, #tpu.memory_space<vmem>>) semaphore(%run_scoped3A : memref<!tpu.dma_semaphore, #tpu.memory_space<semaphore_mem>>) {add = true}
          %dma_wait3A_101 = arith.constant 0 : i32
          %dma_wait3A_102 = tpu.memref_slice %arg9[%mul3A_66, %dma_wait3A_101] : memref<158x128xi32, #tpu.memory_space<vmem>> -> memref<1x128xi32, #tpu.memory_space<vmem>>
          %dma_wait3A_103 = tpu.memref_squeeze %dma_wait3A_102 : memref<1x128xi32, #tpu.memory_space<vmem>> -> memref<128xi32, #tpu.memory_space<vmem>>
          %dma_wait3A_104 = arith.constant 0 : i32
          %dma_wait3A_105 = arith.constant 0 : i32
          %dma_wait3A_106 = tpu.memref_slice %arg14[%dma_wait3A_104, %dma_wait3A_105] : memref<10240x16xf32, #tpu.memory_space<vmem_shared>> -> memref<10240x16xf32, #tpu.memory_space<vmem_shared>>
          tpu.wait_indirect_dma semaphore(%run_scoped3A : memref<!tpu.dma_semaphore, #tpu.memory_space<semaphore_mem>>) src(%arg12 : memref<128x16xf32, #tpu.memory_space<vmem>>) dst(%dma_wait3A_106 : memref<10240x16xf32, #tpu.memory_space<vmem_shared>>)
          tpu.yield
        }) : () -> ()
        %add3A_82 = arith.constant 1 : i32
        %add3A_83 = arith.addi %add3A_70, %add3A_82 : i32
        %lt3A = arith.constant 158 : i32
        %lt3A_84 = arith.cmpi slt, %add3A_83, %lt3A : i32
        %convert_element_type3A_85 = arith.extui %lt3A_84 : i1 to i32
        %cond3A_86 = arith.constant 0 : i32
        %cond3A_87 = arith.cmpi ne, %convert_element_type3A_85, %cond3A_86 : i32
        scf.if %cond3A_87 {
          %add3A_95 = arith.constant 1 : i32
          %add3A_96 = arith.addi %add3A_70, %add3A_95 : i32
          %dma_start3A_97 = arith.constant 0 : i32
          %dma_start3A_98 = tpu.memref_slice %arg8[%add3A_96, %dma_start3A_97] : memref<158x128xi32, #tpu.memory_space<vmem>> -> memref<1x128xi32, #tpu.memory_space<vmem>>
          %dma_start3A_99 = tpu.memref_squeeze %dma_start3A_98 : memref<1x128xi32, #tpu.memory_space<vmem>> -> memref<128xi32, #tpu.memory_space<vmem>>
          %dma_start3A_100 = arith.constant 0 : i32
          %dma_start3A_101 = arith.constant 0 : i32
          %dma_start3A_102 = tpu.memref_slice %arg2[%dma_start3A_100, %dma_start3A_101] : memref<10000x64xf32, #tpu.memory_space<hbm>> -> memref<10000x64xf32, #tpu.memory_space<hbm>>
          tpu.enqueue_indirect_dma source(%dma_start3A_102 : memref<10000x64xf32, #tpu.memory_space<hbm>>) target(%arg10 : memref<128x64xf32, #tpu.memory_space<vmem>>) offsets(%dma_start3A_99 : memref<128xi32, #tpu.memory_space<vmem>>) semaphore(%arg15 : memref<!tpu.dma_semaphore, #tpu.memory_space<semaphore_mem>>)
        } else {
        }
        %dma_wait3A_88 = arith.constant 0 : i32
        %dma_wait3A_89 = tpu.memref_slice %arg8[%add3A_70, %dma_wait3A_88] : memref<158x128xi32, #tpu.memory_space<vmem>> -> memref<1x128xi32, #tpu.memory_space<vmem>>
        %dma_wait3A_90 = tpu.memref_squeeze %dma_wait3A_89 : memref<1x128xi32, #tpu.memory_space<vmem>> -> memref<128xi32, #tpu.memory_space<vmem>>
        %dma_wait3A_91 = arith.constant 0 : i32
        %dma_wait3A_92 = arith.constant 0 : i32
        %dma_wait3A_93 = tpu.memref_slice %arg2[%dma_wait3A_91, %dma_wait3A_92] : memref<10000x64xf32, #tpu.memory_space<hbm>> -> memref<10000x64xf32, #tpu.memory_space<hbm>>
        tpu.wait_indirect_dma semaphore(%arg16 : memref<!tpu.dma_semaphore, #tpu.memory_space<semaphore_mem>>) src(%dma_wait3A_93 : memref<10000x64xf32, #tpu.memory_space<hbm>>) dst(%arg11 : memref<128x64xf32, #tpu.memory_space<vmem>>)
        "tpu.region"() ({
          %run_scoped3A = tpu.sem_alloc : memref<!tpu.dma_semaphore, #tpu.memory_space<semaphore_mem>>
          %dma_start3A_95 = arith.constant 0 : i32
          %dma_start3A_96 = tpu.memref_slice %arg9[%add3A_70, %dma_start3A_95] : memref<158x128xi32, #tpu.memory_space<vmem>> -> memref<1x128xi32, #tpu.memory_space<vmem>>
          %dma_start3A_97 = tpu.memref_squeeze %dma_start3A_96 : memref<1x128xi32, #tpu.memory_space<vmem>> -> memref<128xi32, #tpu.memory_space<vmem>>
          %dma_start3A_98 = arith.constant 0 : i32
          %dma_start3A_99 = arith.constant 0 : i32
          %dma_start3A_100 = tpu.memref_slice %arg13[%dma_start3A_98, %dma_start3A_99] : memref<10240x64xf32, #tpu.memory_space<vmem_shared>> -> memref<10240x64xf32, #tpu.memory_space<vmem_shared>>
          tpu.enqueue_indirect_dma source(%arg11 : memref<128x64xf32, #tpu.memory_space<vmem>>) target(%dma_start3A_100 : memref<10240x64xf32, #tpu.memory_space<vmem_shared>>) offsets(%dma_start3A_97 : memref<128xi32, #tpu.memory_space<vmem>>) semaphore(%run_scoped3A : memref<!tpu.dma_semaphore, #tpu.memory_space<semaphore_mem>>) {add = true}
          %dma_wait3A_101 = arith.constant 0 : i32
          %dma_wait3A_102 = tpu.memref_slice %arg9[%add3A_70, %dma_wait3A_101] : memref<158x128xi32, #tpu.memory_space<vmem>> -> memref<1x128xi32, #tpu.memory_space<vmem>>
          %dma_wait3A_103 = tpu.memref_squeeze %dma_wait3A_102 : memref<1x128xi32, #tpu.memory_space<vmem>> -> memref<128xi32, #tpu.memory_space<vmem>>
          %dma_wait3A_104 = arith.constant 0 : i32
          %dma_wait3A_105 = arith.constant 0 : i32
          %dma_wait3A_106 = tpu.memref_slice %arg13[%dma_wait3A_104, %dma_wait3A_105] : memref<10240x64xf32, #tpu.memory_space<vmem_shared>> -> memref<10240x64xf32, #tpu.memory_space<vmem_shared>>
          tpu.wait_indirect_dma semaphore(%run_scoped3A : memref<!tpu.dma_semaphore, #tpu.memory_space<semaphore_mem>>) src(%arg11 : memref<128x64xf32, #tpu.memory_space<vmem>>) dst(%dma_wait3A_106 : memref<10240x64xf32, #tpu.memory_space<vmem_shared>>)
          tpu.yield
        }) : () -> ()
        %scan3A_94 = arith.constant 0 : i32
        scf.yield %scan3A_94 : i32
      }
      %scan3A_62 = arith.constant 79 : i32
    } else {
    }
    %eq3A_38 = arith.constant 1 : i32
    %eq3A_39 = arith.cmpi eq, %arg0, %eq3A_38 : i32
    %convert_element_type3A_40 = arith.extui %eq3A_39 : i1 to i32
    %cond3A_41 = arith.constant 0 : i32
    %cond3A_42 = arith.cmpi ne, %convert_element_type3A_40, %cond3A_41 : i32
    scf.if %cond3A_42 {
      %dma_start3A = arith.constant 0 : i32
      %dma_start3A_50 = arith.constant 0 : i32
      %dma_start3A_51 = tpu.memref_slice %arg8[%dma_start3A, %dma_start3A_50] : memref<158x128xi32, #tpu.memory_space<vmem>> -> memref<1x128xi32, #tpu.memory_space<vmem>>
      %dma_start3A_52 = tpu.memref_squeeze %dma_start3A_51 : memref<1x128xi32, #tpu.memory_space<vmem>> -> memref<128xi32, #tpu.memory_space<vmem>>
      %dma_start3A_53 = arith.constant 0 : i32
      %dma_start3A_54 = arith.constant 0 : i32
      %dma_start3A_55 = tpu.memref_slice %arg3[%dma_start3A_53, %dma_start3A_54] : memref<10000x64xf32, #tpu.memory_space<hbm>> -> memref<10000x64xf32, #tpu.memory_space<hbm>>
      tpu.enqueue_indirect_dma source(%dma_start3A_55 : memref<10000x64xf32, #tpu.memory_space<hbm>>) target(%arg10 : memref<128x64xf32, #tpu.memory_space<vmem>>) offsets(%dma_start3A_52 : memref<128xi32, #tpu.memory_space<vmem>>) semaphore(%arg15 : memref<!tpu.dma_semaphore, #tpu.memory_space<semaphore_mem>>)
      %scan3A_56 = arith.constant 0 : i32
      %scan3A_57 = arith.constant 0 : i32
      %scan3A_58 = arith.constant 79 : i32
      %scan3A_59 = arith.addi %scan3A_57, %scan3A_58 : i32
      %scan3A_60 = arith.constant 1 : i32
      %scan3A_61 = scf.for %scan3A_63 = %scan3A_57 to %scan3A_59 step %scan3A_60 iter_args(%scan3A_64 = %scan3A_56) -> (i32)  : i32 {
        %mul3A_65 = arith.constant 2 : i32
        %mul3A_66 = arith.muli %mul3A_65, %scan3A_63 : i32
        %mul3A_67 = arith.constant 2 : i32
        %mul3A_68 = arith.muli %mul3A_67, %scan3A_63 : i32
        %add3A_69 = arith.constant 1 : i32
        %add3A_70 = arith.addi %mul3A_68, %add3A_69 : i32
        %dma_start3A_71 = arith.constant 0 : i32
        %dma_start3A_72 = tpu.memref_slice %arg8[%add3A_70, %dma_start3A_71] : memref<158x128xi32, #tpu.memory_space<vmem>> -> memref<1x128xi32, #tpu.memory_space<vmem>>
        %dma_start3A_73 = tpu.memref_squeeze %dma_start3A_72 : memref<1x128xi32, #tpu.memory_space<vmem>> -> memref<128xi32, #tpu.memory_space<vmem>>
        %dma_start3A_74 = arith.constant 0 : i32
        %dma_start3A_75 = arith.constant 0 : i32
        %dma_start3A_76 = tpu.memref_slice %arg3[%dma_start3A_74, %dma_start3A_75] : memref<10000x64xf32, #tpu.memory_space<hbm>> -> memref<10000x64xf32, #tpu.memory_space<hbm>>
        tpu.enqueue_indirect_dma source(%dma_start3A_76 : memref<10000x64xf32, #tpu.memory_space<hbm>>) target(%arg11 : memref<128x64xf32, #tpu.memory_space<vmem>>) offsets(%dma_start3A_73 : memref<128xi32, #tpu.memory_space<vmem>>) semaphore(%arg16 : memref<!tpu.dma_semaphore, #tpu.memory_space<semaphore_mem>>)
        %dma_wait3A = arith.constant 0 : i32
        %dma_wait3A_77 = tpu.memref_slice %arg8[%mul3A_66, %dma_wait3A] : memref<158x128xi32, #tpu.memory_space<vmem>> -> memref<1x128xi32, #tpu.memory_space<vmem>>
        %dma_wait3A_78 = tpu.memref_squeeze %dma_wait3A_77 : memref<1x128xi32, #tpu.memory_space<vmem>> -> memref<128xi32, #tpu.memory_space<vmem>>
        %dma_wait3A_79 = arith.constant 0 : i32
        %dma_wait3A_80 = arith.constant 0 : i32
        %dma_wait3A_81 = tpu.memref_slice %arg3[%dma_wait3A_79, %dma_wait3A_80] : memref<10000x64xf32, #tpu.memory_space<hbm>> -> memref<10000x64xf32, #tpu.memory_space<hbm>>
        tpu.wait_indirect_dma semaphore(%arg15 : memref<!tpu.dma_semaphore, #tpu.memory_space<semaphore_mem>>) src(%dma_wait3A_81 : memref<10000x64xf32, #tpu.memory_space<hbm>>) dst(%arg10 : memref<128x64xf32, #tpu.memory_space<vmem>>)
        "tpu.region"() ({
          %run_scoped3A = tpu.sem_alloc : memref<!tpu.dma_semaphore, #tpu.memory_space<semaphore_mem>>
          %dma_start3A_95 = arith.constant 0 : i32
          %dma_start3A_96 = tpu.memref_slice %arg9[%mul3A_66, %dma_start3A_95] : memref<158x128xi32, #tpu.memory_space<vmem>> -> memref<1x128xi32, #tpu.memory_space<vmem>>
          %dma_start3A_97 = tpu.memref_squeeze %dma_start3A_96 : memref<1x128xi32, #tpu.memory_space<vmem>> -> memref<128xi32, #tpu.memory_space<vmem>>
          %dma_start3A_98 = arith.constant 0 : i32
          %dma_start3A_99 = arith.constant 0 : i32
          %dma_start3A_100 = tpu.memref_slice %arg13[%dma_start3A_98, %dma_start3A_99] : memref<10240x64xf32, #tpu.memory_space<vmem_shared>> -> memref<10240x64xf32, #tpu.memory_space<vmem_shared>>
          tpu.enqueue_indirect_dma source(%arg10 : memref<128x64xf32, #tpu.memory_space<vmem>>) target(%dma_start3A_100 : memref<10240x64xf32, #tpu.memory_space<vmem_shared>>) offsets(%dma_start3A_97 : memref<128xi32, #tpu.memory_space<vmem>>) semaphore(%run_scoped3A : memref<!tpu.dma_semaphore, #tpu.memory_space<semaphore_mem>>) {add = true}
          %dma_wait3A_101 = arith.constant 0 : i32
          %dma_wait3A_102 = tpu.memref_slice %arg9[%mul3A_66, %dma_wait3A_101] : memref<158x128xi32, #tpu.memory_space<vmem>> -> memref<1x128xi32, #tpu.memory_space<vmem>>
          %dma_wait3A_103 = tpu.memref_squeeze %dma_wait3A_102 : memref<1x128xi32, #tpu.memory_space<vmem>> -> memref<128xi32, #tpu.memory_space<vmem>>
          %dma_wait3A_104 = arith.constant 0 : i32
          %dma_wait3A_105 = arith.constant 0 : i32
          %dma_wait3A_106 = tpu.memref_slice %arg13[%dma_wait3A_104, %dma_wait3A_105] : memref<10240x64xf32, #tpu.memory_space<vmem_shared>> -> memref<10240x64xf32, #tpu.memory_space<vmem_shared>>
          tpu.wait_indirect_dma semaphore(%run_scoped3A : memref<!tpu.dma_semaphore, #tpu.memory_space<semaphore_mem>>) src(%arg10 : memref<128x64xf32, #tpu.memory_space<vmem>>) dst(%dma_wait3A_106 : memref<10240x64xf32, #tpu.memory_space<vmem_shared>>)
          tpu.yield
        }) : () -> ()
        %add3A_82 = arith.constant 1 : i32
        %add3A_83 = arith.addi %add3A_70, %add3A_82 : i32
        %lt3A = arith.constant 158 : i32
        %lt3A_84 = arith.cmpi slt, %add3A_83, %lt3A : i32
        %convert_element_type3A_85 = arith.extui %lt3A_84 : i1 to i32
        %cond3A_86 = arith.constant 0 : i32
        %cond3A_87 = arith.cmpi ne, %convert_element_type3A_85, %cond3A_86 : i32
        scf.if %cond3A_87 {
          %add3A_95 = arith.constant 1 : i32
          %add3A_96 = arith.addi %add3A_70, %add3A_95 : i32
          %dma_start3A_97 = arith.constant 0 : i32
          %dma_start3A_98 = tpu.memref_slice %arg8[%add3A_96, %dma_start3A_97] : memref<158x128xi32, #tpu.memory_space<vmem>> -> memref<1x128xi32, #tpu.memory_space<vmem>>
          %dma_start3A_99 = tpu.memref_squeeze %dma_start3A_98 : memref<1x128xi32, #tpu.memory_space<vmem>> -> memref<128xi32, #tpu.memory_space<vmem>>
          %dma_start3A_100 = arith.constant 0 : i32
          %dma_start3A_101 = arith.constant 0 : i32
          %dma_start3A_102 = tpu.memref_slice %arg3[%dma_start3A_100, %dma_start3A_101] : memref<10000x64xf32, #tpu.memory_space<hbm>> -> memref<10000x64xf32, #tpu.memory_space<hbm>>
          tpu.enqueue_indirect_dma source(%dma_start3A_102 : memref<10000x64xf32, #tpu.memory_space<hbm>>) target(%arg10 : memref<128x64xf32, #tpu.memory_space<vmem>>) offsets(%dma_start3A_99 : memref<128xi32, #tpu.memory_space<vmem>>) semaphore(%arg15 : memref<!tpu.dma_semaphore, #tpu.memory_space<semaphore_mem>>)
        } else {
        }
        %dma_wait3A_88 = arith.constant 0 : i32
        %dma_wait3A_89 = tpu.memref_slice %arg8[%add3A_70, %dma_wait3A_88] : memref<158x128xi32, #tpu.memory_space<vmem>> -> memref<1x128xi32, #tpu.memory_space<vmem>>
        %dma_wait3A_90 = tpu.memref_squeeze %dma_wait3A_89 : memref<1x128xi32, #tpu.memory_space<vmem>> -> memref<128xi32, #tpu.memory_space<vmem>>
        %dma_wait3A_91 = arith.constant 0 : i32
        %dma_wait3A_92 = arith.constant 0 : i32
        %dma_wait3A_93 = tpu.memref_slice %arg3[%dma_wait3A_91, %dma_wait3A_92] : memref<10000x64xf32, #tpu.memory_space<hbm>> -> memref<10000x64xf32, #tpu.memory_space<hbm>>
        tpu.wait_indirect_dma semaphore(%arg16 : memref<!tpu.dma_semaphore, #tpu.memory_space<semaphore_mem>>) src(%dma_wait3A_93 : memref<10000x64xf32, #tpu.memory_space<hbm>>) dst(%arg11 : memref<128x64xf32, #tpu.memory_space<vmem>>)
        "tpu.region"() ({
          %run_scoped3A = tpu.sem_alloc : memref<!tpu.dma_semaphore, #tpu.memory_space<semaphore_mem>>
          %dma_start3A_95 = arith.constant 0 : i32
          %dma_start3A_96 = tpu.memref_slice %arg9[%add3A_70, %dma_start3A_95] : memref<158x128xi32, #tpu.memory_space<vmem>> -> memref<1x128xi32, #tpu.memory_space<vmem>>
          %dma_start3A_97 = tpu.memref_squeeze %dma_start3A_96 : memref<1x128xi32, #tpu.memory_space<vmem>> -> memref<128xi32, #tpu.memory_space<vmem>>
          %dma_start3A_98 = arith.constant 0 : i32
          %dma_start3A_99 = arith.constant 0 : i32
          %dma_start3A_100 = tpu.memref_slice %arg13[%dma_start3A_98, %dma_start3A_99] : memref<10240x64xf32, #tpu.memory_space<vmem_shared>> -> memref<10240x64xf32, #tpu.memory_space<vmem_shared>>
          tpu.enqueue_indirect_dma source(%arg11 : memref<128x64xf32, #tpu.memory_space<vmem>>) target(%dma_start3A_100 : memref<10240x64xf32, #tpu.memory_space<vmem_shared>>) offsets(%dma_start3A_97 : memref<128xi32, #tpu.memory_space<vmem>>) semaphore(%run_scoped3A : memref<!tpu.dma_semaphore, #tpu.memory_space<semaphore_mem>>) {add = true}
          %dma_wait3A_101 = arith.constant 0 : i32
          %dma_wait3A_102 = tpu.memref_slice %arg9[%add3A_70, %dma_wait3A_101] : memref<158x128xi32, #tpu.memory_space<vmem>> -> memref<1x128xi32, #tpu.memory_space<vmem>>
          %dma_wait3A_103 = tpu.memref_squeeze %dma_wait3A_102 : memref<1x128xi32, #tpu.memory_space<vmem>> -> memref<128xi32, #tpu.memory_space<vmem>>
          %dma_wait3A_104 = arith.constant 0 : i32
          %dma_wait3A_105 = arith.constant 0 : i32
          %dma_wait3A_106 = tpu.memref_slice %arg13[%dma_wait3A_104, %dma_wait3A_105] : memref<10240x64xf32, #tpu.memory_space<vmem_shared>> -> memref<10240x64xf32, #tpu.memory_space<vmem_shared>>
          tpu.wait_indirect_dma semaphore(%run_scoped3A : memref<!tpu.dma_semaphore, #tpu.memory_space<semaphore_mem>>) src(%arg11 : memref<128x64xf32, #tpu.memory_space<vmem>>) dst(%dma_wait3A_106 : memref<10240x64xf32, #tpu.memory_space<vmem_shared>>)
          tpu.yield
        }) : () -> ()
        "tpu.region"() ({
          %run_scoped3A = tpu.sem_alloc : memref<!tpu.dma_semaphore, #tpu.memory_space<semaphore_mem>>
          %dma_start3A_95 = arith.constant 0 : i32
          %dma_start3A_96 = tpu.memref_slice %arg9[%add3A_70, %dma_start3A_95] : memref<158x128xi32, #tpu.memory_space<vmem>> -> memref<1x128xi32, #tpu.memory_space<vmem>>
          %dma_start3A_97 = tpu.memref_squeeze %dma_start3A_96 : memref<1x128xi32, #tpu.memory_space<vmem>> -> memref<128xi32, #tpu.memory_space<vmem>>
          %dma_start3A_98 = arith.constant 0 : i32
          %dma_start3A_99 = arith.constant 0 : i32
          %dma_start3A_100 = tpu.memref_slice %arg14[%dma_start3A_98, %dma_start3A_99] : memref<10240x16xf32, #tpu.memory_space<vmem_shared>> -> memref<10240x16xf32, #tpu.memory_space<vmem_shared>>
          tpu.enqueue_indirect_dma source(%arg12 : memref<128x16xf32, #tpu.memory_space<vmem>>) target(%dma_start3A_100 : memref<10240x16xf32, #tpu.memory_space<vmem_shared>>) offsets(%dma_start3A_97 : memref<128xi32, #tpu.memory_space<vmem>>) semaphore(%run_scoped3A : memref<!tpu.dma_semaphore, #tpu.memory_space<semaphore_mem>>) {add = true}
          %dma_wait3A_101 = arith.constant 0 : i32
          %dma_wait3A_102 = tpu.memref_slice %arg9[%add3A_70, %dma_wait3A_101] : memref<158x128xi32, #tpu.memory_space<vmem>> -> memref<1x128xi32, #tpu.memory_space<vmem>>
          %dma_wait3A_103 = tpu.memref_squeeze %dma_wait3A_102 : memref<1x128xi32, #tpu.memory_space<vmem>> -> memref<128xi32, #tpu.memory_space<vmem>>
          %dma_wait3A_104 = arith.constant 0 : i32
          %dma_wait3A_105 = arith.constant 0 : i32
          %dma_wait3A_106 = tpu.memref_slice %arg14[%dma_wait3A_104, %dma_wait3A_105] : memref<10240x16xf32, #tpu.memory_space<vmem_shared>> -> memref<10240x16xf32, #tpu.memory_space<vmem_shared>>
          tpu.wait_indirect_dma semaphore(%run_scoped3A : memref<!tpu.dma_semaphore, #tpu.memory_space<semaphore_mem>>) src(%arg12 : memref<128x16xf32, #tpu.memory_space<vmem>>) dst(%dma_wait3A_106 : memref<10240x16xf32, #tpu.memory_space<vmem_shared>>)
          tpu.yield
        }) : () -> ()
        %scan3A_94 = arith.constant 0 : i32
        scf.yield %scan3A_94 : i32
      }
      %scan3A_62 = arith.constant 79 : i32
    } else {
    }
    %barrier3A_43 = arith.constant 0 : index
    tpu.barrier barrier_id(%barrier3A_43)
    %mul3A_44 = arith.constant 10240 : i32
    %mul3A_45 = arith.muli %arg0, %mul3A_44 : i32
    %add3A_46 = arith.addi %mul3A_45, %mul3A_9 : i32
    "tpu.region"() ({
      %run_scoped3A = tpu.sem_alloc : memref<!tpu.dma_semaphore, #tpu.memory_space<semaphore_mem>>
      %dma_start3A = arith.constant 0 : i32
      %dma_start3A_50 = tpu.memref_slice %arg6[%add3A_46, %dma_start3A] : memref<20480x64xf32, #tpu.memory_space<hbm>> -> memref<640x64xf32, #tpu.memory_space<hbm>>
      %dma_start3A_51 = arith.constant 0 : i32
      %dma_start3A_52 = tpu.memref_slice %arg13[%mul3A_9, %dma_start3A_51] : memref<10240x64xf32, #tpu.memory_space<vmem_shared>> -> memref<640x64xf32, #tpu.memory_space<vmem_shared>>
      tpu.enqueue_dma source(%dma_start3A_52 : memref<640x64xf32, #tpu.memory_space<vmem_shared>>) target(%dma_start3A_50 : memref<640x64xf32, #tpu.memory_space<hbm>>) target_semaphore(%run_scoped3A : memref<!tpu.dma_semaphore, #tpu.memory_space<semaphore_mem>>)
      %dma_wait3A = arith.constant 0 : i32
      %dma_wait3A_53 = tpu.memref_slice %arg6[%add3A_46, %dma_wait3A] : memref<20480x64xf32, #tpu.memory_space<hbm>> -> memref<640x64xf32, #tpu.memory_space<hbm>>
      %dma_wait3A_54 = arith.constant 0 : i32
      %dma_wait3A_55 = tpu.memref_slice %arg13[%mul3A_9, %dma_wait3A_54] : memref<10240x64xf32, #tpu.memory_space<vmem_shared>> -> memref<640x64xf32, #tpu.memory_space<vmem_shared>>
      tpu.wait_dma2 semaphore(%run_scoped3A : memref<!tpu.dma_semaphore, #tpu.memory_space<semaphore_mem>>) src(%dma_wait3A_55 : memref<640x64xf32, #tpu.memory_space<vmem_shared>>) dst(%dma_wait3A_53 : memref<640x64xf32, #tpu.memory_space<hbm>>)
      tpu.yield
    }) : () -> ()
    %mul3A_47 = arith.constant 10240 : i32
    %mul3A_48 = arith.muli %arg0, %mul3A_47 : i32
    %add3A_49 = arith.addi %mul3A_48, %mul3A_9 : i32
    "tpu.region"() ({
      %run_scoped3A = tpu.sem_alloc : memref<!tpu.dma_semaphore, #tpu.memory_space<semaphore_mem>>
      %dma_start3A = arith.constant 0 : i32
      %dma_start3A_50 = tpu.memref_slice %arg7[%add3A_49, %dma_start3A] : memref<20480x16xf32, #tpu.memory_space<hbm>> -> memref<640x16xf32, #tpu.memory_space<hbm>>
      %dma_start3A_51 = arith.constant 0 : i32
      %dma_start3A_52 = tpu.memref_slice %arg14[%mul3A_9, %dma_start3A_51] : memref<10240x16xf32, #tpu.memory_space<vmem_shared>> -> memref<640x16xf32, #tpu.memory_space<vmem_shared>>
      tpu.enqueue_dma source(%dma_start3A_52 : memref<640x16xf32, #tpu.memory_space<vmem_shared>>) target(%dma_start3A_50 : memref<640x16xf32, #tpu.memory_space<hbm>>) target_semaphore(%run_scoped3A : memref<!tpu.dma_semaphore, #tpu.memory_space<semaphore_mem>>)
      %dma_wait3A = arith.constant 0 : i32
      %dma_wait3A_53 = tpu.memref_slice %arg7[%add3A_49, %dma_wait3A] : memref<20480x16xf32, #tpu.memory_space<hbm>> -> memref<640x16xf32, #tpu.memory_space<hbm>>
      %dma_wait3A_54 = arith.constant 0 : i32
      %dma_wait3A_55 = tpu.memref_slice %arg14[%mul3A_9, %dma_wait3A_54] : memref<10240x16xf32, #tpu.memory_space<vmem_shared>> -> memref<640x16xf32, #tpu.memory_space<vmem_shared>>
      tpu.wait_dma2 semaphore(%run_scoped3A : memref<!tpu.dma_semaphore, #tpu.memory_space<semaphore_mem>>) src(%dma_wait3A_55 : memref<640x16xf32, #tpu.memory_space<vmem_shared>>) dst(%dma_wait3A_53 : memref<640x16xf32, #tpu.memory_space<hbm>>)
      tpu.yield
    }) : () -> ()
    return
  }
}

#map = affine_map<(d0, d1) -> (0, 0)>
#map1 = affine_map<(d0, d1) -> (0, 0, 0)>
module attributes {stable_mosaic.version = 14 : i64} {
  func.func @k(%arg0: i32, %arg1: i32, %arg2: memref<10000x64xf32, #tpu.memory_space<hbm>>, %arg3: memref<10000x64xf32, #tpu.memory_space<hbm>>, %arg4: memref<16x158x128xi32, #tpu.memory_space<hbm>>, %arg5: memref<16x158x128xi32, #tpu.memory_space<hbm>>, %arg6: memref<20480x64xf32, #tpu.memory_space<hbm>>, %arg7: memref<20480x16xf32, #tpu.memory_space<hbm>>, %arg8: memref<158x128xi32, #tpu.memory_space<vmem>>, %arg9: memref<158x128xi32, #tpu.memory_space<vmem>>, %arg10: memref<128x64xf32, #tpu.memory_space<vmem>>, %arg11: memref<128x64xf32, #tpu.memory_space<vmem>>, %arg12: memref<128x16xf32, #tpu.memory_space<vmem>>, %arg13: memref<10240x64xf32, #tpu.memory_space<vmem_shared>>, %arg14: memref<10240x16xf32, #tpu.memory_space<vmem_shared>>, %arg15: memref<!tpu.dma_semaphore, #tpu.memory_space<semaphore_mem>>, %arg16: memref<!tpu.dma_semaphore, #tpu.memory_space<semaphore_mem>>) attributes {dimension_semantics = [#tpu.dimension_semantics<core_parallel>, #tpu.dimension_semantics<subcore_parallel>], iteration_bounds = array<i64: 2, 16>, scalar_prefetch = 0 : i64, scratch_operands = 9 : i64, tpu.core_type = #tpu.core_type<sc_vector_subcore>, window_params = [{transform_indices = #map}, {transform_indices = #map}, {transform_indices = #map1}, {transform_indices = #map1}, {transform_indices = #map}, {transform_indices = #map}]} {
    %broadcast_in_dim3A = arith.constant 0.000000e+00 : f32
    %broadcast_in_dim3A_0 = vector.broadcast %broadcast_in_dim3A : f32 to vector<16xf32>
    %broadcast_in_dim3A_1 = arith.constant 1.000000e+00 : f32
    %broadcast_in_dim3A_2 = vector.broadcast %broadcast_in_dim3A_1 : f32 to vector<16xf32>
    %scan3A = arith.constant 0 : i32
    %scan3A_3 = arith.constant 0 : i32
    %scan3A_4 = arith.constant 128 : i32
    %scan3A_5 = arith.addi %scan3A_3, %scan3A_4 : i32
    %scan3A_6 = arith.constant 1 : i32
    %scan3A_7 = scf.for %scan3A_30 = %scan3A_3 to %scan3A_5 step %scan3A_6 iter_args(%scan3A_31 = %scan3A) -> (i32)  : i32 {
      %swap3A = arith.index_cast %scan3A_30 : i32 to index
      %swap3A_32 = arith.constant 0 : index
      %swap3A_33 = tpu.vector_load %arg10[%swap3A, %swap3A_32] {strides = array<i32>} : memref<128x64xf32, #tpu.memory_space<vmem>>, vector<1x16xf32>,
      %swap3A_34 = vector.shape_cast %swap3A_33 : vector<1x16xf32> to vector<16xf32>
      %swap3A_35 = vector.shape_cast %broadcast_in_dim3A_0 : vector<16xf32> to vector<1x16xf32>
      tpu.vector_store %arg10[%swap3A, %swap3A_32], %swap3A_35 {strides = array<i32>} : memref<128x64xf32, #tpu.memory_space<vmem>>, vector<1x16xf32>,
      %swap3A_36 = arith.index_cast %scan3A_30 : i32 to index
      %swap3A_37 = arith.constant 16 : index
      %swap3A_38 = tpu.vector_load %arg10[%swap3A_36, %swap3A_37] {strides = array<i32>} : memref<128x64xf32, #tpu.memory_space<vmem>>, vector<1x16xf32>,
      %swap3A_39 = vector.shape_cast %swap3A_38 : vector<1x16xf32> to vector<16xf32>
      %swap3A_40 = vector.shape_cast %broadcast_in_dim3A_0 : vector<16xf32> to vector<1x16xf32>
      tpu.vector_store %arg10[%swap3A_36, %swap3A_37], %swap3A_40 {strides = array<i32>} : memref<128x64xf32, #tpu.memory_space<vmem>>, vector<1x16xf32>,
      %swap3A_41 = arith.index_cast %scan3A_30 : i32 to index
      %swap3A_42 = arith.constant 32 : index
      %swap3A_43 = tpu.vector_load %arg10[%swap3A_41, %swap3A_42] {strides = array<i32>} : memref<128x64xf32, #tpu.memory_space<vmem>>, vector<1x16xf32>,
      %swap3A_44 = vector.shape_cast %swap3A_43 : vector<1x16xf32> to vector<16xf32>
      %swap3A_45 = vector.shape_cast %broadcast_in_dim3A_0 : vector<16xf32> to vector<1x16xf32>
      tpu.vector_store %arg10[%swap3A_41, %swap3A_42], %swap3A_45 {strides = array<i32>} : memref<128x64xf32, #tpu.memory_space<vmem>>, vector<1x16xf32>,
      %swap3A_46 = arith.index_cast %scan3A_30 : i32 to index
      %swap3A_47 = arith.constant 48 : index
      %swap3A_48 = tpu.vector_load %arg10[%swap3A_46, %swap3A_47] {strides = array<i32>} : memref<128x64xf32, #tpu.memory_space<vmem>>, vector<1x16xf32>,
      %swap3A_49 = vector.shape_cast %swap3A_48 : vector<1x16xf32> to vector<16xf32>
      %swap3A_50 = vector.shape_cast %broadcast_in_dim3A_0 : vector<16xf32> to vector<1x16xf32>
      tpu.vector_store %arg10[%swap3A_46, %swap3A_47], %swap3A_50 {strides = array<i32>} : memref<128x64xf32, #tpu.memory_space<vmem>>, vector<1x16xf32>,
      %swap3A_51 = arith.index_cast %scan3A_30 : i32 to index
      %swap3A_52 = arith.constant 0 : index
      %swap3A_53 = tpu.vector_load %arg12[%swap3A_51, %swap3A_52] {strides = array<i32>} : memref<128x16xf32, #tpu.memory_space<vmem>>, vector<1x16xf32>,
      %swap3A_54 = vector.shape_cast %swap3A_53 : vector<1x16xf32> to vector<16xf32>
      %swap3A_55 = vector.shape_cast %broadcast_in_dim3A_0 : vector<16xf32> to vector<1x16xf32>
      tpu.vector_store %arg12[%swap3A_51, %swap3A_52], %swap3A_55 {strides = array<i32>} : memref<128x16xf32, #tpu.memory_space<vmem>>, vector<1x16xf32>,
      %scan3A_56 = arith.constant 0 : i32
      scf.yield %scan3A_56 : i32
    }
    %scan3A_8 = arith.constant 128 : i32
    %mul3A = arith.constant 640 : i32
    %mul3A_9 = arith.muli %arg1, %mul3A : i32
    %add3A = arith.constant 0 : i32
    %add3A_10 = arith.addi %mul3A_9, %add3A : i32
    "tpu.region"() ({
      %run_scoped3A = tpu.sem_alloc : memref<!tpu.dma_semaphore, #tpu.memory_space<semaphore_mem>>
      %dma_start3A = arith.constant 0 : i32
      %dma_start3A_30 = tpu.memref_slice %arg13[%add3A_10, %dma_start3A] : memref<10240x64xf32, #tpu.memory_space<vmem_shared>> -> memref<128x64xf32, #tpu.memory_space<vmem_shared>>
      %dma_start3A_31 = arith.constant 0 : i32
      %dma_start3A_32 = tpu.memref_slice %arg13[%add3A_10, %dma_start3A_31] : memref<10240x64xf32, #tpu.memory_space<vmem_shared>> -> memref<128x64xf32, #tpu.memory_space<vmem_shared>>
      tpu.enqueue_dma source(%arg10 : memref<128x64xf32, #tpu.memory_space<vmem>>) target(%dma_start3A_32 : memref<128x64xf32, #tpu.memory_space<vmem_shared>>) target_semaphore(%run_scoped3A : memref<!tpu.dma_semaphore, #tpu.memory_space<semaphore_mem>>)
      %dma_wait3A = arith.constant 0 : i32
      %dma_wait3A_33 = tpu.memref_slice %arg13[%add3A_10, %dma_wait3A] : memref<10240x64xf32, #tpu.memory_space<vmem_shared>> -> memref<128x64xf32, #tpu.memory_space<vmem_shared>>
      %dma_wait3A_34 = arith.constant 0 : i32
      %dma_wait3A_35 = tpu.memref_slice %arg13[%add3A_10, %dma_wait3A_34] : memref<10240x64xf32, #tpu.memory_space<vmem_shared>> -> memref<128x64xf32, #tpu.memory_space<vmem_shared>>
      tpu.wait_dma2 semaphore(%run_scoped3A : memref<!tpu.dma_semaphore, #tpu.memory_space<semaphore_mem>>) src(%arg10 : memref<128x64xf32, #tpu.memory_space<vmem>>) dst(%dma_wait3A_35 : memref<128x64xf32, #tpu.memory_space<vmem_shared>>)
      tpu.yield
    }) : () -> ()
    %add3A_11 = arith.constant 128 : i32
    %add3A_12 = arith.addi %mul3A_9, %add3A_11 : i32
    "tpu.region"() ({
      %run_scoped3A = tpu.sem_alloc : memref<!tpu.dma_semaphore, #tpu.memory_space<semaphore_mem>>
      %dma_start3A = arith.constant 0 : i32
      %dma_start3A_30 = tpu.memref_slice %arg13[%add3A_12, %dma_start3A] : memref<10240x64xf32, #tpu.memory_space<vmem_shared>> -> memref<128x64xf32, #tpu.memory_space<vmem_shared>>
      %dma_start3A_31 = arith.constant 0 : i32
      %dma_start3A_32 = tpu.memref_slice %arg13[%add3A_12, %dma_start3A_31] : memref<10240x64xf32, #tpu.memory_space<vmem_shared>> -> memref<128x64xf32, #tpu.memory_space<vmem_shared>>
      tpu.enqueue_dma source(%arg10 : memref<128x64xf32, #tpu.memory_space<vmem>>) target(%dma_start3A_32 : memref<128x64xf32, #tpu.memory_space<vmem_shared>>) target_semaphore(%run_scoped3A : memref<!tpu.dma_semaphore, #tpu.memory_space<semaphore_mem>>)
      %dma_wait3A = arith.constant 0 : i32
      %dma_wait3A_33 = tpu.memref_slice %arg13[%add3A_12, %dma_wait3A] : memref<10240x64xf32, #tpu.memory_space<vmem_shared>> -> memref<128x64xf32, #tpu.memory_space<vmem_shared>>
      %dma_wait3A_34 = arith.constant 0 : i32
      %dma_wait3A_35 = tpu.memref_slice %arg13[%add3A_12, %dma_wait3A_34] : memref<10240x64xf32, #tpu.memory_space<vmem_shared>> -> memref<128x64xf32, #tpu.memory_space<vmem_shared>>
      tpu.wait_dma2 semaphore(%run_scoped3A : memref<!tpu.dma_semaphore, #tpu.memory_space<semaphore_mem>>) src(%arg10 : memref<128x64xf32, #tpu.memory_space<vmem>>) dst(%dma_wait3A_35 : memref<128x64xf32, #tpu.memory_space<vmem_shared>>)
      tpu.yield
    }) : () -> ()
    %add3A_13 = arith.constant 256 : i32
    %add3A_14 = arith.addi %mul3A_9, %add3A_13 : i32
    "tpu.region"() ({
      %run_scoped3A = tpu.sem_alloc : memref<!tpu.dma_semaphore, #tpu.memory_space<semaphore_mem>>
      %dma_start3A = arith.constant 0 : i32
      %dma_start3A_30 = tpu.memref_slice %arg13[%add3A_14, %dma_start3A] : memref<10240x64xf32, #tpu.memory_space<vmem_shared>> -> memref<128x64xf32, #tpu.memory_space<vmem_shared>>
      %dma_start3A_31 = arith.constant 0 : i32
      %dma_start3A_32 = tpu.memref_slice %arg13[%add3A_14, %dma_start3A_31] : memref<10240x64xf32, #tpu.memory_space<vmem_shared>> -> memref<128x64xf32, #tpu.memory_space<vmem_shared>>
      tpu.enqueue_dma source(%arg10 : memref<128x64xf32, #tpu.memory_space<vmem>>) target(%dma_start3A_32 : memref<128x64xf32, #tpu.memory_space<vmem_shared>>) target_semaphore(%run_scoped3A : memref<!tpu.dma_semaphore, #tpu.memory_space<semaphore_mem>>)
      %dma_wait3A = arith.constant 0 : i32
      %dma_wait3A_33 = tpu.memref_slice %arg13[%add3A_14, %dma_wait3A] : memref<10240x64xf32, #tpu.memory_space<vmem_shared>> -> memref<128x64xf32, #tpu.memory_space<vmem_shared>>
      %dma_wait3A_34 = arith.constant 0 : i32
      %dma_wait3A_35 = tpu.memref_slice %arg13[%add3A_14, %dma_wait3A_34] : memref<10240x64xf32, #tpu.memory_space<vmem_shared>> -> memref<128x64xf32, #tpu.memory_space<vmem_shared>>
      tpu.wait_dma2 semaphore(%run_scoped3A : memref<!tpu.dma_semaphore, #tpu.memory_space<semaphore_mem>>) src(%arg10 : memref<128x64xf32, #tpu.memory_space<vmem>>) dst(%dma_wait3A_35 : memref<128x64xf32, #tpu.memory_space<vmem_shared>>)
      tpu.yield
    }) : () -> ()
    %add3A_15 = arith.constant 384 : i32
    %add3A_16 = arith.addi %mul3A_9, %add3A_15 : i32
    "tpu.region"() ({
      %run_scoped3A = tpu.sem_alloc : memref<!tpu.dma_semaphore, #tpu.memory_space<semaphore_mem>>
      %dma_start3A = arith.constant 0 : i32
      %dma_start3A_30 = tpu.memref_slice %arg13[%add3A_16, %dma_start3A] : memref<10240x64xf32, #tpu.memory_space<vmem_shared>> -> memref<128x64xf32, #tpu.memory_space<vmem_shared>>
      %dma_start3A_31 = arith.constant 0 : i32
      %dma_start3A_32 = tpu.memref_slice %arg13[%add3A_16, %dma_start3A_31] : memref<10240x64xf32, #tpu.memory_space<vmem_shared>> -> memref<128x64xf32, #tpu.memory_space<vmem_shared>>
      tpu.enqueue_dma source(%arg10 : memref<128x64xf32, #tpu.memory_space<vmem>>) target(%dma_start3A_32 : memref<128x64xf32, #tpu.memory_space<vmem_shared>>) target_semaphore(%run_scoped3A : memref<!tpu.dma_semaphore, #tpu.memory_space<semaphore_mem>>)
      %dma_wait3A = arith.constant 0 : i32
      %dma_wait3A_33 = tpu.memref_slice %arg13[%add3A_16, %dma_wait3A] : memref<10240x64xf32, #tpu.memory_space<vmem_shared>> -> memref<128x64xf32, #tpu.memory_space<vmem_shared>>
      %dma_wait3A_34 = arith.constant 0 : i32
      %dma_wait3A_35 = tpu.memref_slice %arg13[%add3A_16, %dma_wait3A_34] : memref<10240x64xf32, #tpu.memory_space<vmem_shared>> -> memref<128x64xf32, #tpu.memory_space<vmem_shared>>
      tpu.wait_dma2 semaphore(%run_scoped3A : memref<!tpu.dma_semaphore, #tpu.memory_space<semaphore_mem>>) src(%arg10 : memref<128x64xf32, #tpu.memory_space<vmem>>) dst(%dma_wait3A_35 : memref<128x64xf32, #tpu.memory_space<vmem_shared>>)
      tpu.yield
    }) : () -> ()
    %add3A_17 = arith.constant 512 : i32
    %add3A_18 = arith.addi %mul3A_9, %add3A_17 : i32
    "tpu.region"() ({
      %run_scoped3A = tpu.sem_alloc : memref<!tpu.dma_semaphore, #tpu.memory_space<semaphore_mem>>
      %dma_start3A = arith.constant 0 : i32
      %dma_start3A_30 = tpu.memref_slice %arg13[%add3A_18, %dma_start3A] : memref<10240x64xf32, #tpu.memory_space<vmem_shared>> -> memref<128x64xf32, #tpu.memory_space<vmem_shared>>
      %dma_start3A_31 = arith.constant 0 : i32
      %dma_start3A_32 = tpu.memref_slice %arg13[%add3A_18, %dma_start3A_31] : memref<10240x64xf32, #tpu.memory_space<vmem_shared>> -> memref<128x64xf32, #tpu.memory_space<vmem_shared>>
      tpu.enqueue_dma source(%arg10 : memref<128x64xf32, #tpu.memory_space<vmem>>) target(%dma_start3A_32 : memref<128x64xf32, #tpu.memory_space<vmem_shared>>) target_semaphore(%run_scoped3A : memref<!tpu.dma_semaphore, #tpu.memory_space<semaphore_mem>>)
      %dma_wait3A = arith.constant 0 : i32
      %dma_wait3A_33 = tpu.memref_slice %arg13[%add3A_18, %dma_wait3A] : memref<10240x64xf32, #tpu.memory_space<vmem_shared>> -> memref<128x64xf32, #tpu.memory_space<vmem_shared>>
      %dma_wait3A_34 = arith.constant 0 : i32
      %dma_wait3A_35 = tpu.memref_slice %arg13[%add3A_18, %dma_wait3A_34] : memref<10240x64xf32, #tpu.memory_space<vmem_shared>> -> memref<128x64xf32, #tpu.memory_space<vmem_shared>>
      tpu.wait_dma2 semaphore(%run_scoped3A : memref<!tpu.dma_semaphore, #tpu.memory_space<semaphore_mem>>) src(%arg10 : memref<128x64xf32, #tpu.memory_space<vmem>>) dst(%dma_wait3A_35 : memref<128x64xf32, #tpu.memory_space<vmem_shared>>)
      tpu.yield
    }) : () -> ()
    %barrier3A = arith.constant 0 : index
    tpu.barrier barrier_id(%barrier3A)
    "tpu.region"() ({
      %run_scoped3A = tpu.sem_alloc : memref<!tpu.dma_semaphore, #tpu.memory_space<semaphore_mem>>
      %dma_start3A = arith.constant 0 : i32
      %dma_start3A_30 = arith.constant 0 : i32
      %dma_start3A_31 = tpu.memref_slice %arg4[%arg1, %dma_start3A, %dma_start3A_30] : memref<16x158x128xi32, #tpu.memory_space<hbm>> -> memref<1x158x128xi32, #tpu.memory_space<hbm>>
      %dma_start3A_32 = tpu.memref_squeeze %dma_start3A_31 : memref<1x158x128xi32, #tpu.memory_space<hbm>> -> memref<158x128xi32, #tpu.memory_space<hbm>>
      %dma_start3A_33 = arith.constant 0 : i32
      %dma_start3A_34 = arith.constant 0 : i32
      %dma_start3A_35 = tpu.memref_slice %arg4[%arg1, %dma_start3A_33, %dma_start3A_34] : memref<16x158x128xi32, #tpu.memory_space<hbm>> -> memref<1x158x128xi32, #tpu.memory_space<hbm>>
      %dma_start3A_36 = tpu.memref_squeeze %dma_start3A_35 : memref<1x158x128xi32, #tpu.memory_space<hbm>> -> memref<158x128xi32, #tpu.memory_space<hbm>>
      tpu.enqueue_dma source(%dma_start3A_36 : memref<158x128xi32, #tpu.memory_space<hbm>>) target(%arg8 : memref<158x128xi32, #tpu.memory_space<vmem>>) target_semaphore(%run_scoped3A : memref<!tpu.dma_semaphore, #tpu.memory_space<semaphore_mem>>)
      %dma_wait3A = arith.constant 0 : i32
      %dma_wait3A_37 = arith.constant 0 : i32
      %dma_wait3A_38 = tpu.memref_slice %arg4[%arg1, %dma_wait3A, %dma_wait3A_37] : memref<16x158x128xi32, #tpu.memory_space<hbm>> -> memref<1x158x128xi32, #tpu.memory_space<hbm>>
      %dma_wait3A_39 = tpu.memref_squeeze %dma_wait3A_38 : memref<1x158x128xi32, #tpu.memory_space<hbm>> -> memref<158x128xi32, #tpu.memory_space<hbm>>
      %dma_wait3A_40 = arith.constant 0 : i32
      %dma_wait3A_41 = arith.constant 0 : i32
      %dma_wait3A_42 = tpu.memref_slice %arg4[%arg1, %dma_wait3A_40, %dma_wait3A_41] : memref<16x158x128xi32, #tpu.memory_space<hbm>> -> memref<1x158x128xi32, #tpu.memory_space<hbm>>
      %dma_wait3A_43 = tpu.memref_squeeze %dma_wait3A_42 : memref<1x158x128xi32, #tpu.memory_space<hbm>> -> memref<158x128xi32, #tpu.memory_space<hbm>>
      tpu.wait_dma2 semaphore(%run_scoped3A : memref<!tpu.dma_semaphore, #tpu.memory_space<semaphore_mem>>) src(%dma_wait3A_43 : memref<158x128xi32, #tpu.memory_space<hbm>>) dst(%arg8 : memref<158x128xi32, #tpu.memory_space<vmem>>)
      tpu.yield
    }) : () -> ()
    "tpu.region"() ({
      %run_scoped3A = tpu.sem_alloc : memref<!tpu.dma_semaphore, #tpu.memory_space<semaphore_mem>>
      %dma_start3A = arith.constant 0 : i32
      %dma_start3A_30 = arith.constant 0 : i32
      %dma_start3A_31 = tpu.memref_slice %arg5[%arg1, %dma_start3A, %dma_start3A_30] : memref<16x158x128xi32, #tpu.memory_space<hbm>> -> memref<1x158x128xi32, #tpu.memory_space<hbm>>
      %dma_start3A_32 = tpu.memref_squeeze %dma_start3A_31 : memref<1x158x128xi32, #tpu.memory_space<hbm>> -> memref<158x128xi32, #tpu.memory_space<hbm>>
      %dma_start3A_33 = arith.constant 0 : i32
      %dma_start3A_34 = arith.constant 0 : i32
      %dma_start3A_35 = tpu.memref_slice %arg5[%arg1, %dma_start3A_33, %dma_start3A_34] : memref<16x158x128xi32, #tpu.memory_space<hbm>> -> memref<1x158x128xi32, #tpu.memory_space<hbm>>
      %dma_start3A_36 = tpu.memref_squeeze %dma_start3A_35 : memref<1x158x128xi32, #tpu.memory_space<hbm>> -> memref<158x128xi32, #tpu.memory_space<hbm>>
      tpu.enqueue_dma source(%dma_start3A_36 : memref<158x128xi32, #tpu.memory_space<hbm>>) target(%arg9 : memref<158x128xi32, #tpu.memory_space<vmem>>) target_semaphore(%run_scoped3A : memref<!tpu.dma_semaphore, #tpu.memory_space<semaphore_mem>>)
      %dma_wait3A = arith.constant 0 : i32
      %dma_wait3A_37 = arith.constant 0 : i32
      %dma_wait3A_38 = tpu.memref_slice %arg5[%arg1, %dma_wait3A, %dma_wait3A_37] : memref<16x158x128xi32, #tpu.memory_space<hbm>> -> memref<1x158x128xi32, #tpu.memory_space<hbm>>
      %dma_wait3A_39 = tpu.memref_squeeze %dma_wait3A_38 : memref<1x158x128xi32, #tpu.memory_space<hbm>> -> memref<158x128xi32, #tpu.memory_space<hbm>>
      %dma_wait3A_40 = arith.constant 0 : i32
      %dma_wait3A_41 = arith.constant 0 : i32
      %dma_wait3A_42 = tpu.memref_slice %arg5[%arg1, %dma_wait3A_40, %dma_wait3A_41] : memref<16x158x128xi32, #tpu.memory_space<hbm>> -> memref<1x158x128xi32, #tpu.memory_space<hbm>>
      %dma_wait3A_43 = tpu.memref_squeeze %dma_wait3A_42 : memref<1x158x128xi32, #tpu.memory_space<hbm>> -> memref<158x128xi32, #tpu.memory_space<hbm>>
      tpu.wait_dma2 semaphore(%run_scoped3A : memref<!tpu.dma_semaphore, #tpu.memory_space<semaphore_mem>>) src(%dma_wait3A_43 : memref<158x128xi32, #tpu.memory_space<hbm>>) dst(%arg9 : memref<158x128xi32, #tpu.memory_space<vmem>>)
      tpu.yield
    }) : () -> ()
    %eq3A = arith.constant 0 : i32
    %eq3A_19 = arith.cmpi eq, %arg0, %eq3A : i32
    %convert_element_type3A = arith.extui %eq3A_19 : i1 to i32
    %cond3A = arith.constant 0 : i32
    %cond3A_20 = arith.cmpi ne, %convert_element_type3A, %cond3A : i32
    scf.if %cond3A_20 {
      %dma_start3A = arith.constant 0 : i32
      %dma_start3A_30 = arith.constant 0 : i32
      %dma_start3A_31 = tpu.memref_slice %arg8[%dma_start3A, %dma_start3A_30] : memref<158x128xi32, #tpu.memory_space<vmem>> -> memref<1x128xi32, #tpu.memory_space<vmem>>
      %dma_start3A_32 = tpu.memref_squeeze %dma_start3A_31 : memref<1x128xi32, #tpu.memory_space<vmem>> -> memref<128xi32, #tpu.memory_space<vmem>>
      %dma_start3A_33 = arith.constant 0 : i32
      %dma_start3A_34 = arith.constant 0 : i32
      %dma_start3A_35 = tpu.memref_slice %arg2[%dma_start3A_33, %dma_start3A_34] : memref<10000x64xf32, #tpu.memory_space<hbm>> -> memref<10000x64xf32, #tpu.memory_space<hbm>>
      tpu.enqueue_indirect_dma source(%dma_start3A_35 : memref<10000x64xf32, #tpu.memory_space<hbm>>) target(%arg10 : memref<128x64xf32, #tpu.memory_space<vmem>>) offsets(%dma_start3A_32 : memref<128xi32, #tpu.memory_space<vmem>>) semaphore(%arg15 : memref<!tpu.dma_semaphore, #tpu.memory_space<semaphore_mem>>)
      %scan3A_36 = arith.constant 0 : i32
      %scan3A_37 = arith.constant 0 : i32
      %scan3A_38 = arith.constant 79 : i32
      %scan3A_39 = arith.addi %scan3A_37, %scan3A_38 : i32
      %scan3A_40 = arith.constant 1 : i32
      %scan3A_41 = scf.for %scan3A_43 = %scan3A_37 to %scan3A_39 step %scan3A_40 iter_args(%scan3A_44 = %scan3A_36) -> (i32)  : i32 {
        %mul3A_45 = arith.constant 2 : i32
        %mul3A_46 = arith.muli %mul3A_45, %scan3A_43 : i32
        %mul3A_47 = arith.constant 2 : i32
        %mul3A_48 = arith.muli %mul3A_47, %scan3A_43 : i32
        %add3A_49 = arith.constant 1 : i32
        %add3A_50 = arith.addi %mul3A_48, %add3A_49 : i32
        %dma_start3A_51 = arith.constant 0 : i32
        %dma_start3A_52 = tpu.memref_slice %arg8[%add3A_50, %dma_start3A_51] : memref<158x128xi32, #tpu.memory_space<vmem>> -> memref<1x128xi32, #tpu.memory_space<vmem>>
        %dma_start3A_53 = tpu.memref_squeeze %dma_start3A_52 : memref<1x128xi32, #tpu.memory_space<vmem>> -> memref<128xi32, #tpu.memory_space<vmem>>
        %dma_start3A_54 = arith.constant 0 : i32
        %dma_start3A_55 = arith.constant 0 : i32
        %dma_start3A_56 = tpu.memref_slice %arg2[%dma_start3A_54, %dma_start3A_55] : memref<10000x64xf32, #tpu.memory_space<hbm>> -> memref<10000x64xf32, #tpu.memory_space<hbm>>
        tpu.enqueue_indirect_dma source(%dma_start3A_56 : memref<10000x64xf32, #tpu.memory_space<hbm>>) target(%arg11 : memref<128x64xf32, #tpu.memory_space<vmem>>) offsets(%dma_start3A_53 : memref<128xi32, #tpu.memory_space<vmem>>) semaphore(%arg16 : memref<!tpu.dma_semaphore, #tpu.memory_space<semaphore_mem>>)
        %dma_wait3A = arith.constant 0 : i32
        %dma_wait3A_57 = tpu.memref_slice %arg8[%mul3A_46, %dma_wait3A] : memref<158x128xi32, #tpu.memory_space<vmem>> -> memref<1x128xi32, #tpu.memory_space<vmem>>
        %dma_wait3A_58 = tpu.memref_squeeze %dma_wait3A_57 : memref<1x128xi32, #tpu.memory_space<vmem>> -> memref<128xi32, #tpu.memory_space<vmem>>
        %dma_wait3A_59 = arith.constant 0 : i32
        %dma_wait3A_60 = arith.constant 0 : i32
        %dma_wait3A_61 = tpu.memref_slice %arg2[%dma_wait3A_59, %dma_wait3A_60] : memref<10000x64xf32, #tpu.memory_space<hbm>> -> memref<10000x64xf32, #tpu.memory_space<hbm>>
        tpu.wait_indirect_dma semaphore(%arg15 : memref<!tpu.dma_semaphore, #tpu.memory_space<semaphore_mem>>) src(%dma_wait3A_61 : memref<10000x64xf32, #tpu.memory_space<hbm>>) dst(%arg10 : memref<128x64xf32, #tpu.memory_space<vmem>>)
        "tpu.region"() ({
          %run_scoped3A = tpu.sem_alloc : memref<!tpu.dma_semaphore, #tpu.memory_space<semaphore_mem>>
          %dma_start3A_75 = arith.constant 0 : i32
          %dma_start3A_76 = tpu.memref_slice %arg9[%mul3A_46, %dma_start3A_75] : memref<158x128xi32, #tpu.memory_space<vmem>> -> memref<1x128xi32, #tpu.memory_space<vmem>>
          %dma_start3A_77 = tpu.memref_squeeze %dma_start3A_76 : memref<1x128xi32, #tpu.memory_space<vmem>> -> memref<128xi32, #tpu.memory_space<vmem>>
          %dma_start3A_78 = arith.constant 0 : i32
          %dma_start3A_79 = arith.constant 0 : i32
          %dma_start3A_80 = tpu.memref_slice %arg13[%dma_start3A_78, %dma_start3A_79] : memref<10240x64xf32, #tpu.memory_space<vmem_shared>> -> memref<10240x64xf32, #tpu.memory_space<vmem_shared>>
          tpu.enqueue_indirect_dma source(%arg10 : memref<128x64xf32, #tpu.memory_space<vmem>>) target(%dma_start3A_80 : memref<10240x64xf32, #tpu.memory_space<vmem_shared>>) offsets(%dma_start3A_77 : memref<128xi32, #tpu.memory_space<vmem>>) semaphore(%run_scoped3A : memref<!tpu.dma_semaphore, #tpu.memory_space<semaphore_mem>>) {add = true}
          %dma_wait3A_81 = arith.constant 0 : i32
          %dma_wait3A_82 = tpu.memref_slice %arg9[%mul3A_46, %dma_wait3A_81] : memref<158x128xi32, #tpu.memory_space<vmem>> -> memref<1x128xi32, #tpu.memory_space<vmem>>
          %dma_wait3A_83 = tpu.memref_squeeze %dma_wait3A_82 : memref<1x128xi32, #tpu.memory_space<vmem>> -> memref<128xi32, #tpu.memory_space<vmem>>
          %dma_wait3A_84 = arith.constant 0 : i32
          %dma_wait3A_85 = arith.constant 0 : i32
          %dma_wait3A_86 = tpu.memref_slice %arg13[%dma_wait3A_84, %dma_wait3A_85] : memref<10240x64xf32, #tpu.memory_space<vmem_shared>> -> memref<10240x64xf32, #tpu.memory_space<vmem_shared>>
          tpu.wait_indirect_dma semaphore(%run_scoped3A : memref<!tpu.dma_semaphore, #tpu.memory_space<semaphore_mem>>) src(%arg10 : memref<128x64xf32, #tpu.memory_space<vmem>>) dst(%dma_wait3A_86 : memref<10240x64xf32, #tpu.memory_space<vmem_shared>>)
          tpu.yield
        }) : () -> ()
        %add3A_62 = arith.constant 1 : i32
        %add3A_63 = arith.addi %add3A_50, %add3A_62 : i32
        %lt3A = arith.constant 158 : i32
        %lt3A_64 = arith.cmpi slt, %add3A_63, %lt3A : i32
        %convert_element_type3A_65 = arith.extui %lt3A_64 : i1 to i32
        %cond3A_66 = arith.constant 0 : i32
        %cond3A_67 = arith.cmpi ne, %convert_element_type3A_65, %cond3A_66 : i32
        scf.if %cond3A_67 {
          %add3A_75 = arith.constant 1 : i32
          %add3A_76 = arith.addi %add3A_50, %add3A_75 : i32
          %dma_start3A_77 = arith.constant 0 : i32
          %dma_start3A_78 = tpu.memref_slice %arg8[%add3A_76, %dma_start3A_77] : memref<158x128xi32, #tpu.memory_space<vmem>> -> memref<1x128xi32, #tpu.memory_space<vmem>>
          %dma_start3A_79 = tpu.memref_squeeze %dma_start3A_78 : memref<1x128xi32, #tpu.memory_space<vmem>> -> memref<128xi32, #tpu.memory_space<vmem>>
          %dma_start3A_80 = arith.constant 0 : i32
          %dma_start3A_81 = arith.constant 0 : i32
          %dma_start3A_82 = tpu.memref_slice %arg2[%dma_start3A_80, %dma_start3A_81] : memref<10000x64xf32, #tpu.memory_space<hbm>> -> memref<10000x64xf32, #tpu.memory_space<hbm>>
          tpu.enqueue_indirect_dma source(%dma_start3A_82 : memref<10000x64xf32, #tpu.memory_space<hbm>>) target(%arg10 : memref<128x64xf32, #tpu.memory_space<vmem>>) offsets(%dma_start3A_79 : memref<128xi32, #tpu.memory_space<vmem>>) semaphore(%arg15 : memref<!tpu.dma_semaphore, #tpu.memory_space<semaphore_mem>>)
        } else {
        }
        %dma_wait3A_68 = arith.constant 0 : i32
        %dma_wait3A_69 = tpu.memref_slice %arg8[%add3A_50, %dma_wait3A_68] : memref<158x128xi32, #tpu.memory_space<vmem>> -> memref<1x128xi32, #tpu.memory_space<vmem>>
        %dma_wait3A_70 = tpu.memref_squeeze %dma_wait3A_69 : memref<1x128xi32, #tpu.memory_space<vmem>> -> memref<128xi32, #tpu.memory_space<vmem>>
        %dma_wait3A_71 = arith.constant 0 : i32
        %dma_wait3A_72 = arith.constant 0 : i32
        %dma_wait3A_73 = tpu.memref_slice %arg2[%dma_wait3A_71, %dma_wait3A_72] : memref<10000x64xf32, #tpu.memory_space<hbm>> -> memref<10000x64xf32, #tpu.memory_space<hbm>>
        tpu.wait_indirect_dma semaphore(%arg16 : memref<!tpu.dma_semaphore, #tpu.memory_space<semaphore_mem>>) src(%dma_wait3A_73 : memref<10000x64xf32, #tpu.memory_space<hbm>>) dst(%arg11 : memref<128x64xf32, #tpu.memory_space<vmem>>)
        "tpu.region"() ({
          %run_scoped3A = tpu.sem_alloc : memref<!tpu.dma_semaphore, #tpu.memory_space<semaphore_mem>>
          %dma_start3A_75 = arith.constant 0 : i32
          %dma_start3A_76 = tpu.memref_slice %arg9[%add3A_50, %dma_start3A_75] : memref<158x128xi32, #tpu.memory_space<vmem>> -> memref<1x128xi32, #tpu.memory_space<vmem>>
          %dma_start3A_77 = tpu.memref_squeeze %dma_start3A_76 : memref<1x128xi32, #tpu.memory_space<vmem>> -> memref<128xi32, #tpu.memory_space<vmem>>
          %dma_start3A_78 = arith.constant 0 : i32
          %dma_start3A_79 = arith.constant 0 : i32
          %dma_start3A_80 = tpu.memref_slice %arg13[%dma_start3A_78, %dma_start3A_79] : memref<10240x64xf32, #tpu.memory_space<vmem_shared>> -> memref<10240x64xf32, #tpu.memory_space<vmem_shared>>
          tpu.enqueue_indirect_dma source(%arg11 : memref<128x64xf32, #tpu.memory_space<vmem>>) target(%dma_start3A_80 : memref<10240x64xf32, #tpu.memory_space<vmem_shared>>) offsets(%dma_start3A_77 : memref<128xi32, #tpu.memory_space<vmem>>) semaphore(%run_scoped3A : memref<!tpu.dma_semaphore, #tpu.memory_space<semaphore_mem>>) {add = true}
          %dma_wait3A_81 = arith.constant 0 : i32
          %dma_wait3A_82 = tpu.memref_slice %arg9[%add3A_50, %dma_wait3A_81] : memref<158x128xi32, #tpu.memory_space<vmem>> -> memref<1x128xi32, #tpu.memory_space<vmem>>
          %dma_wait3A_83 = tpu.memref_squeeze %dma_wait3A_82 : memref<1x128xi32, #tpu.memory_space<vmem>> -> memref<128xi32, #tpu.memory_space<vmem>>
          %dma_wait3A_84 = arith.constant 0 : i32
          %dma_wait3A_85 = arith.constant 0 : i32
          %dma_wait3A_86 = tpu.memref_slice %arg13[%dma_wait3A_84, %dma_wait3A_85] : memref<10240x64xf32, #tpu.memory_space<vmem_shared>> -> memref<10240x64xf32, #tpu.memory_space<vmem_shared>>
          tpu.wait_indirect_dma semaphore(%run_scoped3A : memref<!tpu.dma_semaphore, #tpu.memory_space<semaphore_mem>>) src(%arg11 : memref<128x64xf32, #tpu.memory_space<vmem>>) dst(%dma_wait3A_86 : memref<10240x64xf32, #tpu.memory_space<vmem_shared>>)
          tpu.yield
        }) : () -> ()
        %scan3A_74 = arith.constant 0 : i32
        scf.yield %scan3A_74 : i32
      }
      %scan3A_42 = arith.constant 79 : i32
    } else {
    }
    %eq3A_21 = arith.constant 1 : i32
    %eq3A_22 = arith.cmpi eq, %arg0, %eq3A_21 : i32
    %convert_element_type3A_23 = arith.extui %eq3A_22 : i1 to i32
    %cond3A_24 = arith.constant 0 : i32
    %cond3A_25 = arith.cmpi ne, %convert_element_type3A_23, %cond3A_24 : i32
    scf.if %cond3A_25 {
      %dma_start3A = arith.constant 0 : i32
      %dma_start3A_30 = arith.constant 0 : i32
      %dma_start3A_31 = tpu.memref_slice %arg8[%dma_start3A, %dma_start3A_30] : memref<158x128xi32, #tpu.memory_space<vmem>> -> memref<1x128xi32, #tpu.memory_space<vmem>>
      %dma_start3A_32 = tpu.memref_squeeze %dma_start3A_31 : memref<1x128xi32, #tpu.memory_space<vmem>> -> memref<128xi32, #tpu.memory_space<vmem>>
      %dma_start3A_33 = arith.constant 0 : i32
      %dma_start3A_34 = arith.constant 0 : i32
      %dma_start3A_35 = tpu.memref_slice %arg3[%dma_start3A_33, %dma_start3A_34] : memref<10000x64xf32, #tpu.memory_space<hbm>> -> memref<10000x64xf32, #tpu.memory_space<hbm>>
      tpu.enqueue_indirect_dma source(%dma_start3A_35 : memref<10000x64xf32, #tpu.memory_space<hbm>>) target(%arg10 : memref<128x64xf32, #tpu.memory_space<vmem>>) offsets(%dma_start3A_32 : memref<128xi32, #tpu.memory_space<vmem>>) semaphore(%arg15 : memref<!tpu.dma_semaphore, #tpu.memory_space<semaphore_mem>>)
      %scan3A_36 = arith.constant 0 : i32
      %scan3A_37 = arith.constant 0 : i32
      %scan3A_38 = arith.constant 79 : i32
      %scan3A_39 = arith.addi %scan3A_37, %scan3A_38 : i32
      %scan3A_40 = arith.constant 1 : i32
      %scan3A_41 = scf.for %scan3A_43 = %scan3A_37 to %scan3A_39 step %scan3A_40 iter_args(%scan3A_44 = %scan3A_36) -> (i32)  : i32 {
        %mul3A_45 = arith.constant 2 : i32
        %mul3A_46 = arith.muli %mul3A_45, %scan3A_43 : i32
        %mul3A_47 = arith.constant 2 : i32
        %mul3A_48 = arith.muli %mul3A_47, %scan3A_43 : i32
        %add3A_49 = arith.constant 1 : i32
        %add3A_50 = arith.addi %mul3A_48, %add3A_49 : i32
        %dma_start3A_51 = arith.constant 0 : i32
        %dma_start3A_52 = tpu.memref_slice %arg8[%add3A_50, %dma_start3A_51] : memref<158x128xi32, #tpu.memory_space<vmem>> -> memref<1x128xi32, #tpu.memory_space<vmem>>
        %dma_start3A_53 = tpu.memref_squeeze %dma_start3A_52 : memref<1x128xi32, #tpu.memory_space<vmem>> -> memref<128xi32, #tpu.memory_space<vmem>>
        %dma_start3A_54 = arith.constant 0 : i32
        %dma_start3A_55 = arith.constant 0 : i32
        %dma_start3A_56 = tpu.memref_slice %arg3[%dma_start3A_54, %dma_start3A_55] : memref<10000x64xf32, #tpu.memory_space<hbm>> -> memref<10000x64xf32, #tpu.memory_space<hbm>>
        tpu.enqueue_indirect_dma source(%dma_start3A_56 : memref<10000x64xf32, #tpu.memory_space<hbm>>) target(%arg11 : memref<128x64xf32, #tpu.memory_space<vmem>>) offsets(%dma_start3A_53 : memref<128xi32, #tpu.memory_space<vmem>>) semaphore(%arg16 : memref<!tpu.dma_semaphore, #tpu.memory_space<semaphore_mem>>)
        %dma_wait3A = arith.constant 0 : i32
        %dma_wait3A_57 = tpu.memref_slice %arg8[%mul3A_46, %dma_wait3A] : memref<158x128xi32, #tpu.memory_space<vmem>> -> memref<1x128xi32, #tpu.memory_space<vmem>>
        %dma_wait3A_58 = tpu.memref_squeeze %dma_wait3A_57 : memref<1x128xi32, #tpu.memory_space<vmem>> -> memref<128xi32, #tpu.memory_space<vmem>>
        %dma_wait3A_59 = arith.constant 0 : i32
        %dma_wait3A_60 = arith.constant 0 : i32
        %dma_wait3A_61 = tpu.memref_slice %arg3[%dma_wait3A_59, %dma_wait3A_60] : memref<10000x64xf32, #tpu.memory_space<hbm>> -> memref<10000x64xf32, #tpu.memory_space<hbm>>
        tpu.wait_indirect_dma semaphore(%arg15 : memref<!tpu.dma_semaphore, #tpu.memory_space<semaphore_mem>>) src(%dma_wait3A_61 : memref<10000x64xf32, #tpu.memory_space<hbm>>) dst(%arg10 : memref<128x64xf32, #tpu.memory_space<vmem>>)
        "tpu.region"() ({
          %run_scoped3A = tpu.sem_alloc : memref<!tpu.dma_semaphore, #tpu.memory_space<semaphore_mem>>
          %dma_start3A_75 = arith.constant 0 : i32
          %dma_start3A_76 = tpu.memref_slice %arg9[%mul3A_46, %dma_start3A_75] : memref<158x128xi32, #tpu.memory_space<vmem>> -> memref<1x128xi32, #tpu.memory_space<vmem>>
          %dma_start3A_77 = tpu.memref_squeeze %dma_start3A_76 : memref<1x128xi32, #tpu.memory_space<vmem>> -> memref<128xi32, #tpu.memory_space<vmem>>
          %dma_start3A_78 = arith.constant 0 : i32
          %dma_start3A_79 = arith.constant 0 : i32
          %dma_start3A_80 = tpu.memref_slice %arg13[%dma_start3A_78, %dma_start3A_79] : memref<10240x64xf32, #tpu.memory_space<vmem_shared>> -> memref<10240x64xf32, #tpu.memory_space<vmem_shared>>
          tpu.enqueue_indirect_dma source(%arg10 : memref<128x64xf32, #tpu.memory_space<vmem>>) target(%dma_start3A_80 : memref<10240x64xf32, #tpu.memory_space<vmem_shared>>) offsets(%dma_start3A_77 : memref<128xi32, #tpu.memory_space<vmem>>) semaphore(%run_scoped3A : memref<!tpu.dma_semaphore, #tpu.memory_space<semaphore_mem>>) {add = true}
          %dma_wait3A_81 = arith.constant 0 : i32
          %dma_wait3A_82 = tpu.memref_slice %arg9[%mul3A_46, %dma_wait3A_81] : memref<158x128xi32, #tpu.memory_space<vmem>> -> memref<1x128xi32, #tpu.memory_space<vmem>>
          %dma_wait3A_83 = tpu.memref_squeeze %dma_wait3A_82 : memref<1x128xi32, #tpu.memory_space<vmem>> -> memref<128xi32, #tpu.memory_space<vmem>>
          %dma_wait3A_84 = arith.constant 0 : i32
          %dma_wait3A_85 = arith.constant 0 : i32
          %dma_wait3A_86 = tpu.memref_slice %arg13[%dma_wait3A_84, %dma_wait3A_85] : memref<10240x64xf32, #tpu.memory_space<vmem_shared>> -> memref<10240x64xf32, #tpu.memory_space<vmem_shared>>
          tpu.wait_indirect_dma semaphore(%run_scoped3A : memref<!tpu.dma_semaphore, #tpu.memory_space<semaphore_mem>>) src(%arg10 : memref<128x64xf32, #tpu.memory_space<vmem>>) dst(%dma_wait3A_86 : memref<10240x64xf32, #tpu.memory_space<vmem_shared>>)
          tpu.yield
        }) : () -> ()
        %add3A_62 = arith.constant 1 : i32
        %add3A_63 = arith.addi %add3A_50, %add3A_62 : i32
        %lt3A = arith.constant 158 : i32
        %lt3A_64 = arith.cmpi slt, %add3A_63, %lt3A : i32
        %convert_element_type3A_65 = arith.extui %lt3A_64 : i1 to i32
        %cond3A_66 = arith.constant 0 : i32
        %cond3A_67 = arith.cmpi ne, %convert_element_type3A_65, %cond3A_66 : i32
        scf.if %cond3A_67 {
          %add3A_75 = arith.constant 1 : i32
          %add3A_76 = arith.addi %add3A_50, %add3A_75 : i32
          %dma_start3A_77 = arith.constant 0 : i32
          %dma_start3A_78 = tpu.memref_slice %arg8[%add3A_76, %dma_start3A_77] : memref<158x128xi32, #tpu.memory_space<vmem>> -> memref<1x128xi32, #tpu.memory_space<vmem>>
          %dma_start3A_79 = tpu.memref_squeeze %dma_start3A_78 : memref<1x128xi32, #tpu.memory_space<vmem>> -> memref<128xi32, #tpu.memory_space<vmem>>
          %dma_start3A_80 = arith.constant 0 : i32
          %dma_start3A_81 = arith.constant 0 : i32
          %dma_start3A_82 = tpu.memref_slice %arg3[%dma_start3A_80, %dma_start3A_81] : memref<10000x64xf32, #tpu.memory_space<hbm>> -> memref<10000x64xf32, #tpu.memory_space<hbm>>
          tpu.enqueue_indirect_dma source(%dma_start3A_82 : memref<10000x64xf32, #tpu.memory_space<hbm>>) target(%arg10 : memref<128x64xf32, #tpu.memory_space<vmem>>) offsets(%dma_start3A_79 : memref<128xi32, #tpu.memory_space<vmem>>) semaphore(%arg15 : memref<!tpu.dma_semaphore, #tpu.memory_space<semaphore_mem>>)
        } else {
        }
        %dma_wait3A_68 = arith.constant 0 : i32
        %dma_wait3A_69 = tpu.memref_slice %arg8[%add3A_50, %dma_wait3A_68] : memref<158x128xi32, #tpu.memory_space<vmem>> -> memref<1x128xi32, #tpu.memory_space<vmem>>
        %dma_wait3A_70 = tpu.memref_squeeze %dma_wait3A_69 : memref<1x128xi32, #tpu.memory_space<vmem>> -> memref<128xi32, #tpu.memory_space<vmem>>
        %dma_wait3A_71 = arith.constant 0 : i32
        %dma_wait3A_72 = arith.constant 0 : i32
        %dma_wait3A_73 = tpu.memref_slice %arg3[%dma_wait3A_71, %dma_wait3A_72] : memref<10000x64xf32, #tpu.memory_space<hbm>> -> memref<10000x64xf32, #tpu.memory_space<hbm>>
        tpu.wait_indirect_dma semaphore(%arg16 : memref<!tpu.dma_semaphore, #tpu.memory_space<semaphore_mem>>) src(%dma_wait3A_73 : memref<10000x64xf32, #tpu.memory_space<hbm>>) dst(%arg11 : memref<128x64xf32, #tpu.memory_space<vmem>>)
        "tpu.region"() ({
          %run_scoped3A = tpu.sem_alloc : memref<!tpu.dma_semaphore, #tpu.memory_space<semaphore_mem>>
          %dma_start3A_75 = arith.constant 0 : i32
          %dma_start3A_76 = tpu.memref_slice %arg9[%add3A_50, %dma_start3A_75] : memref<158x128xi32, #tpu.memory_space<vmem>> -> memref<1x128xi32, #tpu.memory_space<vmem>>
          %dma_start3A_77 = tpu.memref_squeeze %dma_start3A_76 : memref<1x128xi32, #tpu.memory_space<vmem>> -> memref<128xi32, #tpu.memory_space<vmem>>
          %dma_start3A_78 = arith.constant 0 : i32
          %dma_start3A_79 = arith.constant 0 : i32
          %dma_start3A_80 = tpu.memref_slice %arg13[%dma_start3A_78, %dma_start3A_79] : memref<10240x64xf32, #tpu.memory_space<vmem_shared>> -> memref<10240x64xf32, #tpu.memory_space<vmem_shared>>
          tpu.enqueue_indirect_dma source(%arg11 : memref<128x64xf32, #tpu.memory_space<vmem>>) target(%dma_start3A_80 : memref<10240x64xf32, #tpu.memory_space<vmem_shared>>) offsets(%dma_start3A_77 : memref<128xi32, #tpu.memory_space<vmem>>) semaphore(%run_scoped3A : memref<!tpu.dma_semaphore, #tpu.memory_space<semaphore_mem>>) {add = true}
          %dma_wait3A_81 = arith.constant 0 : i32
          %dma_wait3A_82 = tpu.memref_slice %arg9[%add3A_50, %dma_wait3A_81] : memref<158x128xi32, #tpu.memory_space<vmem>> -> memref<1x128xi32, #tpu.memory_space<vmem>>
          %dma_wait3A_83 = tpu.memref_squeeze %dma_wait3A_82 : memref<1x128xi32, #tpu.memory_space<vmem>> -> memref<128xi32, #tpu.memory_space<vmem>>
          %dma_wait3A_84 = arith.constant 0 : i32
          %dma_wait3A_85 = arith.constant 0 : i32
          %dma_wait3A_86 = tpu.memref_slice %arg13[%dma_wait3A_84, %dma_wait3A_85] : memref<10240x64xf32, #tpu.memory_space<vmem_shared>> -> memref<10240x64xf32, #tpu.memory_space<vmem_shared>>
          tpu.wait_indirect_dma semaphore(%run_scoped3A : memref<!tpu.dma_semaphore, #tpu.memory_space<semaphore_mem>>) src(%arg11 : memref<128x64xf32, #tpu.memory_space<vmem>>) dst(%dma_wait3A_86 : memref<10240x64xf32, #tpu.memory_space<vmem_shared>>)
          tpu.yield
        }) : () -> ()
        %scan3A_74 = arith.constant 0 : i32
        scf.yield %scan3A_74 : i32
      }
      %scan3A_42 = arith.constant 79 : i32
    } else {
    }
    %barrier3A_26 = arith.constant 0 : index
    tpu.barrier barrier_id(%barrier3A_26)
    %mul3A_27 = arith.constant 10240 : i32
    %mul3A_28 = arith.muli %arg0, %mul3A_27 : i32
    %add3A_29 = arith.addi %mul3A_28, %mul3A_9 : i32
    "tpu.region"() ({
      %run_scoped3A = tpu.sem_alloc : memref<!tpu.dma_semaphore, #tpu.memory_space<semaphore_mem>>
      %dma_start3A = arith.constant 0 : i32
      %dma_start3A_30 = tpu.memref_slice %arg6[%add3A_29, %dma_start3A] : memref<20480x64xf32, #tpu.memory_space<hbm>> -> memref<640x64xf32, #tpu.memory_space<hbm>>
      %dma_start3A_31 = arith.constant 0 : i32
      %dma_start3A_32 = tpu.memref_slice %arg13[%mul3A_9, %dma_start3A_31] : memref<10240x64xf32, #tpu.memory_space<vmem_shared>> -> memref<640x64xf32, #tpu.memory_space<vmem_shared>>
      tpu.enqueue_dma source(%dma_start3A_32 : memref<640x64xf32, #tpu.memory_space<vmem_shared>>) target(%dma_start3A_30 : memref<640x64xf32, #tpu.memory_space<hbm>>) target_semaphore(%run_scoped3A : memref<!tpu.dma_semaphore, #tpu.memory_space<semaphore_mem>>)
      %dma_wait3A = arith.constant 0 : i32
      %dma_wait3A_33 = tpu.memref_slice %arg6[%add3A_29, %dma_wait3A] : memref<20480x64xf32, #tpu.memory_space<hbm>> -> memref<640x64xf32, #tpu.memory_space<hbm>>
      %dma_wait3A_34 = arith.constant 0 : i32
      %dma_wait3A_35 = tpu.memref_slice %arg13[%mul3A_9, %dma_wait3A_34] : memref<10240x64xf32, #tpu.memory_space<vmem_shared>> -> memref<640x64xf32, #tpu.memory_space<vmem_shared>>
      tpu.wait_dma2 semaphore(%run_scoped3A : memref<!tpu.dma_semaphore, #tpu.memory_space<semaphore_mem>>) src(%dma_wait3A_35 : memref<640x64xf32, #tpu.memory_space<vmem_shared>>) dst(%dma_wait3A_33 : memref<640x64xf32, #tpu.memory_space<hbm>>)
      tpu.yield
    }) : () -> ()
    return
  }
}

module attributes {stable_mosaic.version = 14 : i64} {
  func.func @_stage1_body(%arg0: i32, %arg1: memref<1000x128xf32, #tpu.memory_space<vmem>>, %arg2: memref<128x128xf32, #tpu.memory_space<vmem>>, %arg3: memref<1x128xf32, #tpu.memory_space<vmem>>, %arg4: memref<1000x64xf32, #tpu.memory_space<vmem>>, %arg5: memref<1000x64xf32, #tpu.memory_space<vmem>>) attributes {dimension_semantics = [#tpu.dimension_semantics<arbitrary>], iteration_bounds = array<i64: 10>, scalar_prefetch = 0 : i64, scratch_operands = 0 : i64, tpu.core_type = #tpu.core_type<tc>, window_params = [{transform_indices = @transform_0, window_bounds = array<i64: 1000, 128>}, {pipeline_mode = #tpu.pipeline_mode<synchronous>, transform_indices = @transform_1, window_bounds = array<i64: 128, 128>}, {pipeline_mode = #tpu.pipeline_mode<synchronous>, transform_indices = @transform_2, window_bounds = array<i64: 1, 128>}, {transform_indices = @transform_3, window_bounds = array<i64: 1000, 64>}, {transform_indices = @transform_4, window_bounds = array<i64: 1000, 64>}]} {
    %get3A = arith.constant 0 : index
    %get3A_0 = arith.constant 0 : index
    %get3A_1 = vector.load %arg1[%get3A, %get3A_0] : memref<1000x128xf32, #tpu.memory_space<vmem>>, vector<1000x128xf32>
    %mul3A = arith.mulf %get3A_1, %get3A_1 : vector<1000x128xf32>
    %reduce_sum3A = arith.constant dense<0.000000e+00> : vector<1000xf32>
    %reduce_sum3A_2 = vector.multi_reduction <add>, %mul3A, %reduce_sum3A [1] : vector<1000x128xf32> to vector<1000xf32>
    %broadcast_in_dim3A = vector.shape_cast %reduce_sum3A_2 : vector<1000xf32> to vector<1000x1xf32>
    %sqrt3A = math.sqrt %broadcast_in_dim3A : vector<1000x1xf32>
    %max3A = arith.constant 1.000000e-15 : f32
    %max3A_3 = vector.broadcast %max3A : f32 to vector<1000x1xf32>
    %max3A_4 = arith.maximumf %sqrt3A, %max3A_3 : vector<1000x1xf32>
    %tanh3A = math.tanh %max3A_4 : vector<1000x1xf32>
    %mul3A_5 = vector.broadcast %tanh3A : vector<1000x1xf32> to vector<1000x128xf32>
    %mul3A_6 = arith.mulf %mul3A_5, %get3A_1 : vector<1000x128xf32>
    %div3A = vector.broadcast %max3A_4 : vector<1000x1xf32> to vector<1000x128xf32>
    %div3A_7 = arith.divf %mul3A_6, %div3A : vector<1000x128xf32>
    %mul3A_8 = arith.mulf %div3A_7, %div3A_7 : vector<1000x128xf32>
    %reduce_sum3A_9 = arith.constant dense<0.000000e+00> : vector<1000xf32>
    %reduce_sum3A_10 = vector.multi_reduction <add>, %mul3A_8, %reduce_sum3A_9 [1] : vector<1000x128xf32> to vector<1000xf32>
    %broadcast_in_dim3A_11 = vector.shape_cast %reduce_sum3A_10 : vector<1000xf32> to vector<1000x1xf32>
    %sqrt3A_12 = math.sqrt %broadcast_in_dim3A_11 : vector<1000x1xf32>
    %max3A_13 = arith.constant 1.000000e-15 : f32
    %max3A_14 = vector.broadcast %max3A_13 : f32 to vector<1000x1xf32>
    %max3A_15 = arith.maximumf %sqrt3A_12, %max3A_14 : vector<1000x1xf32>
    %gt3A = arith.constant 0.995999991 : f32
    %gt3A_16 = vector.broadcast %gt3A : f32 to vector<1000x1xf32>
    %gt3A_17 = arith.cmpf ogt, %max3A_15, %gt3A_16 : vector<1000x1xf32>
    %div3A_18 = arith.constant 0.995999991 : f32
    %div3A_19 = vector.broadcast %div3A_18 : f32 to vector<1000x1xf32>
    %div3A_20 = arith.divf %div3A_19, %max3A_15 : vector<1000x1xf32>
    %mul3A_21 = vector.broadcast %div3A_20 : vector<1000x1xf32> to vector<1000x128xf32>
    %mul3A_22 = arith.mulf %div3A_7, %mul3A_21 : vector<1000x128xf32>
    %broadcast_in_dim3A_23 = vector.shape_cast %gt3A_17 : vector<1000x1xi1> to vector<1000x1xi1>
    %broadcast_in_dim3A_24 = vector.broadcast %broadcast_in_dim3A_23 : vector<1000x1xi1> to vector<1000x128xi1>
    %select_n3A = arith.select %broadcast_in_dim3A_24, %mul3A_22, %div3A_7 : vector<1000x128xi1>, vector<1000x128xf32>
    %get3A_25 = arith.constant 0 : index
    %get3A_26 = arith.constant 0 : index
    %get3A_27 = vector.load %arg2[%get3A_25, %get3A_26] : memref<128x128xf32, #tpu.memory_space<vmem>>, vector<128x128xf32>
    %get3A_28 = arith.constant 0 : index
    %get3A_29 = arith.constant 0 : index
    %get3A_30 = vector.load %arg3[%get3A_28, %get3A_29] : memref<1x128xf32, #tpu.memory_space<vmem>>, vector<1x128xf32>
    %mul3A_31 = arith.mulf %select_n3A, %select_n3A : vector<1000x128xf32>
    %reduce_sum3A_32 = arith.constant dense<0.000000e+00> : vector<1000xf32>
    %reduce_sum3A_33 = vector.multi_reduction <add>, %mul3A_31, %reduce_sum3A_32 [1] : vector<1000x128xf32> to vector<1000xf32>
    %broadcast_in_dim3A_34 = vector.shape_cast %reduce_sum3A_33 : vector<1000xf32> to vector<1000x1xf32>
    %sqrt3A_35 = math.sqrt %broadcast_in_dim3A_34 : vector<1000x1xf32>
    %max3A_36 = arith.constant 1.000000e-15 : f32
    %max3A_37 = vector.broadcast %max3A_36 : f32 to vector<1000x1xf32>
    %max3A_38 = arith.maximumf %sqrt3A_35, %max3A_37 : vector<1000x1xf32>
    %dot_general3A = arith.constant dense<0.000000e+00> : vector<1000x128xf32>
    %dot_general3A_39 = tpu.matmul %select_n3A, %get3A_27, %dot_general3A {dimension_numbers = #tpu.dot_dimension_numbers<[1], [1], [0], [0], [0, 0, 1, 0], [], []>, precision = #tpu.contract_precision<fp32>, transpose_lhs_hint = false} : vector<1000x128xf32>, vector<128x128xf32>, vector<1000x128xf32> -> vector<1000x128xf32>
    %mul3A_40 = arith.mulf %dot_general3A_39, %dot_general3A_39 : vector<1000x128xf32>
    %reduce_sum3A_41 = arith.constant dense<0.000000e+00> : vector<1000xf32>
    %reduce_sum3A_42 = vector.multi_reduction <add>, %mul3A_40, %reduce_sum3A_41 [1] : vector<1000x128xf32> to vector<1000xf32>
    %broadcast_in_dim3A_43 = vector.shape_cast %reduce_sum3A_42 : vector<1000xf32> to vector<1000x1xf32>
    %sqrt3A_44 = math.sqrt %broadcast_in_dim3A_43 : vector<1000x1xf32>
    %max3A_45 = arith.constant 1.000000e-15 : f32
    %max3A_46 = vector.broadcast %max3A_45 : f32 to vector<1000x1xf32>
    %max3A_47 = arith.maximumf %sqrt3A_44, %max3A_46 : vector<1000x1xf32>
    %div3A_48 = arith.divf %max3A_47, %max3A_38 : vector<1000x1xf32>
    %min3A = arith.constant 0.99999988 : f32
    %min3A_49 = vector.broadcast %min3A : f32 to vector<1000x1xf32>
    %min3A_50 = arith.minimumf %max3A_38, %min3A_49 : vector<1000x1xf32>
    %add3A = arith.constant 1.000000e+00 : f32
    %add3A_51 = vector.broadcast %add3A : f32 to vector<1000x1xf32>
    %add3A_52 = arith.addf %add3A_51, %min3A_50 : vector<1000x1xf32>
    %sub3A = arith.constant 1.000000e+00 : f32
    %sub3A_53 = vector.broadcast %sub3A : f32 to vector<1000x1xf32>
    %sub3A_54 = arith.subf %sub3A_53, %min3A_50 : vector<1000x1xf32>
    %div3A_55 = arith.divf %add3A_52, %sub3A_54 : vector<1000x1xf32>
    %log3A = math.log %div3A_55 : vector<1000x1xf32>
    %mul3A_56 = arith.constant 5.000000e-01 : f32
    %mul3A_57 = vector.broadcast %mul3A_56 : f32 to vector<1000x1xf32>
    %mul3A_58 = arith.mulf %mul3A_57, %log3A : vector<1000x1xf32>
    %mul3A_59 = arith.mulf %div3A_48, %mul3A_58 : vector<1000x1xf32>
    %tanh3A_60 = math.tanh %mul3A_59 : vector<1000x1xf32>
    %mul3A_61 = vector.broadcast %tanh3A_60 : vector<1000x1xf32> to vector<1000x128xf32>
    %mul3A_62 = arith.mulf %mul3A_61, %dot_general3A_39 : vector<1000x128xf32>
    %div3A_63 = vector.broadcast %max3A_47 : vector<1000x1xf32> to vector<1000x128xf32>
    %div3A_64 = arith.divf %mul3A_62, %div3A_63 : vector<1000x128xf32>
    %eq3A = arith.constant 0.000000e+00 : f32
    %eq3A_65 = vector.broadcast %eq3A : f32 to vector<1000x128xf32>
    %eq3A_66 = arith.cmpf oeq, %dot_general3A_39, %eq3A_65 : vector<1000x128xf32>
    %reduce_and3A = arith.constant 1.000000e+00 : f32
    %reduce_and3A_67 = arith.constant 0.000000e+00 : f32
    %reduce_and3A_68 = vector.broadcast %reduce_and3A : f32 to vector<1000x128xf32>
    %reduce_and3A_69 = vector.broadcast %reduce_and3A_67 : f32 to vector<1000x128xf32>
    %reduce_and3A_70 = arith.select %eq3A_66, %reduce_and3A_68, %reduce_and3A_69 : vector<1000x128xi1>, vector<1000x128xf32>
    %reduce_and3A_71 = arith.constant dense<0x7F800000> : vector<1000xf32>
    %reduce_and3A_72 = vector.multi_reduction <minimumf>, %reduce_and3A_70, %reduce_and3A_71 [1] : vector<1000x128xf32> to vector<1000xf32>
    %reduce_and3A_73 = arith.constant 0.000000e+00 : f32
    %reduce_and3A_74 = vector.broadcast %reduce_and3A_73 : f32 to vector<1000xf32>
    %reduce_and3A_75 = arith.cmpf ogt, %reduce_and3A_72, %reduce_and3A_74 : vector<1000xf32>
    %broadcast_in_dim3A_76 = vector.shape_cast %reduce_and3A_75 : vector<1000xi1> to vector<1000x1xi1>
    %jit3A = arith.constant 0.000000e+00 : f32
    %broadcast_in_dim3A_77 = vector.shape_cast %broadcast_in_dim3A_76 : vector<1000x1xi1> to vector<1000x1xi1>
    %broadcast_in_dim3A_78 = vector.broadcast %broadcast_in_dim3A_77 : vector<1000x1xi1> to vector<1000x128xi1>
    %broadcast_in_dim3A_79 = vector.broadcast %jit3A : f32 to vector<1000x128xf32>
    %select_n3A_80 = arith.select %broadcast_in_dim3A_78, %broadcast_in_dim3A_79, %div3A_64 : vector<1000x128xi1>, vector<1000x128xf32>
    %mul3A_81 = arith.mulf %select_n3A_80, %select_n3A_80 : vector<1000x128xf32>
    %reduce_sum3A_82 = arith.constant dense<0.000000e+00> : vector<1000xf32>
    %reduce_sum3A_83 = vector.multi_reduction <add>, %mul3A_81, %reduce_sum3A_82 [1] : vector<1000x128xf32> to vector<1000xf32>
    %broadcast_in_dim3A_84 = vector.shape_cast %reduce_sum3A_83 : vector<1000xf32> to vector<1000x1xf32>
    %sqrt3A_85 = math.sqrt %broadcast_in_dim3A_84 : vector<1000x1xf32>
    %max3A_86 = arith.constant 1.000000e-15 : f32
    %max3A_87 = vector.broadcast %max3A_86 : f32 to vector<1000x1xf32>
    %max3A_88 = arith.maximumf %sqrt3A_85, %max3A_87 : vector<1000x1xf32>
    %gt3A_89 = arith.constant 0.995999991 : f32
    %gt3A_90 = vector.broadcast %gt3A_89 : f32 to vector<1000x1xf32>
    %gt3A_91 = arith.cmpf ogt, %max3A_88, %gt3A_90 : vector<1000x1xf32>
    %div3A_92 = arith.constant 0.995999991 : f32
    %div3A_93 = vector.broadcast %div3A_92 : f32 to vector<1000x1xf32>
    %div3A_94 = arith.divf %div3A_93, %max3A_88 : vector<1000x1xf32>
    %mul3A_95 = vector.broadcast %div3A_94 : vector<1000x1xf32> to vector<1000x128xf32>
    %mul3A_96 = arith.mulf %select_n3A_80, %mul3A_95 : vector<1000x128xf32>
    %broadcast_in_dim3A_97 = vector.shape_cast %gt3A_91 : vector<1000x1xi1> to vector<1000x1xi1>
    %broadcast_in_dim3A_98 = vector.broadcast %broadcast_in_dim3A_97 : vector<1000x1xi1> to vector<1000x128xi1>
    %select_n3A_99 = arith.select %broadcast_in_dim3A_98, %mul3A_96, %select_n3A_80 : vector<1000x128xi1>, vector<1000x128xf32>
    %mul3A_100 = arith.mulf %get3A_30, %get3A_30 : vector<1x128xf32>
    %reduce_sum3A_101 = arith.constant dense<0.000000e+00> : vector<1xf32>
    %reduce_sum3A_102 = vector.multi_reduction <add>, %mul3A_100, %reduce_sum3A_101 [1] : vector<1x128xf32> to vector<1xf32>
    %broadcast_in_dim3A_103 = vector.shape_cast %reduce_sum3A_102 : vector<1xf32> to vector<1x1xf32>
    %sqrt3A_104 = math.sqrt %broadcast_in_dim3A_103 : vector<1x1xf32>
    %max3A_105 = arith.constant 1.000000e-15 : f32
    %max3A_106 = vector.broadcast %max3A_105 : f32 to vector<1x1xf32>
    %max3A_107 = arith.maximumf %sqrt3A_104, %max3A_106 : vector<1x1xf32>
    %tanh3A_108 = math.tanh %max3A_107 : vector<1x1xf32>
    %mul3A_109 = vector.broadcast %tanh3A_108 : vector<1x1xf32> to vector<1x128xf32>
    %mul3A_110 = arith.mulf %mul3A_109, %get3A_30 : vector<1x128xf32>
    %div3A_111 = vector.broadcast %max3A_107 : vector<1x1xf32> to vector<1x128xf32>
    %div3A_112 = arith.divf %mul3A_110, %div3A_111 : vector<1x128xf32>
    %mul3A_113 = arith.mulf %div3A_112, %div3A_112 : vector<1x128xf32>
    %reduce_sum3A_114 = arith.constant dense<0.000000e+00> : vector<1xf32>
    %reduce_sum3A_115 = vector.multi_reduction <add>, %mul3A_113, %reduce_sum3A_114 [1] : vector<1x128xf32> to vector<1xf32>
    %broadcast_in_dim3A_116 = vector.shape_cast %reduce_sum3A_115 : vector<1xf32> to vector<1x1xf32>
    %sqrt3A_117 = math.sqrt %broadcast_in_dim3A_116 : vector<1x1xf32>
    %max3A_118 = arith.constant 1.000000e-15 : f32
    %max3A_119 = vector.broadcast %max3A_118 : f32 to vector<1x1xf32>
    %max3A_120 = arith.maximumf %sqrt3A_117, %max3A_119 : vector<1x1xf32>
    %gt3A_121 = arith.constant 0.995999991 : f32
    %gt3A_122 = vector.broadcast %gt3A_121 : f32 to vector<1x1xf32>
    %gt3A_123 = arith.cmpf ogt, %max3A_120, %gt3A_122 : vector<1x1xf32>
    %div3A_124 = arith.constant 0.995999991 : f32
    %div3A_125 = vector.broadcast %div3A_124 : f32 to vector<1x1xf32>
    %div3A_126 = arith.divf %div3A_125, %max3A_120 : vector<1x1xf32>
    %mul3A_127 = vector.broadcast %div3A_126 : vector<1x1xf32> to vector<1x128xf32>
    %mul3A_128 = arith.mulf %div3A_112, %mul3A_127 : vector<1x128xf32>
    %broadcast_in_dim3A_129 = vector.shape_cast %gt3A_123 : vector<1x1xi1> to vector<1x1xi1>
    %broadcast_in_dim3A_130 = vector.broadcast %broadcast_in_dim3A_129 : vector<1x1xi1> to vector<1x128xi1>
    %select_n3A_131 = arith.select %broadcast_in_dim3A_130, %mul3A_128, %div3A_112 : vector<1x128xi1>, vector<1x128xf32>
    %mul3A_132 = arith.mulf %select_n3A_99, %select_n3A_99 : vector<1000x128xf32>
    %reduce_sum3A_133 = arith.constant dense<0.000000e+00> : vector<1000xf32>
    %reduce_sum3A_134 = vector.multi_reduction <add>, %mul3A_132, %reduce_sum3A_133 [1] : vector<1000x128xf32> to vector<1000xf32>
    %broadcast_in_dim3A_135 = vector.shape_cast %reduce_sum3A_134 : vector<1000xf32> to vector<1000x1xf32>
    %mul3A_136 = arith.mulf %select_n3A_131, %select_n3A_131 : vector<1x128xf32>
    %reduce_sum3A_137 = arith.constant dense<0.000000e+00> : vector<1xf32>
    %reduce_sum3A_138 = vector.multi_reduction <add>, %mul3A_136, %reduce_sum3A_137 [1] : vector<1x128xf32> to vector<1xf32>
    %broadcast_in_dim3A_139 = vector.shape_cast %reduce_sum3A_138 : vector<1xf32> to vector<1x1xf32>
    %mul3A_140 = vector.broadcast %select_n3A_131 : vector<1x128xf32> to vector<1000x128xf32>
    %mul3A_141 = arith.mulf %select_n3A_99, %mul3A_140 : vector<1000x128xf32>
    %reduce_sum3A_142 = arith.constant dense<0.000000e+00> : vector<1000xf32>
    %reduce_sum3A_143 = vector.multi_reduction <add>, %mul3A_141, %reduce_sum3A_142 [1] : vector<1000x128xf32> to vector<1000xf32>
    %broadcast_in_dim3A_144 = vector.shape_cast %reduce_sum3A_143 : vector<1000xf32> to vector<1000x1xf32>
    %mul3A_145 = arith.constant 2.000000e+00 : f32
    %mul3A_146 = vector.broadcast %mul3A_145 : f32 to vector<1000x1xf32>
    %mul3A_147 = arith.mulf %mul3A_146, %broadcast_in_dim3A_144 : vector<1000x1xf32>
    %add3A_148 = arith.constant 1.000000e+00 : f32
    %add3A_149 = vector.broadcast %add3A_148 : f32 to vector<1000x1xf32>
    %add3A_150 = arith.addf %add3A_149, %mul3A_147 : vector<1000x1xf32>
    %add3A_151 = vector.broadcast %broadcast_in_dim3A_139 : vector<1x1xf32> to vector<1000x1xf32>
    %add3A_152 = arith.addf %add3A_150, %add3A_151 : vector<1000x1xf32>
    %mul3A_153 = vector.broadcast %add3A_152 : vector<1000x1xf32> to vector<1000x128xf32>
    %mul3A_154 = arith.mulf %mul3A_153, %select_n3A_99 : vector<1000x128xf32>
    %sub3A_155 = arith.constant 1.000000e+00 : f32
    %sub3A_156 = vector.broadcast %sub3A_155 : f32 to vector<1000x1xf32>
    %sub3A_157 = arith.subf %sub3A_156, %broadcast_in_dim3A_135 : vector<1000x1xf32>
    %mul3A_158 = vector.broadcast %sub3A_157 : vector<1000x1xf32> to vector<1000x128xf32>
    %mul3A_159 = vector.broadcast %select_n3A_131 : vector<1x128xf32> to vector<1000x128xf32>
    %mul3A_160 = arith.mulf %mul3A_158, %mul3A_159 : vector<1000x128xf32>
    %add3A_161 = arith.addf %mul3A_154, %mul3A_160 : vector<1000x128xf32>
    %mul3A_162 = arith.constant 2.000000e+00 : f32
    %mul3A_163 = vector.broadcast %mul3A_162 : f32 to vector<1000x1xf32>
    %mul3A_164 = arith.mulf %mul3A_163, %broadcast_in_dim3A_144 : vector<1000x1xf32>
    %add3A_165 = arith.constant 1.000000e+00 : f32
    %add3A_166 = vector.broadcast %add3A_165 : f32 to vector<1000x1xf32>
    %add3A_167 = arith.addf %add3A_166, %mul3A_164 : vector<1000x1xf32>
    %mul3A_168 = vector.broadcast %broadcast_in_dim3A_139 : vector<1x1xf32> to vector<1000x1xf32>
    %mul3A_169 = arith.mulf %broadcast_in_dim3A_135, %mul3A_168 : vector<1000x1xf32>
    %add3A_170 = arith.addf %add3A_167, %mul3A_169 : vector<1000x1xf32>
    %max3A_171 = arith.constant 1.000000e-15 : f32
    %max3A_172 = vector.broadcast %max3A_171 : f32 to vector<1000x1xf32>
    %max3A_173 = arith.maximumf %add3A_170, %max3A_172 : vector<1000x1xf32>
    %div3A_174 = vector.broadcast %max3A_173 : vector<1000x1xf32> to vector<1000x128xf32>
    %div3A_175 = arith.divf %add3A_161, %div3A_174 : vector<1000x128xf32>
    %mul3A_176 = arith.mulf %div3A_175, %div3A_175 : vector<1000x128xf32>
    %reduce_sum3A_177 = arith.constant dense<0.000000e+00> : vector<1000xf32>
    %reduce_sum3A_178 = vector.multi_reduction <add>, %mul3A_176, %reduce_sum3A_177 [1] : vector<1000x128xf32> to vector<1000xf32>
    %broadcast_in_dim3A_179 = vector.shape_cast %reduce_sum3A_178 : vector<1000xf32> to vector<1000x1xf32>
    %sqrt3A_180 = math.sqrt %broadcast_in_dim3A_179 : vector<1000x1xf32>
    %max3A_181 = arith.constant 1.000000e-15 : f32
    %max3A_182 = vector.broadcast %max3A_181 : f32 to vector<1000x1xf32>
    %max3A_183 = arith.maximumf %sqrt3A_180, %max3A_182 : vector<1000x1xf32>
    %gt3A_184 = arith.constant 0.995999991 : f32
    %gt3A_185 = vector.broadcast %gt3A_184 : f32 to vector<1000x1xf32>
    %gt3A_186 = arith.cmpf ogt, %max3A_183, %gt3A_185 : vector<1000x1xf32>
    %div3A_187 = arith.constant 0.995999991 : f32
    %div3A_188 = vector.broadcast %div3A_187 : f32 to vector<1000x1xf32>
    %div3A_189 = arith.divf %div3A_188, %max3A_183 : vector<1000x1xf32>
    %mul3A_190 = vector.broadcast %div3A_189 : vector<1000x1xf32> to vector<1000x128xf32>
    %mul3A_191 = arith.mulf %div3A_175, %mul3A_190 : vector<1000x128xf32>
    %broadcast_in_dim3A_192 = vector.shape_cast %gt3A_186 : vector<1000x1xi1> to vector<1000x1xi1>
    %broadcast_in_dim3A_193 = vector.broadcast %broadcast_in_dim3A_192 : vector<1000x1xi1> to vector<1000x128xi1>
    %select_n3A_194 = arith.select %broadcast_in_dim3A_193, %mul3A_191, %div3A_175 : vector<1000x128xi1>, vector<1000x128xf32>
    %mul3A_195 = arith.mulf %select_n3A_194, %select_n3A_194 : vector<1000x128xf32>
    %reduce_sum3A_196 = arith.constant dense<0.000000e+00> : vector<1000xf32>
    %reduce_sum3A_197 = vector.multi_reduction <add>, %mul3A_195, %reduce_sum3A_196 [1] : vector<1000x128xf32> to vector<1000xf32>
    %broadcast_in_dim3A_198 = vector.shape_cast %reduce_sum3A_197 : vector<1000xf32> to vector<1000x1xf32>
    %sqrt3A_199 = math.sqrt %broadcast_in_dim3A_198 : vector<1000x1xf32>
    %max3A_200 = arith.constant 1.000000e-15 : f32
    %max3A_201 = vector.broadcast %max3A_200 : f32 to vector<1000x1xf32>
    %max3A_202 = arith.maximumf %sqrt3A_199, %max3A_201 : vector<1000x1xf32>
    %min3A_203 = arith.constant 0.99999988 : f32
    %min3A_204 = vector.broadcast %min3A_203 : f32 to vector<1000x1xf32>
    %min3A_205 = arith.minimumf %max3A_202, %min3A_204 : vector<1000x1xf32>
    %add3A_206 = arith.constant 1.000000e+00 : f32
    %add3A_207 = vector.broadcast %add3A_206 : f32 to vector<1000x1xf32>
    %add3A_208 = arith.addf %add3A_207, %min3A_205 : vector<1000x1xf32>
    %sub3A_209 = arith.constant 1.000000e+00 : f32
    %sub3A_210 = vector.broadcast %sub3A_209 : f32 to vector<1000x1xf32>
    %sub3A_211 = arith.subf %sub3A_210, %min3A_205 : vector<1000x1xf32>
    %div3A_212 = arith.divf %add3A_208, %sub3A_211 : vector<1000x1xf32>
    %log3A_213 = math.log %div3A_212 : vector<1000x1xf32>
    %mul3A_214 = arith.constant 5.000000e-01 : f32
    %mul3A_215 = vector.broadcast %mul3A_214 : f32 to vector<1000x1xf32>
    %mul3A_216 = arith.mulf %mul3A_215, %log3A_213 : vector<1000x1xf32>
    %mul3A_217 = vector.broadcast %mul3A_216 : vector<1000x1xf32> to vector<1000x128xf32>
    %mul3A_218 = arith.mulf %mul3A_217, %select_n3A_194 : vector<1000x128xf32>
    %div3A_219 = vector.broadcast %max3A_202 : vector<1000x1xf32> to vector<1000x128xf32>
    %div3A_220 = arith.divf %mul3A_218, %div3A_219 : vector<1000x128xf32>
    %slice3A = vector.extract_strided_slice %div3A_220 {offsets = [0, 0], sizes = [1000, 64], strides = [1, 1]} : vector<1000x128xf32> to vector<1000x64xf32>
    %swap3A = arith.constant 0 : index
    %swap3A_221 = arith.constant 0 : index
    %swap3A_222 = vector.load %arg4[%swap3A, %swap3A_221] : memref<1000x64xf32, #tpu.memory_space<vmem>>, vector<1000x64xf32>
    tpu.vector_store %arg4[%swap3A, %swap3A_221], %slice3A {strides = array<i32>} : memref<1000x64xf32, #tpu.memory_space<vmem>>, vector<1000x64xf32>,
    %slice3A_223 = vector.extract_strided_slice %div3A_220 {offsets = [0, 64], sizes = [1000, 64], strides = [1, 1]} : vector<1000x128xf32> to vector<1000x64xf32>
    %swap3A_224 = arith.constant 0 : index
    %swap3A_225 = arith.constant 0 : index
    %swap3A_226 = vector.load %arg5[%swap3A_224, %swap3A_225] : memref<1000x64xf32, #tpu.memory_space<vmem>>, vector<1000x64xf32>
    tpu.vector_store %arg5[%swap3A_224, %swap3A_225], %slice3A_223 {strides = array<i32>} : memref<1000x64xf32, #tpu.memory_space<vmem>>, vector<1000x64xf32>,
    return
  }
  func.func @transform_0(%arg0: i32) -> (i32, i32) {
    %c0_i32 = arith.constant 0 : i32
    %c0_i32_0 = arith.constant 0 : i32
    return %arg0, %c0_i32 : i32, i32
  }
  func.func @transform_1(%arg0: i32) -> (i32, i32) {
    %c0_i32 = arith.constant 0 : i32
    %c0_i32_0 = arith.constant 0 : i32
    %c0_i32_1 = arith.constant 0 : i32
    return %c0_i32, %c0_i32_0 : i32, i32
  }
  func.func @transform_2(%arg0: i32) -> (i32, i32) {
    %c0_i32 = arith.constant 0 : i32
    %c0_i32_0 = arith.constant 0 : i32
    %c0_i32_1 = arith.constant 0 : i32
    return %c0_i32, %c0_i32_0 : i32, i32
  }
  func.func @transform_3(%arg0: i32) -> (i32, i32) {
    %c0_i32 = arith.constant 0 : i32
    %c0_i32_0 = arith.constant 0 : i32
    return %arg0, %c0_i32 : i32, i32
  }
  func.func @transform_4(%arg0: i32) -> (i32, i32) {
    %c0_i32 = arith.constant 0 : i32
    %c0_i32_0 = arith.constant 0 : i32
    return %arg0, %c0_i32 : i32, i32
  }
}

module attributes {stable_mosaic.version = 14 : i64} {
  func.func @_stage2_body(%arg0: i32, %arg1: memref<1000x64xf32, #tpu.memory_space<vmem>>, %arg2: memref<1000x64xf32, #tpu.memory_space<vmem>>, %arg3: memref<1000x16xf32, #tpu.memory_space<vmem>>, %arg4: memref<1000x16xf32, #tpu.memory_space<vmem>>, %arg5: memref<128x128xf32, #tpu.memory_space<vmem>>, %arg6: memref<1x128xf32, #tpu.memory_space<vmem>>, %arg7: memref<1000x64xf32, #tpu.memory_space<vmem>>, %arg8: memref<1000x64xf32, #tpu.memory_space<vmem>>) attributes {dimension_semantics = [#tpu.dimension_semantics<arbitrary>], iteration_bounds = array<i64: 10>, scalar_prefetch = 0 : i64, scratch_operands = 0 : i64, tpu.core_type = #tpu.core_type<tc>, window_params = [{transform_indices = @transform_0, window_bounds = array<i64: 1000, 64>}, {transform_indices = @transform_1, window_bounds = array<i64: 1000, 64>}, {transform_indices = @transform_2, window_bounds = array<i64: 1000, 16>}, {transform_indices = @transform_3, window_bounds = array<i64: 1000, 16>}, {pipeline_mode = #tpu.pipeline_mode<synchronous>, transform_indices = @transform_4, window_bounds = array<i64: 128, 128>}, {pipeline_mode = #tpu.pipeline_mode<synchronous>, transform_indices = @transform_5, window_bounds = array<i64: 1, 128>}, {transform_indices = @transform_6, window_bounds = array<i64: 1000, 64>}, {transform_indices = @transform_7, window_bounds = array<i64: 1000, 64>}]} {
    %get3A = arith.constant 0 : index
    %get3A_0 = arith.constant 0 : index
    %get3A_1 = vector.load %arg1[%get3A, %get3A_0] : memref<1000x64xf32, #tpu.memory_space<vmem>>, vector<1000x64xf32>
    %get3A_2 = arith.constant 0 : index
    %get3A_3 = arith.constant 0 : index
    %get3A_4 = vector.load %arg2[%get3A_2, %get3A_3] : memref<1000x64xf32, #tpu.memory_space<vmem>>, vector<1000x64xf32>
    %get3A_5 = arith.constant 0 : index
    %get3A_6 = arith.constant 0 : index
    %get3A_7 = vector.load %arg3[%get3A_5, %get3A_6] : memref<1000x16xf32, #tpu.memory_space<vmem>>, vector<1000x16xf32>
    %get3A_8 = arith.constant 0 : index
    %get3A_9 = arith.constant 0 : index
    %get3A_10 = vector.load %arg4[%get3A_8, %get3A_9] : memref<1000x16xf32, #tpu.memory_space<vmem>>, vector<1000x16xf32>
    %slice3A = vector.extract_strided_slice %get3A_7 {offsets = [0, 0], sizes = [1000, 1], strides = [1, 1]} : vector<1000x16xf32> to vector<1000x1xf32>
    %slice3A_11 = vector.extract_strided_slice %get3A_10 {offsets = [0, 0], sizes = [1000, 1], strides = [1, 1]} : vector<1000x16xf32> to vector<1000x1xf32>
    %add3A = arith.addf %slice3A, %slice3A_11 : vector<1000x1xf32>
    %max3A = arith.constant 1.000000e+00 : f32
    %max3A_12 = vector.broadcast %max3A : f32 to vector<1000x1xf32>
    %max3A_13 = arith.maximumf %add3A, %max3A_12 : vector<1000x1xf32>
    %concatenate3A = tpu.concatenate %get3A_1, %get3A_4 in 1 : vector<1000x64xf32>, vector<1000x64xf32> -> vector<1000x128xf32>
    %div3A = vector.broadcast %max3A_13 : vector<1000x1xf32> to vector<1000x128xf32>
    %div3A_14 = arith.divf %concatenate3A, %div3A : vector<1000x128xf32>
    %mul3A = arith.mulf %div3A_14, %div3A_14 : vector<1000x128xf32>
    %reduce_sum3A = arith.constant dense<0.000000e+00> : vector<1000xf32>
    %reduce_sum3A_15 = vector.multi_reduction <add>, %mul3A, %reduce_sum3A [1] : vector<1000x128xf32> to vector<1000xf32>
    %broadcast_in_dim3A = vector.shape_cast %reduce_sum3A_15 : vector<1000xf32> to vector<1000x1xf32>
    %sqrt3A = math.sqrt %broadcast_in_dim3A : vector<1000x1xf32>
    %max3A_16 = arith.constant 1.000000e-15 : f32
    %max3A_17 = vector.broadcast %max3A_16 : f32 to vector<1000x1xf32>
    %max3A_18 = arith.maximumf %sqrt3A, %max3A_17 : vector<1000x1xf32>
    %tanh3A = math.tanh %max3A_18 : vector<1000x1xf32>
    %mul3A_19 = vector.broadcast %tanh3A : vector<1000x1xf32> to vector<1000x128xf32>
    %mul3A_20 = arith.mulf %mul3A_19, %div3A_14 : vector<1000x128xf32>
    %div3A_21 = vector.broadcast %max3A_18 : vector<1000x1xf32> to vector<1000x128xf32>
    %div3A_22 = arith.divf %mul3A_20, %div3A_21 : vector<1000x128xf32>
    %mul3A_23 = arith.mulf %div3A_22, %div3A_22 : vector<1000x128xf32>
    %reduce_sum3A_24 = arith.constant dense<0.000000e+00> : vector<1000xf32>
    %reduce_sum3A_25 = vector.multi_reduction <add>, %mul3A_23, %reduce_sum3A_24 [1] : vector<1000x128xf32> to vector<1000xf32>
    %broadcast_in_dim3A_26 = vector.shape_cast %reduce_sum3A_25 : vector<1000xf32> to vector<1000x1xf32>
    %sqrt3A_27 = math.sqrt %broadcast_in_dim3A_26 : vector<1000x1xf32>
    %max3A_28 = arith.constant 1.000000e-15 : f32
    %max3A_29 = vector.broadcast %max3A_28 : f32 to vector<1000x1xf32>
    %max3A_30 = arith.maximumf %sqrt3A_27, %max3A_29 : vector<1000x1xf32>
    %gt3A = arith.constant 0.995999991 : f32
    %gt3A_31 = vector.broadcast %gt3A : f32 to vector<1000x1xf32>
    %gt3A_32 = arith.cmpf ogt, %max3A_30, %gt3A_31 : vector<1000x1xf32>
    %div3A_33 = arith.constant 0.995999991 : f32
    %div3A_34 = vector.broadcast %div3A_33 : f32 to vector<1000x1xf32>
    %div3A_35 = arith.divf %div3A_34, %max3A_30 : vector<1000x1xf32>
    %mul3A_36 = vector.broadcast %div3A_35 : vector<1000x1xf32> to vector<1000x128xf32>
    %mul3A_37 = arith.mulf %div3A_22, %mul3A_36 : vector<1000x128xf32>
    %broadcast_in_dim3A_38 = vector.shape_cast %gt3A_32 : vector<1000x1xi1> to vector<1000x1xi1>
    %broadcast_in_dim3A_39 = vector.broadcast %broadcast_in_dim3A_38 : vector<1000x1xi1> to vector<1000x128xi1>
    %select_n3A = arith.select %broadcast_in_dim3A_39, %mul3A_37, %div3A_22 : vector<1000x128xi1>, vector<1000x128xf32>
    %mul3A_40 = arith.mulf %select_n3A, %select_n3A : vector<1000x128xf32>
    %reduce_sum3A_41 = arith.constant dense<0.000000e+00> : vector<1000xf32>
    %reduce_sum3A_42 = vector.multi_reduction <add>, %mul3A_40, %reduce_sum3A_41 [1] : vector<1000x128xf32> to vector<1000xf32>
    %broadcast_in_dim3A_43 = vector.shape_cast %reduce_sum3A_42 : vector<1000xf32> to vector<1000x1xf32>
    %sqrt3A_44 = math.sqrt %broadcast_in_dim3A_43 : vector<1000x1xf32>
    %max3A_45 = arith.constant 1.000000e-15 : f32
    %max3A_46 = vector.broadcast %max3A_45 : f32 to vector<1000x1xf32>
    %max3A_47 = arith.maximumf %sqrt3A_44, %max3A_46 : vector<1000x1xf32>
    %min3A = arith.constant 0.99999988 : f32
    %min3A_48 = vector.broadcast %min3A : f32 to vector<1000x1xf32>
    %min3A_49 = arith.minimumf %max3A_47, %min3A_48 : vector<1000x1xf32>
    %add3A_50 = arith.constant 1.000000e+00 : f32
    %add3A_51 = vector.broadcast %add3A_50 : f32 to vector<1000x1xf32>
    %add3A_52 = arith.addf %add3A_51, %min3A_49 : vector<1000x1xf32>
    %sub3A = arith.constant 1.000000e+00 : f32
    %sub3A_53 = vector.broadcast %sub3A : f32 to vector<1000x1xf32>
    %sub3A_54 = arith.subf %sub3A_53, %min3A_49 : vector<1000x1xf32>
    %div3A_55 = arith.divf %add3A_52, %sub3A_54 : vector<1000x1xf32>
    %log3A = math.log %div3A_55 : vector<1000x1xf32>
    %mul3A_56 = arith.constant 5.000000e-01 : f32
    %mul3A_57 = vector.broadcast %mul3A_56 : f32 to vector<1000x1xf32>
    %mul3A_58 = arith.mulf %mul3A_57, %log3A : vector<1000x1xf32>
    %mul3A_59 = vector.broadcast %mul3A_58 : vector<1000x1xf32> to vector<1000x128xf32>
    %mul3A_60 = arith.mulf %mul3A_59, %select_n3A : vector<1000x128xf32>
    %div3A_61 = vector.broadcast %max3A_47 : vector<1000x1xf32> to vector<1000x128xf32>
    %div3A_62 = arith.divf %mul3A_60, %div3A_61 : vector<1000x128xf32>
    %max3A_63 = arith.constant 0.000000e+00 : f32
    %max3A_64 = vector.broadcast %max3A_63 : f32 to vector<1000x128xf32>
    %max3A_65 = arith.maximumf %div3A_62, %max3A_64 : vector<1000x128xf32>
    %mul3A_66 = arith.mulf %max3A_65, %max3A_65 : vector<1000x128xf32>
    %reduce_sum3A_67 = arith.constant dense<0.000000e+00> : vector<1000xf32>
    %reduce_sum3A_68 = vector.multi_reduction <add>, %mul3A_66, %reduce_sum3A_67 [1] : vector<1000x128xf32> to vector<1000xf32>
    %broadcast_in_dim3A_69 = vector.shape_cast %reduce_sum3A_68 : vector<1000xf32> to vector<1000x1xf32>
    %sqrt3A_70 = math.sqrt %broadcast_in_dim3A_69 : vector<1000x1xf32>
    %max3A_71 = arith.constant 1.000000e-15 : f32
    %max3A_72 = vector.broadcast %max3A_71 : f32 to vector<1000x1xf32>
    %max3A_73 = arith.maximumf %sqrt3A_70, %max3A_72 : vector<1000x1xf32>
    %tanh3A_74 = math.tanh %max3A_73 : vector<1000x1xf32>
    %mul3A_75 = vector.broadcast %tanh3A_74 : vector<1000x1xf32> to vector<1000x128xf32>
    %mul3A_76 = arith.mulf %mul3A_75, %max3A_65 : vector<1000x128xf32>
    %div3A_77 = vector.broadcast %max3A_73 : vector<1000x1xf32> to vector<1000x128xf32>
    %div3A_78 = arith.divf %mul3A_76, %div3A_77 : vector<1000x128xf32>
    %mul3A_79 = arith.mulf %div3A_78, %div3A_78 : vector<1000x128xf32>
    %reduce_sum3A_80 = arith.constant dense<0.000000e+00> : vector<1000xf32>
    %reduce_sum3A_81 = vector.multi_reduction <add>, %mul3A_79, %reduce_sum3A_80 [1] : vector<1000x128xf32> to vector<1000xf32>
    %broadcast_in_dim3A_82 = vector.shape_cast %reduce_sum3A_81 : vector<1000xf32> to vector<1000x1xf32>
    %sqrt3A_83 = math.sqrt %broadcast_in_dim3A_82 : vector<1000x1xf32>
    %max3A_84 = arith.constant 1.000000e-15 : f32
    %max3A_85 = vector.broadcast %max3A_84 : f32 to vector<1000x1xf32>
    %max3A_86 = arith.maximumf %sqrt3A_83, %max3A_85 : vector<1000x1xf32>
    %gt3A_87 = arith.constant 0.995999991 : f32
    %gt3A_88 = vector.broadcast %gt3A_87 : f32 to vector<1000x1xf32>
    %gt3A_89 = arith.cmpf ogt, %max3A_86, %gt3A_88 : vector<1000x1xf32>
    %div3A_90 = arith.constant 0.995999991 : f32
    %div3A_91 = vector.broadcast %div3A_90 : f32 to vector<1000x1xf32>
    %div3A_92 = arith.divf %div3A_91, %max3A_86 : vector<1000x1xf32>
    %mul3A_93 = vector.broadcast %div3A_92 : vector<1000x1xf32> to vector<1000x128xf32>
    %mul3A_94 = arith.mulf %div3A_78, %mul3A_93 : vector<1000x128xf32>
    %broadcast_in_dim3A_95 = vector.shape_cast %gt3A_89 : vector<1000x1xi1> to vector<1000x1xi1>
    %broadcast_in_dim3A_96 = vector.broadcast %broadcast_in_dim3A_95 : vector<1000x1xi1> to vector<1000x128xi1>
    %select_n3A_97 = arith.select %broadcast_in_dim3A_96, %mul3A_94, %div3A_78 : vector<1000x128xi1>, vector<1000x128xf32>
    %get3A_98 = arith.constant 0 : index
    %get3A_99 = arith.constant 0 : index
    %get3A_100 = vector.load %arg5[%get3A_98, %get3A_99] : memref<128x128xf32, #tpu.memory_space<vmem>>, vector<128x128xf32>
    %get3A_101 = arith.constant 0 : index
    %get3A_102 = arith.constant 0 : index
    %get3A_103 = vector.load %arg6[%get3A_101, %get3A_102] : memref<1x128xf32, #tpu.memory_space<vmem>>, vector<1x128xf32>
    %mul3A_104 = arith.mulf %select_n3A_97, %select_n3A_97 : vector<1000x128xf32>
    %reduce_sum3A_105 = arith.constant dense<0.000000e+00> : vector<1000xf32>
    %reduce_sum3A_106 = vector.multi_reduction <add>, %mul3A_104, %reduce_sum3A_105 [1] : vector<1000x128xf32> to vector<1000xf32>
    %broadcast_in_dim3A_107 = vector.shape_cast %reduce_sum3A_106 : vector<1000xf32> to vector<1000x1xf32>
    %sqrt3A_108 = math.sqrt %broadcast_in_dim3A_107 : vector<1000x1xf32>
    %max3A_109 = arith.constant 1.000000e-15 : f32
    %max3A_110 = vector.broadcast %max3A_109 : f32 to vector<1000x1xf32>
    %max3A_111 = arith.maximumf %sqrt3A_108, %max3A_110 : vector<1000x1xf32>
    %dot_general3A = arith.constant dense<0.000000e+00> : vector<1000x128xf32>
    %dot_general3A_112 = tpu.matmul %select_n3A_97, %get3A_100, %dot_general3A {dimension_numbers = #tpu.dot_dimension_numbers<[1], [1], [0], [0], [0, 0, 1, 0], [], []>, precision = #tpu.contract_precision<fp32>, transpose_lhs_hint = false} : vector<1000x128xf32>, vector<128x128xf32>, vector<1000x128xf32> -> vector<1000x128xf32>
    %mul3A_113 = arith.mulf %dot_general3A_112, %dot_general3A_112 : vector<1000x128xf32>
    %reduce_sum3A_114 = arith.constant dense<0.000000e+00> : vector<1000xf32>
    %reduce_sum3A_115 = vector.multi_reduction <add>, %mul3A_113, %reduce_sum3A_114 [1] : vector<1000x128xf32> to vector<1000xf32>
    %broadcast_in_dim3A_116 = vector.shape_cast %reduce_sum3A_115 : vector<1000xf32> to vector<1000x1xf32>
    %sqrt3A_117 = math.sqrt %broadcast_in_dim3A_116 : vector<1000x1xf32>
    %max3A_118 = arith.constant 1.000000e-15 : f32
    %max3A_119 = vector.broadcast %max3A_118 : f32 to vector<1000x1xf32>
    %max3A_120 = arith.maximumf %sqrt3A_117, %max3A_119 : vector<1000x1xf32>
    %div3A_121 = arith.divf %max3A_120, %max3A_111 : vector<1000x1xf32>
    %min3A_122 = arith.constant 0.99999988 : f32
    %min3A_123 = vector.broadcast %min3A_122 : f32 to vector<1000x1xf32>
    %min3A_124 = arith.minimumf %max3A_111, %min3A_123 : vector<1000x1xf32>
    %add3A_125 = arith.constant 1.000000e+00 : f32
    %add3A_126 = vector.broadcast %add3A_125 : f32 to vector<1000x1xf32>
    %add3A_127 = arith.addf %add3A_126, %min3A_124 : vector<1000x1xf32>
    %sub3A_128 = arith.constant 1.000000e+00 : f32
    %sub3A_129 = vector.broadcast %sub3A_128 : f32 to vector<1000x1xf32>
    %sub3A_130 = arith.subf %sub3A_129, %min3A_124 : vector<1000x1xf32>
    %div3A_131 = arith.divf %add3A_127, %sub3A_130 : vector<1000x1xf32>
    %log3A_132 = math.log %div3A_131 : vector<1000x1xf32>
    %mul3A_133 = arith.constant 5.000000e-01 : f32
    %mul3A_134 = vector.broadcast %mul3A_133 : f32 to vector<1000x1xf32>
    %mul3A_135 = arith.mulf %mul3A_134, %log3A_132 : vector<1000x1xf32>
    %mul3A_136 = arith.mulf %div3A_121, %mul3A_135 : vector<1000x1xf32>
    %tanh3A_137 = math.tanh %mul3A_136 : vector<1000x1xf32>
    %mul3A_138 = vector.broadcast %tanh3A_137 : vector<1000x1xf32> to vector<1000x128xf32>
    %mul3A_139 = arith.mulf %mul3A_138, %dot_general3A_112 : vector<1000x128xf32>
    %div3A_140 = vector.broadcast %max3A_120 : vector<1000x1xf32> to vector<1000x128xf32>
    %div3A_141 = arith.divf %mul3A_139, %div3A_140 : vector<1000x128xf32>
    %eq3A = arith.constant 0.000000e+00 : f32
    %eq3A_142 = vector.broadcast %eq3A : f32 to vector<1000x128xf32>
    %eq3A_143 = arith.cmpf oeq, %dot_general3A_112, %eq3A_142 : vector<1000x128xf32>
    %reduce_and3A = arith.constant 1.000000e+00 : f32
    %reduce_and3A_144 = arith.constant 0.000000e+00 : f32
    %reduce_and3A_145 = vector.broadcast %reduce_and3A : f32 to vector<1000x128xf32>
    %reduce_and3A_146 = vector.broadcast %reduce_and3A_144 : f32 to vector<1000x128xf32>
    %reduce_and3A_147 = arith.select %eq3A_143, %reduce_and3A_145, %reduce_and3A_146 : vector<1000x128xi1>, vector<1000x128xf32>
    %reduce_and3A_148 = arith.constant dense<0x7F800000> : vector<1000xf32>
    %reduce_and3A_149 = vector.multi_reduction <minimumf>, %reduce_and3A_147, %reduce_and3A_148 [1] : vector<1000x128xf32> to vector<1000xf32>
    %reduce_and3A_150 = arith.constant 0.000000e+00 : f32
    %reduce_and3A_151 = vector.broadcast %reduce_and3A_150 : f32 to vector<1000xf32>
    %reduce_and3A_152 = arith.cmpf ogt, %reduce_and3A_149, %reduce_and3A_151 : vector<1000xf32>
    %broadcast_in_dim3A_153 = vector.shape_cast %reduce_and3A_152 : vector<1000xi1> to vector<1000x1xi1>
    %jit3A = arith.constant 0.000000e+00 : f32
    %broadcast_in_dim3A_154 = vector.shape_cast %broadcast_in_dim3A_153 : vector<1000x1xi1> to vector<1000x1xi1>
    %broadcast_in_dim3A_155 = vector.broadcast %broadcast_in_dim3A_154 : vector<1000x1xi1> to vector<1000x128xi1>
    %broadcast_in_dim3A_156 = vector.broadcast %jit3A : f32 to vector<1000x128xf32>
    %select_n3A_157 = arith.select %broadcast_in_dim3A_155, %broadcast_in_dim3A_156, %div3A_141 : vector<1000x128xi1>, vector<1000x128xf32>
    %mul3A_158 = arith.mulf %select_n3A_157, %select_n3A_157 : vector<1000x128xf32>
    %reduce_sum3A_159 = arith.constant dense<0.000000e+00> : vector<1000xf32>
    %reduce_sum3A_160 = vector.multi_reduction <add>, %mul3A_158, %reduce_sum3A_159 [1] : vector<1000x128xf32> to vector<1000xf32>
    %broadcast_in_dim3A_161 = vector.shape_cast %reduce_sum3A_160 : vector<1000xf32> to vector<1000x1xf32>
    %sqrt3A_162 = math.sqrt %broadcast_in_dim3A_161 : vector<1000x1xf32>
    %max3A_163 = arith.constant 1.000000e-15 : f32
    %max3A_164 = vector.broadcast %max3A_163 : f32 to vector<1000x1xf32>
    %max3A_165 = arith.maximumf %sqrt3A_162, %max3A_164 : vector<1000x1xf32>
    %gt3A_166 = arith.constant 0.995999991 : f32
    %gt3A_167 = vector.broadcast %gt3A_166 : f32 to vector<1000x1xf32>
    %gt3A_168 = arith.cmpf ogt, %max3A_165, %gt3A_167 : vector<1000x1xf32>
    %div3A_169 = arith.constant 0.995999991 : f32
    %div3A_170 = vector.broadcast %div3A_169 : f32 to vector<1000x1xf32>
    %div3A_171 = arith.divf %div3A_170, %max3A_165 : vector<1000x1xf32>
    %mul3A_172 = vector.broadcast %div3A_171 : vector<1000x1xf32> to vector<1000x128xf32>
    %mul3A_173 = arith.mulf %select_n3A_157, %mul3A_172 : vector<1000x128xf32>
    %broadcast_in_dim3A_174 = vector.shape_cast %gt3A_168 : vector<1000x1xi1> to vector<1000x1xi1>
    %broadcast_in_dim3A_175 = vector.broadcast %broadcast_in_dim3A_174 : vector<1000x1xi1> to vector<1000x128xi1>
    %select_n3A_176 = arith.select %broadcast_in_dim3A_175, %mul3A_173, %select_n3A_157 : vector<1000x128xi1>, vector<1000x128xf32>
    %mul3A_177 = arith.mulf %get3A_103, %get3A_103 : vector<1x128xf32>
    %reduce_sum3A_178 = arith.constant dense<0.000000e+00> : vector<1xf32>
    %reduce_sum3A_179 = vector.multi_reduction <add>, %mul3A_177, %reduce_sum3A_178 [1] : vector<1x128xf32> to vector<1xf32>
    %broadcast_in_dim3A_180 = vector.shape_cast %reduce_sum3A_179 : vector<1xf32> to vector<1x1xf32>
    %sqrt3A_181 = math.sqrt %broadcast_in_dim3A_180 : vector<1x1xf32>
    %max3A_182 = arith.constant 1.000000e-15 : f32
    %max3A_183 = vector.broadcast %max3A_182 : f32 to vector<1x1xf32>
    %max3A_184 = arith.maximumf %sqrt3A_181, %max3A_183 : vector<1x1xf32>
    %tanh3A_185 = math.tanh %max3A_184 : vector<1x1xf32>
    %mul3A_186 = vector.broadcast %tanh3A_185 : vector<1x1xf32> to vector<1x128xf32>
    %mul3A_187 = arith.mulf %mul3A_186, %get3A_103 : vector<1x128xf32>
    %div3A_188 = vector.broadcast %max3A_184 : vector<1x1xf32> to vector<1x128xf32>
    %div3A_189 = arith.divf %mul3A_187, %div3A_188 : vector<1x128xf32>
    %mul3A_190 = arith.mulf %div3A_189, %div3A_189 : vector<1x128xf32>
    %reduce_sum3A_191 = arith.constant dense<0.000000e+00> : vector<1xf32>
    %reduce_sum3A_192 = vector.multi_reduction <add>, %mul3A_190, %reduce_sum3A_191 [1] : vector<1x128xf32> to vector<1xf32>
    %broadcast_in_dim3A_193 = vector.shape_cast %reduce_sum3A_192 : vector<1xf32> to vector<1x1xf32>
    %sqrt3A_194 = math.sqrt %broadcast_in_dim3A_193 : vector<1x1xf32>
    %max3A_195 = arith.constant 1.000000e-15 : f32
    %max3A_196 = vector.broadcast %max3A_195 : f32 to vector<1x1xf32>
    %max3A_197 = arith.maximumf %sqrt3A_194, %max3A_196 : vector<1x1xf32>
    %gt3A_198 = arith.constant 0.995999991 : f32
    %gt3A_199 = vector.broadcast %gt3A_198 : f32 to vector<1x1xf32>
    %gt3A_200 = arith.cmpf ogt, %max3A_197, %gt3A_199 : vector<1x1xf32>
    %div3A_201 = arith.constant 0.995999991 : f32
    %div3A_202 = vector.broadcast %div3A_201 : f32 to vector<1x1xf32>
    %div3A_203 = arith.divf %div3A_202, %max3A_197 : vector<1x1xf32>
    %mul3A_204 = vector.broadcast %div3A_203 : vector<1x1xf32> to vector<1x128xf32>
    %mul3A_205 = arith.mulf %div3A_189, %mul3A_204 : vector<1x128xf32>
    %broadcast_in_dim3A_206 = vector.shape_cast %gt3A_200 : vector<1x1xi1> to vector<1x1xi1>
    %broadcast_in_dim3A_207 = vector.broadcast %broadcast_in_dim3A_206 : vector<1x1xi1> to vector<1x128xi1>
    %select_n3A_208 = arith.select %broadcast_in_dim3A_207, %mul3A_205, %div3A_189 : vector<1x128xi1>, vector<1x128xf32>
    %mul3A_209 = arith.mulf %select_n3A_176, %select_n3A_176 : vector<1000x128xf32>
    %reduce_sum3A_210 = arith.constant dense<0.000000e+00> : vector<1000xf32>
    %reduce_sum3A_211 = vector.multi_reduction <add>, %mul3A_209, %reduce_sum3A_210 [1] : vector<1000x128xf32> to vector<1000xf32>
    %broadcast_in_dim3A_212 = vector.shape_cast %reduce_sum3A_211 : vector<1000xf32> to vector<1000x1xf32>
    %mul3A_213 = arith.mulf %select_n3A_208, %select_n3A_208 : vector<1x128xf32>
    %reduce_sum3A_214 = arith.constant dense<0.000000e+00> : vector<1xf32>
    %reduce_sum3A_215 = vector.multi_reduction <add>, %mul3A_213, %reduce_sum3A_214 [1] : vector<1x128xf32> to vector<1xf32>
    %broadcast_in_dim3A_216 = vector.shape_cast %reduce_sum3A_215 : vector<1xf32> to vector<1x1xf32>
    %mul3A_217 = vector.broadcast %select_n3A_208 : vector<1x128xf32> to vector<1000x128xf32>
    %mul3A_218 = arith.mulf %select_n3A_176, %mul3A_217 : vector<1000x128xf32>
    %reduce_sum3A_219 = arith.constant dense<0.000000e+00> : vector<1000xf32>
    %reduce_sum3A_220 = vector.multi_reduction <add>, %mul3A_218, %reduce_sum3A_219 [1] : vector<1000x128xf32> to vector<1000xf32>
    %broadcast_in_dim3A_221 = vector.shape_cast %reduce_sum3A_220 : vector<1000xf32> to vector<1000x1xf32>
    %mul3A_222 = arith.constant 2.000000e+00 : f32
    %mul3A_223 = vector.broadcast %mul3A_222 : f32 to vector<1000x1xf32>
    %mul3A_224 = arith.mulf %mul3A_223, %broadcast_in_dim3A_221 : vector<1000x1xf32>
    %add3A_225 = arith.constant 1.000000e+00 : f32
    %add3A_226 = vector.broadcast %add3A_225 : f32 to vector<1000x1xf32>
    %add3A_227 = arith.addf %add3A_226, %mul3A_224 : vector<1000x1xf32>
    %add3A_228 = vector.broadcast %broadcast_in_dim3A_216 : vector<1x1xf32> to vector<1000x1xf32>
    %add3A_229 = arith.addf %add3A_227, %add3A_228 : vector<1000x1xf32>
    %mul3A_230 = vector.broadcast %add3A_229 : vector<1000x1xf32> to vector<1000x128xf32>
    %mul3A_231 = arith.mulf %mul3A_230, %select_n3A_176 : vector<1000x128xf32>
    %sub3A_232 = arith.constant 1.000000e+00 : f32
    %sub3A_233 = vector.broadcast %sub3A_232 : f32 to vector<1000x1xf32>
    %sub3A_234 = arith.subf %sub3A_233, %broadcast_in_dim3A_212 : vector<1000x1xf32>
    %mul3A_235 = vector.broadcast %sub3A_234 : vector<1000x1xf32> to vector<1000x128xf32>
    %mul3A_236 = vector.broadcast %select_n3A_208 : vector<1x128xf32> to vector<1000x128xf32>
    %mul3A_237 = arith.mulf %mul3A_235, %mul3A_236 : vector<1000x128xf32>
    %add3A_238 = arith.addf %mul3A_231, %mul3A_237 : vector<1000x128xf32>
    %mul3A_239 = arith.constant 2.000000e+00 : f32
    %mul3A_240 = vector.broadcast %mul3A_239 : f32 to vector<1000x1xf32>
    %mul3A_241 = arith.mulf %mul3A_240, %broadcast_in_dim3A_221 : vector<1000x1xf32>
    %add3A_242 = arith.constant 1.000000e+00 : f32
    %add3A_243 = vector.broadcast %add3A_242 : f32 to vector<1000x1xf32>
    %add3A_244 = arith.addf %add3A_243, %mul3A_241 : vector<1000x1xf32>
    %mul3A_245 = vector.broadcast %broadcast_in_dim3A_216 : vector<1x1xf32> to vector<1000x1xf32>
    %mul3A_246 = arith.mulf %broadcast_in_dim3A_212, %mul3A_245 : vector<1000x1xf32>
    %add3A_247 = arith.addf %add3A_244, %mul3A_246 : vector<1000x1xf32>
    %max3A_248 = arith.constant 1.000000e-15 : f32
    %max3A_249 = vector.broadcast %max3A_248 : f32 to vector<1000x1xf32>
    %max3A_250 = arith.maximumf %add3A_247, %max3A_249 : vector<1000x1xf32>
    %div3A_251 = vector.broadcast %max3A_250 : vector<1000x1xf32> to vector<1000x128xf32>
    %div3A_252 = arith.divf %add3A_238, %div3A_251 : vector<1000x128xf32>
    %mul3A_253 = arith.mulf %div3A_252, %div3A_252 : vector<1000x128xf32>
    %reduce_sum3A_254 = arith.constant dense<0.000000e+00> : vector<1000xf32>
    %reduce_sum3A_255 = vector.multi_reduction <add>, %mul3A_253, %reduce_sum3A_254 [1] : vector<1000x128xf32> to vector<1000xf32>
    %broadcast_in_dim3A_256 = vector.shape_cast %reduce_sum3A_255 : vector<1000xf32> to vector<1000x1xf32>
    %sqrt3A_257 = math.sqrt %broadcast_in_dim3A_256 : vector<1000x1xf32>
    %max3A_258 = arith.constant 1.000000e-15 : f32
    %max3A_259 = vector.broadcast %max3A_258 : f32 to vector<1000x1xf32>
    %max3A_260 = arith.maximumf %sqrt3A_257, %max3A_259 : vector<1000x1xf32>
    %gt3A_261 = arith.constant 0.995999991 : f32
    %gt3A_262 = vector.broadcast %gt3A_261 : f32 to vector<1000x1xf32>
    %gt3A_263 = arith.cmpf ogt, %max3A_260, %gt3A_262 : vector<1000x1xf32>
    %div3A_264 = arith.constant 0.995999991 : f32
    %div3A_265 = vector.broadcast %div3A_264 : f32 to vector<1000x1xf32>
    %div3A_266 = arith.divf %div3A_265, %max3A_260 : vector<1000x1xf32>
    %mul3A_267 = vector.broadcast %div3A_266 : vector<1000x1xf32> to vector<1000x128xf32>
    %mul3A_268 = arith.mulf %div3A_252, %mul3A_267 : vector<1000x128xf32>
    %broadcast_in_dim3A_269 = vector.shape_cast %gt3A_263 : vector<1000x1xi1> to vector<1000x1xi1>
    %broadcast_in_dim3A_270 = vector.broadcast %broadcast_in_dim3A_269 : vector<1000x1xi1> to vector<1000x128xi1>
    %select_n3A_271 = arith.select %broadcast_in_dim3A_270, %mul3A_268, %div3A_252 : vector<1000x128xi1>, vector<1000x128xf32>
    %mul3A_272 = arith.mulf %select_n3A_271, %select_n3A_271 : vector<1000x128xf32>
    %reduce_sum3A_273 = arith.constant dense<0.000000e+00> : vector<1000xf32>
    %reduce_sum3A_274 = vector.multi_reduction <add>, %mul3A_272, %reduce_sum3A_273 [1] : vector<1000x128xf32> to vector<1000xf32>
    %broadcast_in_dim3A_275 = vector.shape_cast %reduce_sum3A_274 : vector<1000xf32> to vector<1000x1xf32>
    %sqrt3A_276 = math.sqrt %broadcast_in_dim3A_275 : vector<1000x1xf32>
    %max3A_277 = arith.constant 1.000000e-15 : f32
    %max3A_278 = vector.broadcast %max3A_277 : f32 to vector<1000x1xf32>
    %max3A_279 = arith.maximumf %sqrt3A_276, %max3A_278 : vector<1000x1xf32>
    %min3A_280 = arith.constant 0.99999988 : f32
    %min3A_281 = vector.broadcast %min3A_280 : f32 to vector<1000x1xf32>
    %min3A_282 = arith.minimumf %max3A_279, %min3A_281 : vector<1000x1xf32>
    %add3A_283 = arith.constant 1.000000e+00 : f32
    %add3A_284 = vector.broadcast %add3A_283 : f32 to vector<1000x1xf32>
    %add3A_285 = arith.addf %add3A_284, %min3A_282 : vector<1000x1xf32>
    %sub3A_286 = arith.constant 1.000000e+00 : f32
    %sub3A_287 = vector.broadcast %sub3A_286 : f32 to vector<1000x1xf32>
    %sub3A_288 = arith.subf %sub3A_287, %min3A_282 : vector<1000x1xf32>
    %div3A_289 = arith.divf %add3A_285, %sub3A_288 : vector<1000x1xf32>
    %log3A_290 = math.log %div3A_289 : vector<1000x1xf32>
    %mul3A_291 = arith.constant 5.000000e-01 : f32
    %mul3A_292 = vector.broadcast %mul3A_291 : f32 to vector<1000x1xf32>
    %mul3A_293 = arith.mulf %mul3A_292, %log3A_290 : vector<1000x1xf32>
    %mul3A_294 = vector.broadcast %mul3A_293 : vector<1000x1xf32> to vector<1000x128xf32>
    %mul3A_295 = arith.mulf %mul3A_294, %select_n3A_271 : vector<1000x128xf32>
    %div3A_296 = vector.broadcast %max3A_279 : vector<1000x1xf32> to vector<1000x128xf32>
    %div3A_297 = arith.divf %mul3A_295, %div3A_296 : vector<1000x128xf32>
    %slice3A_298 = vector.extract_strided_slice %div3A_297 {offsets = [0, 0], sizes = [1000, 64], strides = [1, 1]} : vector<1000x128xf32> to vector<1000x64xf32>
    %swap3A = arith.constant 0 : index
    %swap3A_299 = arith.constant 0 : index
    %swap3A_300 = vector.load %arg7[%swap3A, %swap3A_299] : memref<1000x64xf32, #tpu.memory_space<vmem>>, vector<1000x64xf32>
    tpu.vector_store %arg7[%swap3A, %swap3A_299], %slice3A_298 {strides = array<i32>} : memref<1000x64xf32, #tpu.memory_space<vmem>>, vector<1000x64xf32>,
    %slice3A_301 = vector.extract_strided_slice %div3A_297 {offsets = [0, 64], sizes = [1000, 64], strides = [1, 1]} : vector<1000x128xf32> to vector<1000x64xf32>
    %swap3A_302 = arith.constant 0 : index
    %swap3A_303 = arith.constant 0 : index
    %swap3A_304 = vector.load %arg8[%swap3A_302, %swap3A_303] : memref<1000x64xf32, #tpu.memory_space<vmem>>, vector<1000x64xf32>
    tpu.vector_store %arg8[%swap3A_302, %swap3A_303], %slice3A_301 {strides = array<i32>} : memref<1000x64xf32, #tpu.memory_space<vmem>>, vector<1000x64xf32>,
    return
  }
  func.func @transform_0(%arg0: i32) -> (i32, i32) {
    %c0_i32 = arith.constant 0 : i32
    %c0_i32_0 = arith.constant 0 : i32
    return %arg0, %c0_i32 : i32, i32
  }
  func.func @transform_1(%arg0: i32) -> (i32, i32) {
    %c0_i32 = arith.constant 0 : i32
    %c0_i32_0 = arith.constant 0 : i32
    return %arg0, %c0_i32 : i32, i32
  }
  func.func @transform_2(%arg0: i32) -> (i32, i32) {
    %c0_i32 = arith.constant 0 : i32
    %c0_i32_0 = arith.constant 0 : i32
    return %arg0, %c0_i32 : i32, i32
  }
  func.func @transform_3(%arg0: i32) -> (i32, i32) {
    %c0_i32 = arith.constant 0 : i32
    %c0_i32_0 = arith.constant 0 : i32
    return %arg0, %c0_i32 : i32, i32
  }
  func.func @transform_4(%arg0: i32) -> (i32, i32) {
    %c0_i32 = arith.constant 0 : i32
    %c0_i32_0 = arith.constant 0 : i32
    %c0_i32_1 = arith.constant 0 : i32
    return %c0_i32, %c0_i32_0 : i32, i32
  }
  func.func @transform_5(%arg0: i32) -> (i32, i32) {
    %c0_i32 = arith.constant 0 : i32
    %c0_i32_0 = arith.constant 0 : i32
    %c0_i32_1 = arith.constant 0 : i32
    return %c0_i32, %c0_i32_0 : i32, i32
  }
  func.func @transform_6(%arg0: i32) -> (i32, i32) {
    %c0_i32 = arith.constant 0 : i32
    %c0_i32_0 = arith.constant 0 : i32
    return %arg0, %c0_i32 : i32, i32
  }
  func.func @transform_7(%arg0: i32) -> (i32, i32) {
    %c0_i32 = arith.constant 0 : i32
    %c0_i32_0 = arith.constant 0 : i32
    return %arg0, %c0_i32 : i32, i32
  }
}

module attributes {stable_mosaic.version = 14 : i64} {
  func.func @_stage3_body(%arg0: i32, %arg1: memref<1000x64xf32, #tpu.memory_space<vmem>>, %arg2: memref<1000x64xf32, #tpu.memory_space<vmem>>, %arg3: memref<1000x16xf32, #tpu.memory_space<vmem>>, %arg4: memref<1000x16xf32, #tpu.memory_space<vmem>>, %arg5: memref<1000x128xf32, #tpu.memory_space<vmem>>) attributes {dimension_semantics = [#tpu.dimension_semantics<arbitrary>], iteration_bounds = array<i64: 10>, scalar_prefetch = 0 : i64, scratch_operands = 0 : i64, tpu.core_type = #tpu.core_type<tc>, window_params = [{transform_indices = @transform_0, window_bounds = array<i64: 1000, 64>}, {transform_indices = @transform_1, window_bounds = array<i64: 1000, 64>}, {transform_indices = @transform_2, window_bounds = array<i64: 1000, 16>}, {transform_indices = @transform_3, window_bounds = array<i64: 1000, 16>}, {transform_indices = @transform_4, window_bounds = array<i64: 1000, 128>}]} {
    %get3A = arith.constant 0 : index
    %get3A_0 = arith.constant 0 : index
    %get3A_1 = vector.load %arg1[%get3A, %get3A_0] : memref<1000x64xf32, #tpu.memory_space<vmem>>, vector<1000x64xf32>
    %get3A_2 = arith.constant 0 : index
    %get3A_3 = arith.constant 0 : index
    %get3A_4 = vector.load %arg2[%get3A_2, %get3A_3] : memref<1000x64xf32, #tpu.memory_space<vmem>>, vector<1000x64xf32>
    %get3A_5 = arith.constant 0 : index
    %get3A_6 = arith.constant 0 : index
    %get3A_7 = vector.load %arg3[%get3A_5, %get3A_6] : memref<1000x16xf32, #tpu.memory_space<vmem>>, vector<1000x16xf32>
    %get3A_8 = arith.constant 0 : index
    %get3A_9 = arith.constant 0 : index
    %get3A_10 = vector.load %arg4[%get3A_8, %get3A_9] : memref<1000x16xf32, #tpu.memory_space<vmem>>, vector<1000x16xf32>
    %slice3A = vector.extract_strided_slice %get3A_7 {offsets = [0, 0], sizes = [1000, 1], strides = [1, 1]} : vector<1000x16xf32> to vector<1000x1xf32>
    %slice3A_11 = vector.extract_strided_slice %get3A_10 {offsets = [0, 0], sizes = [1000, 1], strides = [1, 1]} : vector<1000x16xf32> to vector<1000x1xf32>
    %add3A = arith.addf %slice3A, %slice3A_11 : vector<1000x1xf32>
    %max3A = arith.constant 1.000000e+00 : f32
    %max3A_12 = vector.broadcast %max3A : f32 to vector<1000x1xf32>
    %max3A_13 = arith.maximumf %add3A, %max3A_12 : vector<1000x1xf32>
    %concatenate3A = tpu.concatenate %get3A_1, %get3A_4 in 1 : vector<1000x64xf32>, vector<1000x64xf32> -> vector<1000x128xf32>
    %div3A = vector.broadcast %max3A_13 : vector<1000x1xf32> to vector<1000x128xf32>
    %div3A_14 = arith.divf %concatenate3A, %div3A : vector<1000x128xf32>
    %mul3A = arith.mulf %div3A_14, %div3A_14 : vector<1000x128xf32>
    %reduce_sum3A = arith.constant dense<0.000000e+00> : vector<1000xf32>
    %reduce_sum3A_15 = vector.multi_reduction <add>, %mul3A, %reduce_sum3A [1] : vector<1000x128xf32> to vector<1000xf32>
    %broadcast_in_dim3A = vector.shape_cast %reduce_sum3A_15 : vector<1000xf32> to vector<1000x1xf32>
    %sqrt3A = math.sqrt %broadcast_in_dim3A : vector<1000x1xf32>
    %max3A_16 = arith.constant 1.000000e-15 : f32
    %max3A_17 = vector.broadcast %max3A_16 : f32 to vector<1000x1xf32>
    %max3A_18 = arith.maximumf %sqrt3A, %max3A_17 : vector<1000x1xf32>
    %tanh3A = math.tanh %max3A_18 : vector<1000x1xf32>
    %mul3A_19 = vector.broadcast %tanh3A : vector<1000x1xf32> to vector<1000x128xf32>
    %mul3A_20 = arith.mulf %mul3A_19, %div3A_14 : vector<1000x128xf32>
    %div3A_21 = vector.broadcast %max3A_18 : vector<1000x1xf32> to vector<1000x128xf32>
    %div3A_22 = arith.divf %mul3A_20, %div3A_21 : vector<1000x128xf32>
    %mul3A_23 = arith.mulf %div3A_22, %div3A_22 : vector<1000x128xf32>
    %reduce_sum3A_24 = arith.constant dense<0.000000e+00> : vector<1000xf32>
    %reduce_sum3A_25 = vector.multi_reduction <add>, %mul3A_23, %reduce_sum3A_24 [1] : vector<1000x128xf32> to vector<1000xf32>
    %broadcast_in_dim3A_26 = vector.shape_cast %reduce_sum3A_25 : vector<1000xf32> to vector<1000x1xf32>
    %sqrt3A_27 = math.sqrt %broadcast_in_dim3A_26 : vector<1000x1xf32>
    %max3A_28 = arith.constant 1.000000e-15 : f32
    %max3A_29 = vector.broadcast %max3A_28 : f32 to vector<1000x1xf32>
    %max3A_30 = arith.maximumf %sqrt3A_27, %max3A_29 : vector<1000x1xf32>
    %gt3A = arith.constant 0.995999991 : f32
    %gt3A_31 = vector.broadcast %gt3A : f32 to vector<1000x1xf32>
    %gt3A_32 = arith.cmpf ogt, %max3A_30, %gt3A_31 : vector<1000x1xf32>
    %div3A_33 = arith.constant 0.995999991 : f32
    %div3A_34 = vector.broadcast %div3A_33 : f32 to vector<1000x1xf32>
    %div3A_35 = arith.divf %div3A_34, %max3A_30 : vector<1000x1xf32>
    %mul3A_36 = vector.broadcast %div3A_35 : vector<1000x1xf32> to vector<1000x128xf32>
    %mul3A_37 = arith.mulf %div3A_22, %mul3A_36 : vector<1000x128xf32>
    %broadcast_in_dim3A_38 = vector.shape_cast %gt3A_32 : vector<1000x1xi1> to vector<1000x1xi1>
    %broadcast_in_dim3A_39 = vector.broadcast %broadcast_in_dim3A_38 : vector<1000x1xi1> to vector<1000x128xi1>
    %select_n3A = arith.select %broadcast_in_dim3A_39, %mul3A_37, %div3A_22 : vector<1000x128xi1>, vector<1000x128xf32>
    %mul3A_40 = arith.mulf %select_n3A, %select_n3A : vector<1000x128xf32>
    %reduce_sum3A_41 = arith.constant dense<0.000000e+00> : vector<1000xf32>
    %reduce_sum3A_42 = vector.multi_reduction <add>, %mul3A_40, %reduce_sum3A_41 [1] : vector<1000x128xf32> to vector<1000xf32>
    %broadcast_in_dim3A_43 = vector.shape_cast %reduce_sum3A_42 : vector<1000xf32> to vector<1000x1xf32>
    %sqrt3A_44 = math.sqrt %broadcast_in_dim3A_43 : vector<1000x1xf32>
    %max3A_45 = arith.constant 1.000000e-15 : f32
    %max3A_46 = vector.broadcast %max3A_45 : f32 to vector<1000x1xf32>
    %max3A_47 = arith.maximumf %sqrt3A_44, %max3A_46 : vector<1000x1xf32>
    %min3A = arith.constant 0.99999988 : f32
    %min3A_48 = vector.broadcast %min3A : f32 to vector<1000x1xf32>
    %min3A_49 = arith.minimumf %max3A_47, %min3A_48 : vector<1000x1xf32>
    %add3A_50 = arith.constant 1.000000e+00 : f32
    %add3A_51 = vector.broadcast %add3A_50 : f32 to vector<1000x1xf32>
    %add3A_52 = arith.addf %add3A_51, %min3A_49 : vector<1000x1xf32>
    %sub3A = arith.constant 1.000000e+00 : f32
    %sub3A_53 = vector.broadcast %sub3A : f32 to vector<1000x1xf32>
    %sub3A_54 = arith.subf %sub3A_53, %min3A_49 : vector<1000x1xf32>
    %div3A_55 = arith.divf %add3A_52, %sub3A_54 : vector<1000x1xf32>
    %log3A = math.log %div3A_55 : vector<1000x1xf32>
    %mul3A_56 = arith.constant 5.000000e-01 : f32
    %mul3A_57 = vector.broadcast %mul3A_56 : f32 to vector<1000x1xf32>
    %mul3A_58 = arith.mulf %mul3A_57, %log3A : vector<1000x1xf32>
    %mul3A_59 = vector.broadcast %mul3A_58 : vector<1000x1xf32> to vector<1000x128xf32>
    %mul3A_60 = arith.mulf %mul3A_59, %select_n3A : vector<1000x128xf32>
    %div3A_61 = vector.broadcast %max3A_47 : vector<1000x1xf32> to vector<1000x128xf32>
    %div3A_62 = arith.divf %mul3A_60, %div3A_61 : vector<1000x128xf32>
    %max3A_63 = arith.constant 0.000000e+00 : f32
    %max3A_64 = vector.broadcast %max3A_63 : f32 to vector<1000x128xf32>
    %max3A_65 = arith.maximumf %div3A_62, %max3A_64 : vector<1000x128xf32>
    %mul3A_66 = arith.mulf %max3A_65, %max3A_65 : vector<1000x128xf32>
    %reduce_sum3A_67 = arith.constant dense<0.000000e+00> : vector<1000xf32>
    %reduce_sum3A_68 = vector.multi_reduction <add>, %mul3A_66, %reduce_sum3A_67 [1] : vector<1000x128xf32> to vector<1000xf32>
    %broadcast_in_dim3A_69 = vector.shape_cast %reduce_sum3A_68 : vector<1000xf32> to vector<1000x1xf32>
    %sqrt3A_70 = math.sqrt %broadcast_in_dim3A_69 : vector<1000x1xf32>
    %max3A_71 = arith.constant 1.000000e-15 : f32
    %max3A_72 = vector.broadcast %max3A_71 : f32 to vector<1000x1xf32>
    %max3A_73 = arith.maximumf %sqrt3A_70, %max3A_72 : vector<1000x1xf32>
    %tanh3A_74 = math.tanh %max3A_73 : vector<1000x1xf32>
    %mul3A_75 = vector.broadcast %tanh3A_74 : vector<1000x1xf32> to vector<1000x128xf32>
    %mul3A_76 = arith.mulf %mul3A_75, %max3A_65 : vector<1000x128xf32>
    %div3A_77 = vector.broadcast %max3A_73 : vector<1000x1xf32> to vector<1000x128xf32>
    %div3A_78 = arith.divf %mul3A_76, %div3A_77 : vector<1000x128xf32>
    %mul3A_79 = arith.mulf %div3A_78, %div3A_78 : vector<1000x128xf32>
    %reduce_sum3A_80 = arith.constant dense<0.000000e+00> : vector<1000xf32>
    %reduce_sum3A_81 = vector.multi_reduction <add>, %mul3A_79, %reduce_sum3A_80 [1] : vector<1000x128xf32> to vector<1000xf32>
    %broadcast_in_dim3A_82 = vector.shape_cast %reduce_sum3A_81 : vector<1000xf32> to vector<1000x1xf32>
    %sqrt3A_83 = math.sqrt %broadcast_in_dim3A_82 : vector<1000x1xf32>
    %max3A_84 = arith.constant 1.000000e-15 : f32
    %max3A_85 = vector.broadcast %max3A_84 : f32 to vector<1000x1xf32>
    %max3A_86 = arith.maximumf %sqrt3A_83, %max3A_85 : vector<1000x1xf32>
    %gt3A_87 = arith.constant 0.995999991 : f32
    %gt3A_88 = vector.broadcast %gt3A_87 : f32 to vector<1000x1xf32>
    %gt3A_89 = arith.cmpf ogt, %max3A_86, %gt3A_88 : vector<1000x1xf32>
    %div3A_90 = arith.constant 0.995999991 : f32
    %div3A_91 = vector.broadcast %div3A_90 : f32 to vector<1000x1xf32>
    %div3A_92 = arith.divf %div3A_91, %max3A_86 : vector<1000x1xf32>
    %mul3A_93 = vector.broadcast %div3A_92 : vector<1000x1xf32> to vector<1000x128xf32>
    %mul3A_94 = arith.mulf %div3A_78, %mul3A_93 : vector<1000x128xf32>
    %broadcast_in_dim3A_95 = vector.shape_cast %gt3A_89 : vector<1000x1xi1> to vector<1000x1xi1>
    %broadcast_in_dim3A_96 = vector.broadcast %broadcast_in_dim3A_95 : vector<1000x1xi1> to vector<1000x128xi1>
    %select_n3A_97 = arith.select %broadcast_in_dim3A_96, %mul3A_94, %div3A_78 : vector<1000x128xi1>, vector<1000x128xf32>
    %swap3A = arith.constant 0 : index
    %swap3A_98 = arith.constant 0 : index
    %swap3A_99 = vector.load %arg5[%swap3A, %swap3A_98] : memref<1000x128xf32, #tpu.memory_space<vmem>>, vector<1000x128xf32>
    tpu.vector_store %arg5[%swap3A, %swap3A_98], %select_n3A_97 {strides = array<i32>} : memref<1000x128xf32, #tpu.memory_space<vmem>>, vector<1000x128xf32>,
    return
  }
  func.func @transform_0(%arg0: i32) -> (i32, i32) {
    %c0_i32 = arith.constant 0 : i32
    %c0_i32_0 = arith.constant 0 : i32
    return %arg0, %c0_i32 : i32, i32
  }
  func.func @transform_1(%arg0: i32) -> (i32, i32) {
    %c0_i32 = arith.constant 0 : i32
    %c0_i32_0 = arith.constant 0 : i32
    return %arg0, %c0_i32 : i32, i32
  }
  func.func @transform_2(%arg0: i32) -> (i32, i32) {
    %c0_i32 = arith.constant 0 : i32
    %c0_i32_0 = arith.constant 0 : i32
    return %arg0, %c0_i32 : i32, i32
  }
  func.func @transform_3(%arg0: i32) -> (i32, i32) {
    %c0_i32 = arith.constant 0 : i32
    %c0_i32_0 = arith.constant 0 : i32
    return %arg0, %c0_i32 : i32, i32
  }
  func.func @transform_4(%arg0: i32) -> (i32, i32) {
    %c0_i32 = arith.constant 0 : i32
    %c0_i32_0 = arith.constant 0 : i32
    return %arg0, %c0_i32 : i32, i32
  }
}

</mosaic_0001>

<sc_bundles>
// kernel: kernel.10.cloned.1.call-start
scs
__scs_entry_jumppad:
0x0: {  	(pc) =	sbr.rel $0x88, $3  }
0x1: {  	(tag) =	ssettag $0x0;
	lr =	simm.s32 $0x1  }
0x2: {  	[smem:$0x3F9B] =	sst lr;
	_ =	strace $0xD0000000  }
0x3: {  	_ = 	snop  }
0x4: {  	_ = 	snop  }
0x5: {  	_ = 	snop  }
0x6: {  	_ = 	snop  }
0x7: {  	_ = 	snop  }
__scs_overlays_trampoline_lowered:
0x8: {  	[smem:$0x3FAA] =	sst s0  }
0x9: {  	[smem:$0x3FAB] =	sst s1  }
0xa: {  	[smem:$0x3FAC] =	sst s2  }
0xb: {  	[smem:$0x3FAD] =	sst s3  }
0xc: {  	[smem:$0x3FAE] =	sst s4  }
0xd: {  	[smem:$0x3FAF] =	sst s5  }
0xe: {  	[smem:$0x3FB0] =	sst s6  }
0xf: {  	[smem:$0x3FB1] =	sst s7  }
0x10: {  	[smem:$0x3FB2] =	sst s8  }
0x11: {  	[smem:$0x3FB3] =	sst s9;
	s0 =	simm.s32 @!p0 $0x0  }
0x12: {  	s1 =	sld [smem:$0x3F99];
	s0 =	simm.s32 @p0 $0x1  }
0x13: {  	[smem:$0x3FB4] =	sst s0;
	s0 =	simm.s32 @!p1 $0x0  }
0x14: {  	s2 =	sld [smem:$0x3F98];
	s0 =	simm.s32 @p1 $0x1  }
0x15: {  	[smem:$0x3FB5] =	sst s0;
	s0 =	simm.s32 @!p2 $0x0  }
0x16: {  	s3 =	sld [smem:$0x3FDB];
	s0 =	simm.s32 @p2 $0x1  }
0x17: {  	s4 =	simm.s32 $0x1BF5;
	[smem:$0x3FB7] =	sst s0  }
0x18: {  	s0 =	sld [smem:$0x3F9A];
	_ =	swait.ge [sflag:s4], $0x0  }
0x19: {  	s7 =	sld [smem:$0x3F9B]  }
0x1a: {  	s8 =	sadd.s32 $0xFFFFE003, lr  }
0x1b: {  	s9 =	sadd.s32 $0xFFFFFEF7, lr;
	s5 =	simm.s32 $0xFFFFFFFF;
	p2 =	slt.u32 s8, $0xFFFFF086  }
0x1c: {  	p1 =	slt.u32 s9, $0xF7A;
	s5 =	simm.s32 @!p2 $0x0  }
0x1d: {  	s5 =	simm.s32 @p1 $0x1;
	p0 =	seq.s32 s7, s2  }
0x1e: {  	s7 =	smul.u32 @!p0 $0xF7A, s2;
	p2 =	seq.s32 @!p0 s5, $0x0  }
0x1f: {  	s9 =	smul.u32 $0xF7A, s1;
	s8 =	simm.s32 @!p0 $0x1BF5;
	p2 =	por !p2, p0  }
0x20: {  	[sflag:s8] =	ssyncset.s32 @!p0 $0xFFFFF086;
	s6 =	sadd.s32 @!p0 s3, s7;
	s7 =	simm.s32 @!p0 $0x108  }
0x21: {  	s3 =	sadd.s32 s3, s9;
	s6 =	sadd.s32 @!p0 $0x88, s6;
	s7 =	simm.s32 @p2 $0x1082  }
0x22: {  	[simem:s7], [sflag:s8] =	dma.local @!p0 [hbm:s6], $0xF7A  }
0x23: {  	s9 =	sor.u32 $0xD0000000, s2;
	s6 =	simm.s32 $0x108;
	_ =	swait.ge @!p0 [sflag:s8], $0x0  }
0x24: {  	s3 =	sadd.s32 $0x88, s3;
	s6 =	simm.s32 @!p1 $0x1082;
	[sflag:s4] =	ssyncset.s32 $0xFFFFF086  }
0x25: {  	[simem:s6], [sflag:s4] =	dma.local [hbm:s3], $0xF7A  }
0x26: {  	[smem:$0x3F9B] =	sst s1;
	(tag) =	ssettag s2;
	_ =	strace s9  }
0x27: {  	s1 =	sld [smem:$0x3FAB]  }
0x28: {  	s2 =	sld [smem:$0x3FAC]  }
0x29: {  	s4 =	sld [smem:$0x3FAE]  }
0x2a: {  	p0 =	seq.s32 s5, $0x0;
	s5 =	sld [smem:$0x3FAF]  }
0x2b: {  	s6 =	sld [smem:$0x3FB0]  }
0x2c: {  	s7 =	sld [smem:$0x3FB1]  }
0x2d: {  	s3 =	simm.s32 $0x108;
	s8 =	sld [smem:$0x3FB2]  }
0x2e: {  	s3 =	simm.s32 @!p0 $0x1082;
	s9 =	sld [smem:$0x3FB3]  }
0x2f: {  	lr =	sadd.s32 s0, s3;
	s0 =	sld [smem:$0x3FAA]  }
0x30: {  	s3 =	sld [smem:$0x3FAD]  }
0x31: {  	[smem:$0x3FB6] =	sst s10  }
0x32: {  	s10 =	sld [smem:$0x3FB4];
	_ =	sdelay $0x3  }
0x33: {  	p0 =	seq.s32 s10, $0x1;
	s10 =	sld [smem:$0x3FB6];
	_ =	sdelay $0x3  }
0x34: {  	[smem:$0x3FB6] =	sst s10  }
0x35: {  	s10 =	sld [smem:$0x3FB5];
	_ =	sdelay $0x3  }
0x36: {  	p1 =	seq.s32 s10, $0x1;
	s10 =	sld [smem:$0x3FB6];
	_ =	sdelay $0x3  }
0x37: {  	[smem:$0x3FB6] =	sst s10  }
0x38: {  	s10 =	sld [smem:$0x3FB7]  }
0x39: {  	_ = 	snop;
	(pc) =	sbr.ind lr, $3  }
0x3a: {  	_ = 	snop  }
0x3b: {  	_ = 	snop  }
0x3c: {  	p2 =	seq.s32 s10, $0x1;
	s10 =	sld [smem:$0x3FB6]  }
0x3d: {  	_ =	shalt  }
0x3e: {  	_ =	shalt  }
0x3f: {  	_ =	shalt  }
0x40: {  	_ =	shalt  }
0x41: {  	_ =	shalt  }
0x42: {  	_ =	shalt  }
0x43: {  	_ =	shalt  }
0x44: {  	_ =	shalt  }
0x45: {  	_ =	shalt  }
0x46: {  	_ =	shalt  }
0x47: {  	_ =	shalt  }
0x48: {  	_ =	shalt  }
0x49: {  	_ =	shalt  }
0x4a: {  	_ =	shalt  }
0x4b: {  	_ =	shalt  }
0x4c: {  	_ =	shalt  }
0x4d: {  	_ =	shalt  }
0x4e: {  	_ =	shalt  }
0x4f: {  	_ =	shalt  }
0x50: {  	_ =	shalt  }
0x51: {  	_ =	shalt  }
0x52: {  	_ =	shalt  }
0x53: {  	_ =	shalt  }
0x54: {  	_ =	shalt  }
0x55: {  	_ =	shalt  }
0x56: {  	_ =	shalt  }
0x57: {  	_ =	shalt  }
0x58: {  	_ =	shalt  }
0x59: {  	_ =	shalt  }
0x5a: {  	_ =	shalt  }
0x5b: {  	_ =	shalt  }
0x5c: {  	_ =	shalt  }
0x5d: {  	_ =	shalt  }
0x5e: {  	_ =	shalt  }
0x5f: {  	_ =	shalt  }
0x60: {  	_ =	shalt  }
0x61: {  	_ =	shalt  }
0x62: {  	_ =	shalt  }
0x63: {  	_ =	shalt  }
0x64: {  	_ =	shalt  }
0x65: {  	_ =	shalt  }
0x66: {  	_ =	shalt  }
0x67: {  	_ =	shalt  }
0x68: {  	_ =	shalt  }
0x69: {  	_ =	shalt  }
0x6a: {  	_ =	shalt  }
0x6b: {  	_ =	shalt  }
0x6c: {  	_ =	shalt  }
0x6d: {  	_ =	shalt  }
0x6e: {  	_ =	shalt  }
0x6f: {  	_ =	shalt  }
0x70: {  	_ =	shalt  }
0x71: {  	_ =	shalt  }
0x72: {  	_ =	shalt  }
0x73: {  	_ =	shalt  }
0x74: {  	_ =	shalt  }
0x75: {  	_ =	shalt  }
0x76: {  	_ =	shalt  }
0x77: {  	_ =	shalt  }
0x78: {  	_ =	shalt  }
0x79: {  	_ =	shalt  }
0x7a: {  	_ =	shalt  }
0x7b: {  	_ =	shalt  }
0x7c: {  	_ =	shalt  }
0x7d: {  	_ =	shalt  }
0x7e: {  	_ =	shalt  }
0x7f: {  	_ =	shalt  }
0x80: {  	_ =	shalt  }
0x81: {  	_ =	shalt  }
0x82: {  	_ =	shalt  }
0x83: {  	_ =	shalt  }
0x84: {  	_ =	shalt  }
0x85: {  	_ =	shalt  }
0x86: {  	_ =	shalt  }
0x87: {  	_ =	shalt  }
.Lfunc_end0:
.L_simem_size_0:
called_computation.1_lowered:
.L_overlay_start_0:
0x88: {  	s2 =	sld [smem:$0x3FD9]  }
0x89: {  	s3 =	sld [smem:$0x3FFE];
	_ =	sdelay $0x1  }
0x8a: {  	s1 =	srdreg.scid  }
0x8b: {  	s0 =	sand.u32 $0x1, s1  }
0x8c: {  	s16 =	sshll.u32 s0, $0xA;
	s2 =	sadd.s32 s3, s2  }
0x8d: {  	s2 =	sadd.s32 s2, s16  }
0x8e: {  	[smem:$0x3FC2] =	sst s2  }
0x8f: {  	_ = 	snop  }
0x90: {  	(tm) =	ssettm $0x1  }
0x91: {  	s17 =	sld [smem:$0x3FFB];
	_ =	sdelay $0x3  }
0x92: {  	_ =	strace s17  }
0x93: {  	s2 =	sld [smem:$0x3FFC];
	_ =	sdelay $0x3  }
0x94: {  	_ =	strace s2  }
0x95: {  	s2 =	sld [smem:$0x3FFD];
	_ =	sdelay $0x3  }
0x96: {  	_ =	strace s2  }
0x97: {  	_ =	strace $0x8FFFFFFF  }
0x98: {  	s18 =	sld [smem:$0x3FDB];
	_ =	sdelay $0x1  }
0x99: {  	s19 =	simm.s32 $_scs_section_size  }
0x9a: {  	s4 =	simm.s32 $_size__tile_overlayer_lowered;
	s5 =	simm.s32 $_tile_overlayer_lowered  }
0x9b: {  	s22 =	simm.s32 $0x1BFF;
	s21 =	sshll.u32 s5, $0x1;
	s2 =	sadd.s32 s19, s18  }
0x9c: {  	s6 =	simm.s32 $0x0;
	s20 =	sshll.u32 s4, $0x1;
	s4 =	sadd.s32 s21, s2  }
0x9d: {  	[timem:s6], [sflag:s22] =	dma.local [hbm:s4], s20  }
0x9e: {  	_ =	swait.ge [sflag:s22], s20  }
0x9f: {  	s3 =	ssub.s32 $0x0, s20;
	[sflag:s22] =	ssyncset.done $0x0  }
0xa0: {  	[sflag:s22] =	ssyncadd.s32 s3;
	_ =	sdelay $0x1  }
0xa1: {  	s23 =	simm.s32 $0x1B8B  }
0xa2: {  	_ =	swait.ge [sflag:s23], $0x1  }
0xa3: {  	[sflag:s23] =	ssyncset.done $0x0  }
0xa4: {  	s25 =	simm.s32 $0x1B8E;
	s24 =	sld [smem:$0x3FFE];
	[sflag:s23] =	ssyncadd.s32 $0xFFFFFFFF  }
0xa5: {  	s26 =	simm.s32 $execute0_lowered;
	[smem:$0x3FD2] =	sst s25  }
0xa6: {  	s4 =	sshll.u32 s26, $0x1;
	_ =	strace $0x80000049;
	[dreg:$0x1] =	wrdreg $0xFFFFFFFF  }
0xa7: {  	s28 =	simm.s32 $_size_execute0_lowered;
	s2 =	sadd.s32 s2, s4;
	[dreg:$0x0] =	wrdreg $0x0  }
0xa8: {  	s4 =	sshll.u32 s28, $0x1;
	[dreg:$0x2] =	wrdreg s2  }
0xa9: {  	[dreg:$0x3] =	wrdreg s4  }
0xaa: {  	[dreg:$0x4] =	wrdreg $0xC0  }
0xab: {  	_ =	task [dreg:s6], $0x5FFFF  }
0xac: {  	[dreg:$0x1] =	wrdreg $0xFFFFFFFF  }
0xad: {  	[dreg:$0x0] =	wrdreg $0x60  }
0xae: {  	[dreg:$0x2] =	wrdreg s24  }
0xaf: {  	[dreg:$0x3] =	wrdreg $0xE6000  }
0xb0: {  	[dreg:$0x4] =	wrdreg $0x9  }
0xb1: {  	_ =	task.clear_ibuf [dreg:s6], $0x5FFFF;
	_ =	strace $0x90000049  }
0xb2: {  	s29 =	simm.s32 $0x9;
	_ =	strace $0x8000004B  }
0xb3: {  	_ =	swait.ge [sflag:s29], $0x1  }
0xb4: {  	[sflag:s29] =	ssyncadd.s32 $0xFFFFFFFF  }
0xb5: {  	_ =	strace $0x9000004B  }
0xb6: {  	_ =	sfence  }
0xb7: {  	s30 =	sld [smem:$0x0];
	_ =	sdelay $0x2  }
0xb8: {  	s31 =	sshll.u32 s1, $0xD;
	s1 =	sshrl.u32 s1, $0x2  }
0xb9: {  	s3 =	sand.u32 $0x4000, s31;
	s1 =	sadd.s32 s1, s30  }
0xba: {  	s0 =	sor.u32 s3, s0;
	s1 =	sshll.u32 s1, $0x11  }
0xbb: {  	s0 =	sor.u32 s1, s0  }
0xbc: {  	s0 =	sadd.s32 $0x8F2B, s0  }
0xbd: {  	[sflag:s0] =	ssyncadd.remote.s32 $0x1  }
0xbe: {  	_ =	sfence.sel $0xFFFF  }
0xbf: {  	[dreg:$0x0] =	wrdreg $0xFFFFFFFF;
	(pc) =	sbr.abs _section_cstart, $3  }
0xc0: {  	[dreg:$0x1] =	wrdreg $0xFFFFFFFF  }
0xc1: {  	_ =	task.clear_ibuf [dreg:s6], $0x2FFFF;
	_ =	strace $0x9FFFFFFF  }
0xc2: {  	(tm) =	ssettm $0x7FFFFFFF  }
0xc3: {  	_ =	shalt  }
tec
execute0_lowered:
.L_overlay_start_1:
0x0: {  	(tag) =	ssettag $0x1  }
0x1: {  	s6 =	rddreg [dreg:$0x0]  }
0x2: {  	s2 =	rddreg [dreg:$0x1]  }
0x3: {  	s0 =	rddreg [dreg:$0x2]  }
0x4: {  	s1 =	stileid.u32;
	s4 =	srdreg.scid  }
0x5: {  	s3 =	simm.s32 $0x0;
	s16 =	simm.s32 $0x3;
	s17 =	simm.s32 $0x4F00  }
0x6: {  	s18 =	simm.s32 $0x80;
	s19 =	simm.s32 $0xBE00;
	s20 =	simm.s32 $0x1  }
0x7: {  	s21 =	simm.s32 $0x2;
	s22 =	simm.s32 $0x4E80;
	s23 =	simm.s32 $0x9D00  }
0x8: {  	s24 =	simm.s32 $0x9D80;
	s25 =	simm.s32 $0x0;
	s7 =	smul.u32 $0x9E0, s1  }
0x9: {  	s13 =	sand.u32 $0x1, s4;
	s8 =	smul.u32 $0x1400, s1;
	[smem:$0x7FF] =	sst s3  }
0xa: {  	s10 =	smul.u32 $0x28000, s1;
	s4 =	sadd.s32 $0x2E00, s6;
	s5 =	sadd.s32 $0x51600, s6  }
0xb: {  	s9 =	smul.u32 $0x14000, s13;
	_ =	strace $0x8000004A;
	s29 =	ssub.s32 $0x2, s13  }
0xc: {  	p0 =	seq.s32 s13, $0x1;
	s12 =	sadd.s32 s7, s6;
	s30 =	sshrl.u32 s10, $0x2  }
.Ltmp0:
0xd: {  	s31 =	sshrl.u32 s29, $0x1;
	s28 =	sadd.s32 s8, s9;
	(pc) =	sbr.rel .LBB2_1-.Ltmp0, $4  }
0xe: {  	s15 =	ssub.s32 s29, s31;
	s14 =	sadd.s32 s28, s6;
	s6 =	sadd.s32 s30, s2  }
0xf: {  	s11 =	sadd.s32 $0x20600, s12;
	s12 =	sadd.s32 $0x16800, s12;
	s7 =	sadd.s32 $0x2000, s6  }
0x10: {  	s8 =	sadd.s32 $0x4000, s6;
	s9 =	sadd.s32 $0x6000, s6;
	s10 =	sadd.s32 $0x8000, s6  }
0x11: {  	v0 =	vimm.f32 $0.0e+00;
	s13 =	sadd.s32 $0x6F000, s14;
	s14 =	smax.u32 s15, $0x1;
	s15 =	simm.s32 $0x9E00  }
.LBB2_6:
0x12: {  	s28 =	sadd.s32 $0x80, s26;
	[sflag:s16] =	ssyncadd.s32 $0xFFFFE000  }
0x13: {  	[tilespmem:s19], [sflag:$0x2] =	stream.indirect.gather [hbm4b:s4+s18], $0x40, s28, s18, $0xb8;
	[tilespmem:$0x18600] =	vst v63  }
0x14: {  	_ =	swait.ge [sflag:s20], $0x2000  }
0x15: {  	[sflag:s20] =	ssyncset.done $0x0  }
0x16: {  	s29 =	sadd.s32 $0x4F00, s26;
	[sflag:s20] =	ssyncadd.s32 $0xFFFFE000  }
0x17: {  	[spmem:s2] =	stream.indirect.scatter.add.f32 [tilespmem:s15], [sflag:$0x3], $0x40, s29, s18, $0xb8;
	[tilespmem:$0x18600] =	vst v63  }
0x18: {  	_ =	swait.ge [sflag:s16], $0x2000  }
0x19: {  	[sflag:s16] =	ssyncset.done $0x0  }
0x1a: {  	s30 =	sadd.s32 $0x100, s26;
	[sflag:s16] =	ssyncadd.s32 $0xFFFFE000  }
0x1b: {  	[tilespmem:s15], [sflag:$0x1] =	stream.indirect.gather [hbm4b:s4+s18], $0x40, s30, s18, $0xb8;
	[tilespmem:$0x18600] =	vst v63  }
0x1c: {  	_ =	swait.ge [sflag:s21], $0x2000  }
0x1d: {  	[sflag:s21] =	ssyncset.done $0x0  }
0x1e: {  	s31 =	sadd.s32 $0x4F80, s26;
	[sflag:s21] =	ssyncadd.s32 $0xFFFFE000  }
0x1f: {  	[spmem:s2] =	stream.indirect.scatter.add.f32 [tilespmem:s19], [sflag:$0x3], $0x40, s31, s18, $0xb8;
	[tilespmem:$0x18600] =	vst v63  }
0x20: {  	_ =	swait.ge [sflag:s16], $0x2000  }
0x21: {  	[sflag:s16] =	ssyncset.done $0x0  }
0x22: {  	[sflag:s16] =	ssyncadd.s32 $0xFFFFE000  }
0x23: {  	[tilespmem:s19], [sflag:$0x2] =	stream.indirect.gather [hbm4b:s4+s18], $0x40, s22, s18, $0xb8;
	[tilespmem:$0x18600] =	vst v63  }
.LBB2_10:
0x24: {  	_ =	swait.ge [sflag:s20], $0x2000  }
0x25: {  	[sflag:s20] =	ssyncset.done $0x0  }
0x26: {  	[sflag:s20] =	ssyncadd.s32 $0xFFFFE000  }
0x27: {  	[spmem:s2] =	stream.indirect.scatter.add.f32 [tilespmem:s15], [sflag:$0x3], $0x40, s23, s18, $0xb8;
	[tilespmem:$0x18600] =	vst v63  }
0x28: {  	_ =	swait.ge [sflag:s16], $0x2000  }
0x29: {  	[sflag:s16] =	ssyncset.done $0x0  }
0x2a: {  	[sflag:s16] =	ssyncadd.s32 $0xFFFFE000  }
0x2b: {  	_ =	swait.ge [sflag:s21], $0x2000  }
0x2c: {  	[sflag:s21] =	ssyncset.done $0x0  }
0x2d: {  	[sflag:s21] =	ssyncadd.s32 $0xFFFFE000  }
0x2e: {  	[spmem:s2] =	stream.indirect.scatter.add.f32 [tilespmem:s19], [sflag:$0x3], $0x40, s24, s18, $0xb8;
	[tilespmem:$0x18600] =	vst v63  }
0x2f: {  	_ =	swait.ge [sflag:s16], $0x2000  }
0x30: {  	s26 =	sshll.u32 s1, $0x6;
	s25 =	sadd.s32 $0x1, s25;
	[sflag:s16] =	ssyncset.done $0x0  }
0x31: {  	s28 =	sshrl.u32 s6, $0x3;
	p1 =	sne.s32 s25, s14;
	[sflag:s16] =	ssyncadd.s32 $0xFFFFE000  }
.Ltmp1:
0x32: {  	s26 =	sor.u32 $0x1C03, s26;
	[bflag:$0x0] =	sbarrier.arrive $0xFFFF;
	(pc) =	sbr.rel @!p1 .LBB2_11-.Ltmp1, $4  }
0x33: {  	[hbm:s13], [sflag:s26] =	dma.local [spmem:s28], $0x1400  }
0x34: {  	_ =	swait.ge [sflag:s16], $0x1400  }
0x35: {  	[sflag:s16] =	ssyncset.done $0x0  }
0x36: {  	[sflag:s16] =	ssyncadd.s32 $0xFFFFEC00  }
.LBB2_1:
0x37: {  	s26 =	simm.s32 $0x9E20  }
0x38: {  	[tilespmem:s26+$0x0] =	vst v0  }
0x39: {  	[tilespmem:s26+$0xFFFFFFE0] =	vst v0  }
0x3a: {  	[tilespmem:s26+$0x10] =	vst v0  }
0x3b: {  	s28 =	simm.s32 $0x40;
	s29 =	simm.s32 $0x0;
	[tilespmem:s26+$0xFFFFFFF0] =	vst v0  }
.LBB2_2:
0x3c: {  	p1 =	sne.s32 s28, $0x1FC0  }
0x3d: {  	[tilespmem:s29+$0xDE00] =	vst v0;
	s26 =	sadd.s32 $0x40, s26;
	s29 =	smov.u32 s28;
	s28 =	sadd.s32 $0x40, s28  }
.Ltmp2:
0x3e: {  	[tilespmem:s26+$0x0] =	vst v0;
	(pc) =	sbr.rel @p1 .LBB2_2-.Ltmp2, $4  }
0x3f: {  	_ = 	snop  }
0x40: {  	[tilespmem:s26+$0xFFFFFFE0] =	vst v0  }
0x41: {  	[tilespmem:s26+$0x10] =	vst v0  }
0x42: {  	s29 =	sshra.s32 s29, $0x2;
	[tilespmem:s26+$0xFFFFFFF0] =	vst v0  }
0x43: {  	[tilespmem:s29+$0xDE00] =	vst v0  }
0x44: {  	[spmem:s6] =	stream.linear.scatter [tilespmem:s15], [sflag:$0x3], $0x2000, $0x38;
	[tilespmem:$0x18600] =	vst v63  }
0x45: {  	_ =	swait.ge [sflag:s16], $0x2000  }
0x46: {  	[sflag:s16] =	ssyncset.done $0x0  }
0x47: {  	[sflag:s16] =	ssyncadd.s32 $0xFFFFE000  }
0x48: {  	[spmem:s7] =	stream.linear.scatter [tilespmem:s15], [sflag:$0x3], $0x2000, $0x38;
	[tilespmem:$0x18600] =	vst v63  }
0x49: {  	_ =	swait.ge [sflag:s16], $0x2000  }
0x4a: {  	[sflag:s16] =	ssyncset.done $0x0  }
0x4b: {  	[sflag:s16] =	ssyncadd.s32 $0xFFFFE000  }
0x4c: {  	[spmem:s8] =	stream.linear.scatter [tilespmem:s15], [sflag:$0x3], $0x2000, $0x38;
	[tilespmem:$0x18600] =	vst v63  }
0x4d: {  	_ =	swait.ge [sflag:s16], $0x2000  }
0x4e: {  	[sflag:s16] =	ssyncset.done $0x0  }
0x4f: {  	[sflag:s16] =	ssyncadd.s32 $0xFFFFE000  }
0x50: {  	[spmem:s9] =	stream.linear.scatter [tilespmem:s15], [sflag:$0x3], $0x2000, $0x38;
	[tilespmem:$0x18600] =	vst v63  }
0x51: {  	_ =	swait.ge [sflag:s16], $0x2000  }
0x52: {  	[sflag:s16] =	ssyncset.done $0x0  }
0x53: {  	[sflag:s16] =	ssyncadd.s32 $0xFFFFE000  }
0x54: {  	[spmem:s10] =	stream.linear.scatter [tilespmem:s15], [sflag:$0x3], $0x2000, $0x38;
	[tilespmem:$0x18600] =	vst v63  }
0x55: {  	_ =	swait.ge [sflag:s16], $0x2000  }
0x56: {  	[sflag:s16] =	ssyncset.done $0x0  }
0x57: {  	[sflag:s16] =	ssyncadd.s32 $0xFFFFE000  }
0x58: {  	[bflag:$0x0] =	sbarrier.arrive $0xFFFF  }
0x59: {  	[tilespmem:s3], [sflag:$0x3] =	stream.linear.gather [hbm4b:s11+s3], $0x4F00, $0x38;
	[tilespmem:$0x18600] =	vst v63  }
0x5a: {  	_ =	swait.ge [sflag:s16], $0x4F00  }
0x5b: {  	[sflag:s16] =	ssyncset.done $0x0  }
.Ltmp3:
0x5c: {  	[sflag:s16] =	ssyncadd.s32 $0xFFFFB100;
	(pc) =	sbr.rel @!p0 .LBB2_4-.Ltmp3, $4  }
0x5d: {  	[tilespmem:s17], [sflag:$0x3] =	stream.linear.gather [hbm4b:s12+s3], $0x4F00, $0x38;
	[tilespmem:$0x18600] =	vst v63  }
0x5e: {  	_ =	swait.ge [sflag:s16], $0x4F00  }
0x5f: {  	[sflag:s16] =	ssyncset.done $0x0  }
0x60: {  	s26 =	simm.s32 $0x0;
	[sflag:s16] =	ssyncadd.s32 $0xFFFFB100  }
0x61: {  	[tilespmem:s15], [sflag:$0x1] =	stream.indirect.gather [hbm4b:s5+s18], $0x40, s26, s18, $0xb8;
	[tilespmem:$0x18600] =	vst v63  }
0x62: {  	s31 =	simm.s32 $0x80  }
0x63: {  	[tilespmem:s19], [sflag:$0x2] =	stream.indirect.gather [hbm4b:s5+s18], $0x40, s31, s18, $0xb8;
	[tilespmem:$0x18600] =	vst v63  }
0x64: {  	_ =	swait.ge [sflag:s20], $0x2000  }
0x65: {  	[sflag:s20] =	ssyncset.done $0x0  }
0x66: {  	s29 =	simm.s32 $0x4F00;
	[sflag:s20] =	ssyncadd.s32 $0xFFFFE000  }
0x67: {  	[spmem:s2] =	stream.indirect.scatter.add.f32 [tilespmem:s15], [sflag:$0x3], $0x40, s29, s18, $0xb8;
	[tilespmem:$0x18600] =	vst v63  }
0x68: {  	_ =	swait.ge [sflag:s16], $0x2000  }
0x69: {  	[sflag:s16] =	ssyncset.done $0x0  }
0x6a: {  	s30 =	simm.s32 $0x100;
	[sflag:s16] =	ssyncadd.s32 $0xFFFFE000  }
0x6b: {  	[tilespmem:s15], [sflag:$0x1] =	stream.indirect.gather [hbm4b:s5+s18], $0x40, s30, s18, $0xb8;
	[tilespmem:$0x18600] =	vst v63  }
0x6c: {  	_ =	swait.ge [sflag:s21], $0x2000  }
0x6d: {  	[sflag:s21] =	ssyncset.done $0x0  }
0x6e: {  	s31 =	simm.s32 $0x4F80;
	[sflag:s21] =	ssyncadd.s32 $0xFFFFE000  }
0x6f: {  	[spmem:s2] =	stream.indirect.scatter.add.f32 [tilespmem:s19], [sflag:$0x3], $0x40, s31, s18, $0xb8;
	[tilespmem:$0x18600] =	vst v63  }
0x70: {  	_ =	swait.ge [sflag:s16], $0x2000  }
0x71: {  	s28 =	simm.s32 $0x800;
	s26 =	simm.s32 $0x100;
	[sflag:s16] =	ssyncset.done $0x0  }
.LBB2_8:
0x72: {  	s29 =	sadd.s32 $0x80, s26  }
0x73: {  	[sflag:s16] =	ssyncadd.s32 $0xFFFFE000;
	s30 =	smov.u32 s28;
	s31 =	sadd.s32 $0x400, s28  }
0x74: {  	[tilespmem:s19], [sflag:$0x2] =	stream.indirect.gather [hbm4b:s5+s18], $0x40, s29, s18, $0xb8;
	[tilespmem:$0x18600] =	vst v63  }
0x75: {  	p1 =	sne.s32 s28, $0x13400;
	_ =	swait.ge [sflag:s20], $0x2000  }
0x76: {  	[sflag:s20] =	ssyncset.done $0x0  }
0x77: {  	s28 =	sadd.s32 $0x4F00, s26;
	[sflag:s20] =	ssyncadd.s32 $0xFFFFE000  }
0x78: {  	[spmem:s2] =	stream.indirect.scatter.add.f32 [tilespmem:s15], [sflag:$0x3], $0x40, s28, s18, $0xb8;
	[tilespmem:$0x18600] =	vst v63  }
0x79: {  	_ =	swait.ge [sflag:s16], $0x2000  }
0x7a: {  	[sflag:s16] =	ssyncset.done $0x0  }
0x7b: {  	s28 =	sadd.s32 $0x100, s26;
	[sflag:s16] =	ssyncadd.s32 $0xFFFFE000  }
0x7c: {  	[tilespmem:s15], [sflag:$0x1] =	stream.indirect.gather [hbm4b:s5+s18], $0x40, s28, s18, $0xb8;
	[tilespmem:$0x18600] =	vst v63  }
0x7d: {  	_ =	swait.ge [sflag:s21], $0x2000  }
.Ltmp4:
0x7e: {  	[sflag:s21] =	ssyncset.done $0x0;
	(pc) =	sbr.rel @p1 .LBB2_8-.Ltmp4, $4  }
0x7f: {  	s26 =	sadd.s32 $0x4F80, s26;
	[sflag:s21] =	ssyncadd.s32 $0xFFFFE000  }
0x80: {  	[spmem:s2] =	stream.indirect.scatter.add.f32 [tilespmem:s19], [sflag:$0x3], $0x40, s26, s18, $0xb8;
	[tilespmem:$0x18600] =	vst v63  }
0x81: {  	_ =	swait.ge [sflag:s16], $0x2000  }
0x82: {  	s28 =	smov.u32 s31;
	s26 =	sshra.s32 s30, $0x2;
	[sflag:s16] =	ssyncset.done $0x0  }
0x83: {  	s28 =	sadd.s32 $0x80, s26;
	[sflag:s16] =	ssyncadd.s32 $0xFFFFE000  }
0x84: {  	[tilespmem:s19], [sflag:$0x2] =	stream.indirect.gather [hbm4b:s5+s18], $0x40, s28, s18, $0xb8;
	[tilespmem:$0x18600] =	vst v63  }
0x85: {  	_ =	swait.ge [sflag:s20], $0x2000  }
0x86: {  	[sflag:s20] =	ssyncset.done $0x0  }
0x87: {  	s29 =	sadd.s32 $0x4F00, s26;
	[sflag:s20] =	ssyncadd.s32 $0xFFFFE000  }
0x88: {  	[spmem:s2] =	stream.indirect.scatter.add.f32 [tilespmem:s15], [sflag:$0x3], $0x40, s29, s18, $0xb8;
	[tilespmem:$0x18600] =	vst v63  }
0x89: {  	_ =	swait.ge [sflag:s16], $0x2000  }
0x8a: {  	[sflag:s16] =	ssyncset.done $0x0  }
0x8b: {  	s30 =	sadd.s32 $0x100, s26;
	[sflag:s16] =	ssyncadd.s32 $0xFFFFE000  }
0x8c: {  	[tilespmem:s15], [sflag:$0x1] =	stream.indirect.gather [hbm4b:s5+s18], $0x40, s30, s18, $0xb8;
	[tilespmem:$0x18600] =	vst v63  }
0x8d: {  	_ =	swait.ge [sflag:s21], $0x2000  }
0x8e: {  	[sflag:s21] =	ssyncset.done $0x0  }
0x8f: {  	s31 =	sadd.s32 $0x4F80, s26;
	[sflag:s21] =	ssyncadd.s32 $0xFFFFE000  }
0x90: {  	[spmem:s2] =	stream.indirect.scatter.add.f32 [tilespmem:s19], [sflag:$0x3], $0x40, s31, s18, $0xb8;
	[tilespmem:$0x18600] =	vst v63  }
.Ltmp5:
0x91: {  	_ = 	snop;
	(pc) =	sbr.rel .LBB2_10-.Ltmp5, $4  }
0x92: {  	_ =	swait.ge [sflag:s16], $0x2000  }
0x93: {  	[sflag:s16] =	ssyncset.done $0x0  }
0x94: {  	[sflag:s16] =	ssyncadd.s32 $0xFFFFE000  }
0x95: {  	[tilespmem:s19], [sflag:$0x2] =	stream.indirect.gather [hbm4b:s5+s18], $0x40, s22, s18, $0xb8;
	[tilespmem:$0x18600] =	vst v63  }
.LBB2_4:
0x96: {  	[tilespmem:s15], [sflag:$0x1] =	stream.indirect.gather [hbm4b:s4+s18], $0x40, s26, s18, $0xb8;
	[tilespmem:$0x18600] =	vst v63  }
0x97: {  	s31 =	simm.s32 $0x80  }
0x98: {  	[tilespmem:s19], [sflag:$0x2] =	stream.indirect.gather [hbm4b:s4+s18], $0x40, s31, s18, $0xb8;
	[tilespmem:$0x18600] =	vst v63  }
0x99: {  	_ =	swait.ge [sflag:s20], $0x2000  }
0x9a: {  	[sflag:s20] =	ssyncset.done $0x0  }
0x9b: {  	s29 =	simm.s32 $0x4F00;
	[sflag:s20] =	ssyncadd.s32 $0xFFFFE000  }
0x9c: {  	[spmem:s2] =	stream.indirect.scatter.add.f32 [tilespmem:s15], [sflag:$0x3], $0x40, s29, s18, $0xb8;
	[tilespmem:$0x18600] =	vst v63  }
0x9d: {  	_ =	swait.ge [sflag:s16], $0x2000  }
0x9e: {  	[sflag:s16] =	ssyncset.done $0x0  }
0x9f: {  	s30 =	simm.s32 $0x100;
	[sflag:s16] =	ssyncadd.s32 $0xFFFFE000  }
0xa0: {  	[tilespmem:s15], [sflag:$0x1] =	stream.indirect.gather [hbm4b:s4+s18], $0x40, s30, s18, $0xb8;
	[tilespmem:$0x18600] =	vst v63  }
0xa1: {  	_ =	swait.ge [sflag:s21], $0x2000  }
0xa2: {  	[sflag:s21] =	ssyncset.done $0x0  }
0xa3: {  	s31 =	simm.s32 $0x4F80;
	[sflag:s21] =	ssyncadd.s32 $0xFFFFE000  }
0xa4: {  	[spmem:s2] =	stream.indirect.scatter.add.f32 [tilespmem:s19], [sflag:$0x3], $0x40, s31, s18, $0xb8;
	[tilespmem:$0x18600] =	vst v63  }
0xa5: {  	_ =	swait.ge [sflag:s16], $0x2000  }
0xa6: {  	s28 =	simm.s32 $0x800;
	s26 =	simm.s32 $0x100;
	[sflag:s16] =	ssyncset.done $0x0  }
.LBB2_5:
0xa7: {  	s29 =	sadd.s32 $0x80, s26  }
0xa8: {  	[sflag:s16] =	ssyncadd.s32 $0xFFFFE000;
	s30 =	smov.u32 s28;
	s31 =	sadd.s32 $0x400, s28  }
0xa9: {  	[tilespmem:s19], [sflag:$0x2] =	stream.indirect.gather [hbm4b:s4+s18], $0x40, s29, s18, $0xb8;
	[tilespmem:$0x18600] =	vst v63  }
0xaa: {  	p1 =	seq.s32 s28, $0x13400;
	_ =	swait.ge [sflag:s20], $0x2000  }
0xab: {  	[sflag:s20] =	ssyncset.done $0x0  }
0xac: {  	s28 =	sadd.s32 $0x4F00, s26;
	[sflag:s20] =	ssyncadd.s32 $0xFFFFE000  }
0xad: {  	[spmem:s2] =	stream.indirect.scatter.add.f32 [tilespmem:s15], [sflag:$0x3], $0x40, s28, s18, $0xb8;
	[tilespmem:$0x18600] =	vst v63  }
0xae: {  	_ =	swait.ge [sflag:s16], $0x2000  }
0xaf: {  	[sflag:s16] =	ssyncset.done $0x0  }
0xb0: {  	s28 =	sadd.s32 $0x100, s26;
	[sflag:s16] =	ssyncadd.s32 $0xFFFFE000  }
0xb1: {  	[tilespmem:s15], [sflag:$0x1] =	stream.indirect.gather [hbm4b:s4+s18], $0x40, s28, s18, $0xb8;
	[tilespmem:$0x18600] =	vst v63  }
0xb2: {  	_ =	swait.ge [sflag:s21], $0x2000  }
.Ltmp6:
0xb3: {  	[sflag:s21] =	ssyncset.done $0x0;
	(pc) =	sbr.rel @!p1 .LBB2_5-.Ltmp6, $4  }
0xb4: {  	s26 =	sadd.s32 $0x4F80, s26;
	[sflag:s21] =	ssyncadd.s32 $0xFFFFE000  }
0xb5: {  	[spmem:s2] =	stream.indirect.scatter.add.f32 [tilespmem:s19], [sflag:$0x3], $0x40, s26, s18, $0xb8;
	[tilespmem:$0x18600] =	vst v63  }
0xb6: {  	_ =	swait.ge [sflag:s16], $0x2000  }
0xb7: {  	s28 =	smov.u32 s31;
	s26 =	sshra.s32 s30, $0x2;
	[sflag:s16] =	ssyncset.done $0x0  }
.Ltmp7:
0xb8: {  	_ = 	snop;
	(pc) =	sbr.rel .LBB2_6-.Ltmp7, $1  }
0xb9: {  	_ =	sdelay $0x3  }
.LBB2_11:
0xba: {  	_ =	sfence.sel $0x180000  }
0xbb: {  	[bflag:$0x0] =	sbarrier.arrive $0xFFFF  }
0xbc: {  	p0 =	sne.s32 s1, $0x0;
	_ =	strace $0x9000004A  }
0xbd: {  	s0 =	sadd.s32 @!p0 $0x100000, s0;
	[bflag:$0x2] =	sbarrier.arrive $0xFFFF  }
0xbe: {  	[sflag:s0] =	ssyncadd.tile.s32 @!p0 $0x1;
	_ =	shalt  }
.Lfunc_end2:
_tile_overlayer_lowered:
.L_overlay_start_2:
0xbf: {  	(tag) =	ssettag $0x2  }
0xc0: {  	s0 =	rddreg [dreg:$0x0];
	s2 =	stileid.u32  }
0xc1: {  	s1 =	rddreg [dreg:$0x1];
	p0 =	sne.s32 s2, $0x0  }
0xc2: {  	s3 =	rddreg [dreg:$0x2];
	[bflag:$0x3] =	sbarrier.arrive $0xFFFF;
	s2 =	simm.s32 @!p0 $0x1C03  }
0xc3: {  	[timem:s3], [sflag:s2] =	dma.local @!p0 [hbm:s0], s1  }
0xc4: {  	s0 =	simm.s32 @!p0 $0x3  }
0xc5: {  	_ =	swait.ge @!p0 [sflag:s0], s1  }
0xc6: {  	s1 =	ssub.s32 @!p0 $0x0, s1;
	[sflag:s0] =	ssyncset.done @!p0 $0x0  }
0xc7: {  	[sflag:s0] =	ssyncadd.s32 @!p0 s1  }
0xc8: {  	[bflag:$0x3] =	sbarrier.arrive $0xFFFF  }
0xc9: {  	_ =	shalt  }

// kernel: kernel.7.cloned.1.call-start
scs
__scs_entry_jumppad:
0x0: {  	(pc) =	sbr.rel $0x88, $3  }
0x1: {  	(tag) =	ssettag $0x0;
	lr =	simm.s32 $0x1  }
0x2: {  	[smem:$0x3F9B] =	sst lr;
	_ =	strace $0xD0000000  }
0x3: {  	_ = 	snop  }
0x4: {  	_ = 	snop  }
0x5: {  	_ = 	snop  }
0x6: {  	_ = 	snop  }
0x7: {  	_ = 	snop  }
__scs_overlays_trampoline_lowered:
0x8: {  	[smem:$0x3FAA] =	sst s0  }
0x9: {  	[smem:$0x3FAB] =	sst s1  }
0xa: {  	[smem:$0x3FAC] =	sst s2  }
0xb: {  	[smem:$0x3FAD] =	sst s3  }
0xc: {  	[smem:$0x3FAE] =	sst s4  }
0xd: {  	[smem:$0x3FAF] =	sst s5  }
0xe: {  	[smem:$0x3FB0] =	sst s6  }
0xf: {  	[smem:$0x3FB1] =	sst s7  }
0x10: {  	[smem:$0x3FB2] =	sst s8  }
0x11: {  	[smem:$0x3FB3] =	sst s9;
	s0 =	simm.s32 @!p0 $0x0  }
0x12: {  	s1 =	sld [smem:$0x3F99];
	s0 =	simm.s32 @p0 $0x1  }
0x13: {  	[smem:$0x3FB4] =	sst s0;
	s0 =	simm.s32 @!p1 $0x0  }
0x14: {  	s2 =	sld [smem:$0x3F98];
	s0 =	simm.s32 @p1 $0x1  }
0x15: {  	[smem:$0x3FB5] =	sst s0;
	s0 =	simm.s32 @!p2 $0x0  }
0x16: {  	s3 =	sld [smem:$0x3FDB];
	s0 =	simm.s32 @p2 $0x1  }
0x17: {  	s4 =	simm.s32 $0x1BF5;
	[smem:$0x3FB7] =	sst s0  }
0x18: {  	s0 =	sld [smem:$0x3F9A];
	_ =	swait.ge [sflag:s4], $0x0  }
0x19: {  	s7 =	sld [smem:$0x3F9B]  }
0x1a: {  	s8 =	sadd.s32 $0xFFFFE003, lr  }
0x1b: {  	s9 =	sadd.s32 $0xFFFFFEF7, lr;
	s5 =	simm.s32 $0xFFFFFFFF;
	p2 =	slt.u32 s8, $0xFFFFF086  }
0x1c: {  	p1 =	slt.u32 s9, $0xF7A;
	s5 =	simm.s32 @!p2 $0x0  }
0x1d: {  	s5 =	simm.s32 @p1 $0x1;
	p0 =	seq.s32 s7, s2  }
0x1e: {  	s7 =	smul.u32 @!p0 $0xF7A, s2;
	p2 =	seq.s32 @!p0 s5, $0x0  }
0x1f: {  	s9 =	smul.u32 $0xF7A, s1;
	s8 =	simm.s32 @!p0 $0x1BF5;
	p2 =	por !p2, p0  }
0x20: {  	[sflag:s8] =	ssyncset.s32 @!p0 $0xFFFFF086;
	s6 =	sadd.s32 @!p0 s3, s7;
	s7 =	simm.s32 @!p0 $0x108  }
0x21: {  	s3 =	sadd.s32 s3, s9;
	s6 =	sadd.s32 @!p0 $0x88, s6;
	s7 =	simm.s32 @p2 $0x1082  }
0x22: {  	[simem:s7], [sflag:s8] =	dma.local @!p0 [hbm:s6], $0xF7A  }
0x23: {  	s9 =	sor.u32 $0xD0000000, s2;
	s6 =	simm.s32 $0x108;
	_ =	swait.ge @!p0 [sflag:s8], $0x0  }
0x24: {  	s3 =	sadd.s32 $0x88, s3;
	s6 =	simm.s32 @!p1 $0x1082;
	[sflag:s4] =	ssyncset.s32 $0xFFFFF086  }
0x25: {  	[simem:s6], [sflag:s4] =	dma.local [hbm:s3], $0xF7A  }
0x26: {  	[smem:$0x3F9B] =	sst s1;
	(tag) =	ssettag s2;
	_ =	strace s9  }
0x27: {  	s1 =	sld [smem:$0x3FAB]  }
0x28: {  	s2 =	sld [smem:$0x3FAC]  }
0x29: {  	s4 =	sld [smem:$0x3FAE]  }
0x2a: {  	p0 =	seq.s32 s5, $0x0;
	s5 =	sld [smem:$0x3FAF]  }
0x2b: {  	s6 =	sld [smem:$0x3FB0]  }
0x2c: {  	s7 =	sld [smem:$0x3FB1]  }
0x2d: {  	s3 =	simm.s32 $0x108;
	s8 =	sld [smem:$0x3FB2]  }
0x2e: {  	s3 =	simm.s32 @!p0 $0x1082;
	s9 =	sld [smem:$0x3FB3]  }
0x2f: {  	lr =	sadd.s32 s0, s3;
	s0 =	sld [smem:$0x3FAA]  }
0x30: {  	s3 =	sld [smem:$0x3FAD]  }
0x31: {  	[smem:$0x3FB6] =	sst s10  }
0x32: {  	s10 =	sld [smem:$0x3FB4];
	_ =	sdelay $0x3  }
0x33: {  	p0 =	seq.s32 s10, $0x1;
	s10 =	sld [smem:$0x3FB6];
	_ =	sdelay $0x3  }
0x34: {  	[smem:$0x3FB6] =	sst s10  }
0x35: {  	s10 =	sld [smem:$0x3FB5];
	_ =	sdelay $0x3  }
0x36: {  	p1 =	seq.s32 s10, $0x1;
	s10 =	sld [smem:$0x3FB6];
	_ =	sdelay $0x3  }
0x37: {  	[smem:$0x3FB6] =	sst s10  }
0x38: {  	s10 =	sld [smem:$0x3FB7]  }
0x39: {  	_ = 	snop;
	(pc) =	sbr.ind lr, $3  }
0x3a: {  	_ = 	snop  }
0x3b: {  	_ = 	snop  }
0x3c: {  	p2 =	seq.s32 s10, $0x1;
	s10 =	sld [smem:$0x3FB6]  }
0x3d: {  	_ =	shalt  }
0x3e: {  	_ =	shalt  }
0x3f: {  	_ =	shalt  }
0x40: {  	_ =	shalt  }
0x41: {  	_ =	shalt  }
0x42: {  	_ =	shalt  }
0x43: {  	_ =	shalt  }
0x44: {  	_ =	shalt  }
0x45: {  	_ =	shalt  }
0x46: {  	_ =	shalt  }
0x47: {  	_ =	shalt  }
0x48: {  	_ =	shalt  }
0x49: {  	_ =	shalt  }
0x4a: {  	_ =	shalt  }
0x4b: {  	_ =	shalt  }
0x4c: {  	_ =	shalt  }
0x4d: {  	_ =	shalt  }
0x4e: {  	_ =	shalt  }
0x4f: {  	_ =	shalt  }
0x50: {  	_ =	shalt  }
0x51: {  	_ =	shalt  }
0x52: {  	_ =	shalt  }
0x53: {  	_ =	shalt  }
0x54: {  	_ =	shalt  }
0x55: {  	_ =	shalt  }
0x56: {  	_ =	shalt  }
0x57: {  	_ =	shalt  }
0x58: {  	_ =	shalt  }
0x59: {  	_ =	shalt  }
0x5a: {  	_ =	shalt  }
0x5b: {  	_ =	shalt  }
0x5c: {  	_ =	shalt  }
0x5d: {  	_ =	shalt  }
0x5e: {  	_ =	shalt  }
0x5f: {  	_ =	shalt  }
0x60: {  	_ =	shalt  }
0x61: {  	_ =	shalt  }
0x62: {  	_ =	shalt  }
0x63: {  	_ =	shalt  }
0x64: {  	_ =	shalt  }
0x65: {  	_ =	shalt  }
0x66: {  	_ =	shalt  }
0x67: {  	_ =	shalt  }
0x68: {  	_ =	shalt  }
0x69: {  	_ =	shalt  }
0x6a: {  	_ =	shalt  }
0x6b: {  	_ =	shalt  }
0x6c: {  	_ =	shalt  }
0x6d: {  	_ =	shalt  }
0x6e: {  	_ =	shalt  }
0x6f: {  	_ =	shalt  }
0x70: {  	_ =	shalt  }
0x71: {  	_ =	shalt  }
0x72: {  	_ =	shalt  }
0x73: {  	_ =	shalt  }
0x74: {  	_ =	shalt  }
0x75: {  	_ =	shalt  }
0x76: {  	_ =	shalt  }
0x77: {  	_ =	shalt  }
0x78: {  	_ =	shalt  }
0x79: {  	_ =	shalt  }
0x7a: {  	_ =	shalt  }
0x7b: {  	_ =	shalt  }
0x7c: {  	_ =	shalt  }
0x7d: {  	_ =	shalt  }
0x7e: {  	_ =	shalt  }
0x7f: {  	_ =	shalt  }
0x80: {  	_ =	shalt  }
0x81: {  	_ =	shalt  }
0x82: {  	_ =	shalt  }
0x83: {  	_ =	shalt  }
0x84: {  	_ =	shalt  }
0x85: {  	_ =	shalt  }
0x86: {  	_ =	shalt  }
0x87: {  	_ =	shalt  }
.Lfunc_end0:
.L_simem_size_0:
called_computation_lowered:
.L_overlay_start_0:
0x88: {  	s2 =	sld [smem:$0x3FD9]  }
0x89: {  	s3 =	sld [smem:$0x3FFE];
	_ =	sdelay $0x1  }
0x8a: {  	s1 =	srdreg.scid  }
0x8b: {  	s0 =	sand.u32 $0x1, s1  }
0x8c: {  	s17 =	sshll.u32 s0, $0xA;
	s2 =	sadd.s32 s3, s2  }
0x8d: {  	s2 =	sadd.s32 s2, s17  }
0x8e: {  	[smem:$0x3FC2] =	sst s2  }
0x8f: {  	_ = 	snop  }
0x90: {  	s2 =	sld [smem:$0x3FD0];
	(tm) =	ssettm $0x1  }
0x91: {  	s18 =	sld [smem:$0x3FFB];
	_ =	sdelay $0x3  }
0x92: {  	_ =	strace s18  }
0x93: {  	s3 =	sld [smem:$0x3FFC];
	_ =	sdelay $0x3  }
0x94: {  	_ =	strace s3  }
0x95: {  	s3 =	sld [smem:$0x3FFD];
	_ =	sdelay $0x3  }
0x96: {  	_ =	strace s3  }
0x97: {  	_ =	strace $0x8FFFFFFF  }
0x98: {  	s19 =	sld [smem:$0x3FDB];
	_ =	sdelay $0x1  }
0x99: {  	s4 =	simm.s32 $_scs_section_size  }
0x9a: {  	s5 =	simm.s32 $_size__tile_overlayer_lowered;
	s6 =	simm.s32 $_tile_overlayer_lowered  }
0x9b: {  	s22 =	simm.s32 $0x1BFF;
	s21 =	sshll.u32 s6, $0x1;
	s3 =	sadd.s32 s4, s19  }
0x9c: {  	s7 =	simm.s32 $0x0;
	s20 =	sshll.u32 s5, $0x1;
	s5 =	sadd.s32 s21, s3  }
0x9d: {  	[timem:s7], [sflag:s22] =	dma.local [hbm:s5], s20  }
0x9e: {  	_ =	swait.ge [sflag:s22], s20  }
0x9f: {  	s4 =	ssub.s32 $0x0, s20;
	[sflag:s22] =	ssyncset.done $0x0  }
0xa0: {  	[sflag:s22] =	ssyncadd.s32 s4;
	_ =	sdelay $0x1  }
0xa1: {  	s23 =	simm.s32 $0x1B8B  }
0xa2: {  	_ =	swait.ge [sflag:s23], $0x1  }
0xa3: {  	[sflag:s23] =	ssyncset.done $0x0  }
0xa4: {  	s25 =	simm.s32 $0x1B8E;
	s24 =	sld [smem:$0x3FFE];
	[sflag:s23] =	ssyncadd.s32 $0xFFFFFFFF  }
0xa5: {  	s26 =	simm.s32 $execute0_lowered;
	[smem:$0x3FD2] =	sst s25  }
0xa6: {  	s5 =	sshll.u32 s26, $0x1;
	_ =	strace $0x80000046;
	[dreg:$0x1] =	wrdreg $0xFFFFFFFF  }
0xa7: {  	s28 =	simm.s32 $_size_execute0_lowered;
	s3 =	sadd.s32 s3, s5;
	[dreg:$0x0] =	wrdreg $0x0  }
0xa8: {  	s5 =	sshll.u32 s28, $0x1;
	[dreg:$0x2] =	wrdreg s3  }
0xa9: {  	[dreg:$0x3] =	wrdreg s5  }
0xaa: {  	[dreg:$0x4] =	wrdreg $0xC0  }
0xab: {  	_ =	task [dreg:s7], $0x5FFFF  }
0xac: {  	[dreg:$0x1] =	wrdreg $0xFFFFFFFF  }
0xad: {  	[dreg:$0x0] =	wrdreg $0x60  }
0xae: {  	[dreg:$0x2] =	wrdreg s2  }
0xaf: {  	[dreg:$0x3] =	wrdreg s24  }
0xb0: {  	[dreg:$0x4] =	wrdreg $0xE6000  }
0xb1: {  	[dreg:$0x5] =	wrdreg $0x186000  }
0xb2: {  	[dreg:$0x6] =	wrdreg $0x9  }
0xb3: {  	_ =	task.clear_ibuf [dreg:s7], $0x7FFFF;
	_ =	strace $0x90000046  }
0xb4: {  	s29 =	simm.s32 $0x9;
	_ =	strace $0x80000048  }
0xb5: {  	_ =	swait.ge [sflag:s29], $0x1  }
0xb6: {  	[sflag:s29] =	ssyncadd.s32 $0xFFFFFFFF  }
0xb7: {  	_ =	strace $0x90000048  }
0xb8: {  	_ =	sfence  }
0xb9: {  	s30 =	sld [smem:$0x0];
	_ =	sdelay $0x2  }
0xba: {  	s31 =	sshll.u32 s1, $0xD;
	s1 =	sshrl.u32 s1, $0x2  }
0xbb: {  	s3 =	sand.u32 $0x4000, s31;
	s1 =	sadd.s32 s1, s30  }
0xbc: {  	s0 =	sor.u32 s3, s0;
	s1 =	sshll.u32 s1, $0x11  }
0xbd: {  	s0 =	sor.u32 s1, s0  }
0xbe: {  	s0 =	sadd.s32 $0x8F2B, s0  }
0xbf: {  	[sflag:s0] =	ssyncadd.remote.s32 $0x1  }
0xc0: {  	_ =	sfence.sel $0xFFFF  }
0xc1: {  	[dreg:$0x0] =	wrdreg $0xFFFFFFFF;
	(pc) =	sbr.abs _section_cstart, $3  }
0xc2: {  	[dreg:$0x1] =	wrdreg $0xFFFFFFFF  }
0xc3: {  	_ =	task.clear_ibuf [dreg:s7], $0x2FFFF;
	_ =	strace $0x9FFFFFFF  }
0xc4: {  	(tm) =	ssettm $0x7FFFFFFF  }
0xc5: {  	_ =	shalt  }
tec
execute0_lowered:
.L_overlay_start_1:
0x0: {  	(tag) =	ssettag $0x1  }
0x1: {  	s1 =	rddreg [dreg:$0x0]  }
0x2: {  	s0 =	rddreg [dreg:$0x1]  }
0x3: {  	s3 =	rddreg [dreg:$0x2];
	s5 =	stileid.u32  }
0x4: {  	s4 =	rddreg [dreg:$0x3];
	s2 =	smul.u32 $0x9E0, s5  }
0x5: {  	s6 =	srdreg.scid;
	s7 =	simm.s32 $0x0;
	s14 =	smul.u32 $0x280, s5  }
0x6: {  	s28 =	simm.s32 $0xBE00;
	s29 =	simm.s32 $0x1;
	s10 =	smul.u32 $0x28000, s5  }
0x7: {  	s30 =	simm.s32 $0x2;
	s19 =	sand.u32 $0x1, s6;
	s12 =	smul.u32 $0xA000, s5  }
0x8: {  	[smem:$0x7FF] =	sst s7;
	s6 =	sadd.s32 $0x2E00, s0;
	s15 =	smul.u32 $0x2800, s19  }
0x9: {  	_ =	strace $0x80000047;
	s9 =	ssub.s32 $0x2, s19;
	p0 =	seq.s32 s19, $0x1  }
0xa: {  	s2 =	sadd.s32 s2, s0;
	s11 =	sshrl.u32 s9, $0x1;
	s16 =	sshrl.u32 s10, $0x2  }
0xb: {  	s17 =	sshrl.u32 s12, $0x2;
	s18 =	sadd.s32 $0x80, s14;
	s24 =	sadd.s32 $0x100, s14  }
0xc: {  	s7 =	sadd.s32 s14, s15;
	s21 =	ssub.s32 s9, s11;
	s22 =	sshll.u32 s18, $0x6  }
0xd: {  	s10 =	sshll.u32 s18, $0x4;
	s26 =	sshll.u32 s24, $0x6;
	s15 =	sadd.s32 $0x180, s14  }
0xe: {  	s12 =	sshll.u32 s24, $0x4;
	s14 =	sadd.s32 $0x200, s14;
	s18 =	sadd.s32 $0x16800, s2  }
0xf: {  	s24 =	simm.s32 $0xDE00;
	s11 =	simm.s32 $0x9D80;
	s8 =	sshll.u32 s7, $0x3  }
0x10: {  	s7 =	sshll.u32 s7, $0x1;
	s23 =	sadd.s32 s22, s3;
	s25 =	sadd.s32 s10, s4  }
0x11: {  	s31 =	sadd.s32 s26, s3;
	s13 =	sshll.u32 s15, $0x6;
	s12 =	sadd.s32 s12, s4  }
0x12: {  	s15 =	sshll.u32 s15, $0x4;
	s21 =	smax.u32 s21, $0x1;
	s22 =	simm.s32 $0x9E00  }
0x13: {  	s26 =	simm.s32 $0x80;
	s10 =	simm.s32 $0x9D00;
	s20 =	sadd.s32 s8, s0  }
0x14: {  	s0 =	sadd.s32 s7, s0;
	s7 =	sadd.s32 s16, s3;
	[dreg:$0x5] =	wrdreg s23  }
.Ltmp0:
0x15: {  	s8 =	sadd.s32 s17, s4;
	[dreg:$0x6] =	wrdreg s25;
	(pc) =	sbr.rel .LBB2_1-.Ltmp0, $4  }
0x16: {  	[dreg:$0x7] =	wrdreg s31;
	s13 =	sadd.s32 s13, s3;
	s16 =	sshll.u32 s14, $0x6  }
0x17: {  	s17 =	sshll.u32 s14, $0x4;
	s14 =	sadd.s32 s15, s4;
	s23 =	simm.s32 $0x3  }
0x18: {  	s15 =	sadd.s32 s16, s3;
	s16 =	sadd.s32 s17, s4;
	s17 =	sadd.s32 $0x20600, s2  }
0x19: {  	v0 =	vimm.f32 $0.0e+00;
	v1 =	vimm.f32 $1.000000000e+00;
	s19 =	sadd.s32 $0x2A400, s20;
	s20 =	sadd.s32 $0x52400, s0;
	s2 =	simm.s32 $0x0  }
.LBB2_8:
0x1a: {  	s0 =	sadd.s32 $0x80, s31;
	[sflag:s23] =	ssyncadd.s32 $0xFFFFE000  }
0x1b: {  	[tilespmem:s28], [sflag:$0x2] =	stream.indirect.gather [hbm4b:s1+s26], $0x40, s0, s26, $0xb8;
	[tilespmem:$0x1AE00] =	vst v63  }
0x1c: {  	_ =	swait.ge [sflag:s29], $0x2000  }
0x1d: {  	[sflag:s29] =	ssyncset.done $0x0  }
0x1e: {  	s5 =	sadd.s32 $0x4F00, s31;
	[sflag:s29] =	ssyncadd.s32 $0xFFFFE000  }
0x1f: {  	[spmem:s3] =	stream.indirect.scatter.add.f32 [tilespmem:s22], [sflag:$0x3], $0x40, s5, s26, $0xb8;
	[tilespmem:$0x1AE00] =	vst v63  }
0x20: {  	_ =	swait.ge [sflag:s23], $0x2000  }
0x21: {  	[sflag:s23] =	ssyncset.done $0x0  }
0x22: {  	[sflag:s23] =	ssyncadd.s32 $0xFFFFE000  }
0x23: {  	[spmem:s4] =	stream.indirect.scatter.add.f32 [tilespmem:s24], [sflag:$0x3], $0x10, s5, s26, $0xb8;
	[tilespmem:$0x1AE00] =	vst v63  }
0x24: {  	_ =	swait.ge [sflag:s23], $0x800  }
0x25: {  	[sflag:s23] =	ssyncset.done $0x0  }
0x26: {  	s9 =	sadd.s32 $0x100, s31;
	[sflag:s23] =	ssyncadd.s32 $0xFFFFF800  }
0x27: {  	[tilespmem:s22], [sflag:$0x1] =	stream.indirect.gather [hbm4b:s1+s26], $0x40, s9, s26, $0xb8;
	[tilespmem:$0x1AE00] =	vst v63  }
0x28: {  	_ =	swait.ge [sflag:s30], $0x2000  }
0x29: {  	[sflag:s30] =	ssyncset.done $0x0  }
0x2a: {  	s10 =	sadd.s32 $0x4F80, s31;
	[sflag:s30] =	ssyncadd.s32 $0xFFFFE000  }
0x2b: {  	[spmem:s3] =	stream.indirect.scatter.add.f32 [tilespmem:s28], [sflag:$0x3], $0x40, s10, s26, $0xb8;
	[tilespmem:$0x1AE00] =	vst v63  }
0x2c: {  	_ =	swait.ge [sflag:s23], $0x2000  }
0x2d: {  	[sflag:s23] =	ssyncset.done $0x0  }
0x2e: {  	s25 =	simm.s32 $0x4E80;
	[sflag:s23] =	ssyncadd.s32 $0xFFFFE000  }
0x2f: {  	[tilespmem:s28], [sflag:$0x2] =	stream.indirect.gather [hbm4b:s1+s26], $0x40, s25, s26, $0xb8;
	[tilespmem:$0x1AE00] =	vst v63  }
0x30: {  	_ =	swait.ge [sflag:s29], $0x2000  }
0x31: {  	[sflag:s29] =	ssyncset.done $0x0  }
0x32: {  	s31 =	simm.s32 $0x9D00;
	[sflag:s29] =	ssyncadd.s32 $0xFFFFE000  }
0x33: {  	[spmem:s3] =	stream.indirect.scatter.add.f32 [tilespmem:s22], [sflag:$0x3], $0x40, s31, s26, $0xb8;
	[tilespmem:$0x1AE00] =	vst v63  }
0x34: {  	_ =	swait.ge [sflag:s23], $0x2000  }
0x35: {  	[sflag:s23] =	ssyncset.done $0x0  }
0x36: {  	[sflag:s23] =	ssyncadd.s32 $0xFFFFE000  }
0x37: {  	[spmem:s4] =	stream.indirect.scatter.add.f32 [tilespmem:s24], [sflag:$0x3], $0x10, s31, s26, $0xb8;
	[tilespmem:$0x1AE00] =	vst v63  }
0x38: {  	_ =	swait.ge [sflag:s23], $0x800  }
0x39: {  	[sflag:s23] =	ssyncset.done $0x0  }
0x3a: {  	[sflag:s23] =	ssyncadd.s32 $0xFFFFF800  }
0x3b: {  	_ =	swait.ge [sflag:s30], $0x2000  }
0x3c: {  	[sflag:s30] =	ssyncset.done $0x0  }
0x3d: {  	[sflag:s30] =	ssyncadd.s32 $0xFFFFE000  }
0x3e: {  	[spmem:s3] =	stream.indirect.scatter.add.f32 [tilespmem:s28], [sflag:$0x3], $0x40, s11, s26, $0xb8;
	[tilespmem:$0x1AE00] =	vst v63  }
0x3f: {  	_ =	swait.ge [sflag:s23], $0x2000  }
0x40: {  	[sflag:s23] =	ssyncset.done $0x0  }
0x41: {  	s10 =	simm.s32 $0x9D00;
	[sflag:s23] =	ssyncadd.s32 $0xFFFFE000  }
.LBB2_12:
0x42: {  	s0 =	stileid.u32  }
0x43: {  	s0 =	sshll.u32 s0, $0x6  }
0x44: {  	[bflag:$0x0] =	sbarrier.arrive $0xFFFF;
	s5 =	sshrl.u32 s7, $0x3;
	s0 =	sor.u32 $0x1C03, s0  }
0x45: {  	[hbm:s19], [sflag:s0] =	dma.local [spmem:s5], $0x1400  }
0x46: {  	s2 =	sadd.s32 $0x1, s2;
	_ =	swait.ge [sflag:s23], $0x1400  }
0x47: {  	p1 =	sne.s32 s2, s21;
	[sflag:s23] =	ssyncset.done $0x0  }
.Ltmp1:
0x48: {  	s31 =	sshrl.u32 s8, $0x3;
	[sflag:s23] =	ssyncadd.s32 $0xFFFFEC00;
	(pc) =	sbr.rel @!p1 .LBB2_13-.Ltmp1, $4  }
0x49: {  	[hbm:s20], [sflag:s0] =	dma.local [spmem:s31], $0x500  }
0x4a: {  	_ =	swait.ge [sflag:s23], $0x500  }
0x4b: {  	[sflag:s23] =	ssyncset.done $0x0  }
0x4c: {  	[sflag:s23] =	ssyncadd.s32 $0xFFFFFB00  }
.LBB2_1:
0x4d: {  	s31 =	simm.s32 $0x9E20  }
0x4e: {  	[tilespmem:s31+$0x0] =	vst v0  }
0x4f: {  	[tilespmem:s31+$0xFFFFFFE0] =	vst v0  }
0x50: {  	[tilespmem:s31+$0x10] =	vst v0  }
0x51: {  	s0 =	simm.s32 $0x40;
	s25 =	simm.s32 $0x0;
	[tilespmem:s31+$0xFFFFFFF0] =	vst v0  }
.LBB2_2:
0x52: {  	p1 =	sne.s32 s0, $0x1FC0  }
0x53: {  	[tilespmem:s25+$0xDE00] =	vst v0;
	s31 =	sadd.s32 $0x40, s31;
	s25 =	smov.u32 s0;
	s0 =	sadd.s32 $0x40, s0  }
.Ltmp2:
0x54: {  	[tilespmem:s31+$0x0] =	vst v0;
	(pc) =	sbr.rel @p1 .LBB2_2-.Ltmp2, $4  }
0x55: {  	_ = 	snop  }
0x56: {  	[tilespmem:s31+$0xFFFFFFE0] =	vst v0  }
0x57: {  	[tilespmem:s31+$0x10] =	vst v0  }
0x58: {  	s25 =	sshra.s32 s25, $0x2;
	[tilespmem:s31+$0xFFFFFFF0] =	vst v0  }
0x59: {  	[tilespmem:s25+$0xDE00] =	vst v0  }
0x5a: {  	[spmem:s7] =	stream.linear.scatter [tilespmem:s22], [sflag:$0x3], $0x2000, $0x38;
	[tilespmem:$0x1AE00] =	vst v63  }
0x5b: {  	_ =	swait.ge [sflag:s23], $0x2000  }
0x5c: {  	[sflag:s23] =	ssyncset.done $0x0  }
0x5d: {  	[sflag:s23] =	ssyncadd.s32 $0xFFFFE000  }
0x5e: {  	[spmem:s8] =	stream.linear.scatter [tilespmem:s24], [sflag:$0x3], $0x800, $0x38;
	[tilespmem:$0x1AE00] =	vst v63  }
0x5f: {  	_ =	swait.ge [sflag:s23], $0x800  }
0x60: {  	[sflag:s23] =	ssyncset.done $0x0  }
0x61: {  	s0 =	rddreg [dreg:$0x5];
	[sflag:s23] =	ssyncadd.s32 $0xFFFFF800  }
0x62: {  	[spmem:s0] =	stream.linear.scatter [tilespmem:s22], [sflag:$0x3], $0x2000, $0x38;
	[tilespmem:$0x1AE00] =	vst v63  }
0x63: {  	_ =	swait.ge [sflag:s23], $0x2000  }
0x64: {  	[sflag:s23] =	ssyncset.done $0x0  }
0x65: {  	s25 =	rddreg [dreg:$0x6];
	[sflag:s23] =	ssyncadd.s32 $0xFFFFE000  }
0x66: {  	[spmem:s25] =	stream.linear.scatter [tilespmem:s24], [sflag:$0x3], $0x800, $0x38;
	[tilespmem:$0x1AE00] =	vst v63  }
0x67: {  	_ =	swait.ge [sflag:s23], $0x800  }
0x68: {  	[sflag:s23] =	ssyncset.done $0x0  }
0x69: {  	s31 =	rddreg [dreg:$0x7];
	[sflag:s23] =	ssyncadd.s32 $0xFFFFF800  }
0x6a: {  	[spmem:s31] =	stream.linear.scatter [tilespmem:s22], [sflag:$0x3], $0x2000, $0x38;
	[tilespmem:$0x1AE00] =	vst v63  }
0x6b: {  	_ =	swait.ge [sflag:s23], $0x2000  }
0x6c: {  	[sflag:s23] =	ssyncset.done $0x0  }
0x6d: {  	[sflag:s23] =	ssyncadd.s32 $0xFFFFE000  }
0x6e: {  	[spmem:s12] =	stream.linear.scatter [tilespmem:s24], [sflag:$0x3], $0x800, $0x38;
	[tilespmem:$0x1AE00] =	vst v63  }
0x6f: {  	_ =	swait.ge [sflag:s23], $0x800  }
0x70: {  	[sflag:s23] =	ssyncset.done $0x0  }
0x71: {  	[sflag:s23] =	ssyncadd.s32 $0xFFFFF800  }
0x72: {  	[spmem:s13] =	stream.linear.scatter [tilespmem:s22], [sflag:$0x3], $0x2000, $0x38;
	[tilespmem:$0x1AE00] =	vst v63  }
0x73: {  	_ =	swait.ge [sflag:s23], $0x2000  }
0x74: {  	[sflag:s23] =	ssyncset.done $0x0  }
0x75: {  	[sflag:s23] =	ssyncadd.s32 $0xFFFFE000  }
0x76: {  	[spmem:s14] =	stream.linear.scatter [tilespmem:s24], [sflag:$0x3], $0x800, $0x38;
	[tilespmem:$0x1AE00] =	vst v63  }
0x77: {  	_ =	swait.ge [sflag:s23], $0x800  }
0x78: {  	[sflag:s23] =	ssyncset.done $0x0  }
0x79: {  	[sflag:s23] =	ssyncadd.s32 $0xFFFFF800  }
0x7a: {  	[spmem:s15] =	stream.linear.scatter [tilespmem:s22], [sflag:$0x3], $0x2000, $0x38;
	[tilespmem:$0x1AE00] =	vst v63  }
0x7b: {  	_ =	swait.ge [sflag:s23], $0x2000  }
0x7c: {  	[sflag:s23] =	ssyncset.done $0x0  }
0x7d: {  	[sflag:s23] =	ssyncadd.s32 $0xFFFFE000  }
0x7e: {  	[spmem:s16] =	stream.linear.scatter [tilespmem:s24], [sflag:$0x3], $0x800, $0x38;
	[tilespmem:$0x1AE00] =	vst v63  }
0x7f: {  	_ =	swait.ge [sflag:s23], $0x800  }
0x80: {  	[sflag:s23] =	ssyncset.done $0x0  }
0x81: {  	s0 =	simm.s32 $0x40;
	s25 =	simm.s32 $0x0;
	[sflag:s23] =	ssyncadd.s32 $0xFFFFF800  }
.LBB2_4:
0x82: {  	p1 =	sne.s32 s0, $0x1FC0;
	[tilespmem:s25+$0xDE00] =	vst v1;
	s25 =	smov.u32 s0;
	s0 =	sadd.s32 $0x40, s0  }
.Ltmp3:
0x83: {  	(pc) =	sbr.rel @p1 .LBB2_4-.Ltmp3, $2  }
0x84: {  	_ =	sdelay $0x2  }
0x85: {  	s25 =	sshra.s32 s25, $0x2  }
0x86: {  	[tilespmem:s25+$0xDE00] =	vst v1  }
0x87: {  	s0 =	simm.s32 $0x0;
	[bflag:$0x0] =	sbarrier.arrive $0xFFFF  }
0x88: {  	[tilespmem:s0], [sflag:$0x3] =	stream.linear.gather [hbm4b:s17+s0], $0x4F00, $0x38;
	[tilespmem:$0x1AE00] =	vst v63  }
0x89: {  	_ =	swait.ge [sflag:s23], $0x4F00  }
0x8a: {  	[sflag:s23] =	ssyncset.done $0x0  }
.Ltmp4:
0x8b: {  	s5 =	simm.s32 $0x4F00;
	[sflag:s23] =	ssyncadd.s32 $0xFFFFB100;
	(pc) =	sbr.rel @!p0 .LBB2_6-.Ltmp4, $4  }
0x8c: {  	[tilespmem:s5], [sflag:$0x3] =	stream.linear.gather [hbm4b:s18+s0], $0x4F00, $0x38;
	[tilespmem:$0x1AE00] =	vst v63  }
0x8d: {  	_ =	swait.ge [sflag:s23], $0x4F00  }
0x8e: {  	[sflag:s23] =	ssyncset.done $0x0  }
0x8f: {  	s0 =	simm.s32 $0x0;
	[sflag:s23] =	ssyncadd.s32 $0xFFFFB100  }
0x90: {  	[tilespmem:s22], [sflag:$0x1] =	stream.indirect.gather [hbm4b:s6+s26], $0x40, s0, s26, $0xb8;
	[tilespmem:$0x1AE00] =	vst v63  }
0x91: {  	s5 =	simm.s32 $0x80  }
0x92: {  	[tilespmem:s28], [sflag:$0x2] =	stream.indirect.gather [hbm4b:s6+s26], $0x40, s5, s26, $0xb8;
	[tilespmem:$0x1AE00] =	vst v63  }
0x93: {  	_ =	swait.ge [sflag:s29], $0x2000  }
0x94: {  	[sflag:s29] =	ssyncset.done $0x0  }
0x95: {  	s9 =	simm.s32 $0x4F00;
	[sflag:s29] =	ssyncadd.s32 $0xFFFFE000  }
0x96: {  	[spmem:s3] =	stream.indirect.scatter.add.f32 [tilespmem:s22], [sflag:$0x3], $0x40, s9, s26, $0xb8;
	[tilespmem:$0x1AE00] =	vst v63  }
0x97: {  	_ =	swait.ge [sflag:s23], $0x2000  }
0x98: {  	[sflag:s23] =	ssyncset.done $0x0  }
0x99: {  	s11 =	simm.s32 $0x100;
	[sflag:s23] =	ssyncadd.s32 $0xFFFFE000  }
0x9a: {  	[tilespmem:s22], [sflag:$0x1] =	stream.indirect.gather [hbm4b:s6+s26], $0x40, s11, s26, $0xb8;
	[tilespmem:$0x1AE00] =	vst v63  }
0x9b: {  	_ =	swait.ge [sflag:s30], $0x2000  }
0x9c: {  	[sflag:s30] =	ssyncset.done $0x0  }
0x9d: {  	s25 =	simm.s32 $0x4F80;
	[sflag:s30] =	ssyncadd.s32 $0xFFFFE000  }
0x9e: {  	[spmem:s3] =	stream.indirect.scatter.add.f32 [tilespmem:s28], [sflag:$0x3], $0x40, s25, s26, $0xb8;
	[tilespmem:$0x1AE00] =	vst v63  }
0x9f: {  	_ =	swait.ge [sflag:s23], $0x2000  }
0xa0: {  	[sflag:s23] =	ssyncset.done $0x0  }
0xa1: {  	[sflag:s23] =	ssyncadd.s32 $0xFFFFE000  }
0xa2: {  	[spmem:s4] =	stream.indirect.scatter.add.f32 [tilespmem:s24], [sflag:$0x3], $0x10, s25, s26, $0xb8;
	[tilespmem:$0x1AE00] =	vst v63  }
0xa3: {  	_ =	swait.ge [sflag:s23], $0x800  }
0xa4: {  	s0 =	simm.s32 $0x800;
	s31 =	simm.s32 $0x100;
	[sflag:s23] =	ssyncset.done $0x0  }
.LBB2_10:
0xa5: {  	s5 =	sadd.s32 $0x80, s31  }
0xa6: {  	[sflag:s23] =	ssyncadd.s32 $0xFFFFF800;
	s9 =	smov.u32 s0;
	s25 =	sadd.s32 $0x400, s0  }
0xa7: {  	[tilespmem:s28], [sflag:$0x2] =	stream.indirect.gather [hbm4b:s6+s26], $0x40, s5, s26, $0xb8;
	[tilespmem:$0x1AE00] =	vst v63  }
0xa8: {  	p1 =	sne.s32 s0, $0x13400;
	_ =	swait.ge [sflag:s29], $0x2000  }
0xa9: {  	[sflag:s29] =	ssyncset.done $0x0  }
0xaa: {  	s0 =	sadd.s32 $0x4F00, s31;
	[sflag:s29] =	ssyncadd.s32 $0xFFFFE000  }
0xab: {  	[spmem:s3] =	stream.indirect.scatter.add.f32 [tilespmem:s22], [sflag:$0x3], $0x40, s0, s26, $0xb8;
	[tilespmem:$0x1AE00] =	vst v63  }
0xac: {  	_ =	swait.ge [sflag:s23], $0x2000  }
0xad: {  	[sflag:s23] =	ssyncset.done $0x0  }
0xae: {  	s0 =	sadd.s32 $0x100, s31;
	[sflag:s23] =	ssyncadd.s32 $0xFFFFE000  }
0xaf: {  	[tilespmem:s22], [sflag:$0x1] =	stream.indirect.gather [hbm4b:s6+s26], $0x40, s0, s26, $0xb8;
	[tilespmem:$0x1AE00] =	vst v63  }
0xb0: {  	_ =	swait.ge [sflag:s30], $0x2000  }
0xb1: {  	[sflag:s30] =	ssyncset.done $0x0  }
0xb2: {  	s0 =	sadd.s32 $0x4F80, s31;
	[sflag:s30] =	ssyncadd.s32 $0xFFFFE000  }
0xb3: {  	[spmem:s3] =	stream.indirect.scatter.add.f32 [tilespmem:s28], [sflag:$0x3], $0x40, s0, s26, $0xb8;
	[tilespmem:$0x1AE00] =	vst v63  }
0xb4: {  	_ =	swait.ge [sflag:s23], $0x2000  }
.Ltmp5:
0xb5: {  	[sflag:s23] =	ssyncset.done $0x0;
	(pc) =	sbr.rel @p1 .LBB2_10-.Ltmp5, $4  }
0xb6: {  	[sflag:s23] =	ssyncadd.s32 $0xFFFFE000  }
0xb7: {  	[spmem:s4] =	stream.indirect.scatter.add.f32 [tilespmem:s24], [sflag:$0x3], $0x10, s0, s26, $0xb8;
	[tilespmem:$0x1AE00] =	vst v63  }
0xb8: {  	_ =	swait.ge [sflag:s23], $0x800  }
0xb9: {  	s31 =	sshra.s32 s9, $0x2;
	s0 =	smov.u32 s25;
	[sflag:s23] =	ssyncset.done $0x0  }
0xba: {  	s0 =	sadd.s32 $0x80, s31;
	[sflag:s23] =	ssyncadd.s32 $0xFFFFF800  }
0xbb: {  	[tilespmem:s28], [sflag:$0x2] =	stream.indirect.gather [hbm4b:s6+s26], $0x40, s0, s26, $0xb8;
	[tilespmem:$0x1AE00] =	vst v63  }
0xbc: {  	_ =	swait.ge [sflag:s29], $0x2000  }
0xbd: {  	[sflag:s29] =	ssyncset.done $0x0  }
0xbe: {  	s5 =	sadd.s32 $0x4F00, s31;
	[sflag:s29] =	ssyncadd.s32 $0xFFFFE000  }
0xbf: {  	[spmem:s3] =	stream.indirect.scatter.add.f32 [tilespmem:s22], [sflag:$0x3], $0x40, s5, s26, $0xb8;
	[tilespmem:$0x1AE00] =	vst v63  }
0xc0: {  	_ =	swait.ge [sflag:s23], $0x2000  }
0xc1: {  	[sflag:s23] =	ssyncset.done $0x0  }
0xc2: {  	s9 =	sadd.s32 $0x100, s31;
	[sflag:s23] =	ssyncadd.s32 $0xFFFFE000  }
0xc3: {  	[tilespmem:s22], [sflag:$0x1] =	stream.indirect.gather [hbm4b:s6+s26], $0x40, s9, s26, $0xb8;
	[tilespmem:$0x1AE00] =	vst v63  }
0xc4: {  	_ =	swait.ge [sflag:s30], $0x2000  }
0xc5: {  	[sflag:s30] =	ssyncset.done $0x0  }
0xc6: {  	s11 =	sadd.s32 $0x4F80, s31;
	[sflag:s30] =	ssyncadd.s32 $0xFFFFE000  }
0xc7: {  	[spmem:s3] =	stream.indirect.scatter.add.f32 [tilespmem:s28], [sflag:$0x3], $0x40, s11, s26, $0xb8;
	[tilespmem:$0x1AE00] =	vst v63  }
0xc8: {  	_ =	swait.ge [sflag:s23], $0x2000  }
0xc9: {  	[sflag:s23] =	ssyncset.done $0x0  }
0xca: {  	[sflag:s23] =	ssyncadd.s32 $0xFFFFE000  }
0xcb: {  	[spmem:s4] =	stream.indirect.scatter.add.f32 [tilespmem:s24], [sflag:$0x3], $0x10, s11, s26, $0xb8;
	[tilespmem:$0x1AE00] =	vst v63  }
0xcc: {  	_ =	swait.ge [sflag:s23], $0x800  }
0xcd: {  	[sflag:s23] =	ssyncset.done $0x0  }
0xce: {  	s25 =	simm.s32 $0x4E80;
	[sflag:s23] =	ssyncadd.s32 $0xFFFFF800  }
0xcf: {  	[tilespmem:s28], [sflag:$0x2] =	stream.indirect.gather [hbm4b:s6+s26], $0x40, s25, s26, $0xb8;
	[tilespmem:$0x1AE00] =	vst v63  }
0xd0: {  	_ =	swait.ge [sflag:s29], $0x2000  }
0xd1: {  	[sflag:s29] =	ssyncset.done $0x0  }
0xd2: {  	[sflag:s29] =	ssyncadd.s32 $0xFFFFE000  }
0xd3: {  	[spmem:s3] =	stream.indirect.scatter.add.f32 [tilespmem:s22], [sflag:$0x3], $0x40, s10, s26, $0xb8;
	[tilespmem:$0x1AE00] =	vst v63  }
0xd4: {  	_ =	swait.ge [sflag:s23], $0x2000  }
0xd5: {  	[sflag:s23] =	ssyncset.done $0x0  }
0xd6: {  	[sflag:s23] =	ssyncadd.s32 $0xFFFFE000  }
0xd7: {  	_ =	swait.ge [sflag:s30], $0x2000  }
0xd8: {  	[sflag:s30] =	ssyncset.done $0x0  }
0xd9: {  	s31 =	simm.s32 $0x9D80;
	[sflag:s30] =	ssyncadd.s32 $0xFFFFE000  }
0xda: {  	[spmem:s3] =	stream.indirect.scatter.add.f32 [tilespmem:s28], [sflag:$0x3], $0x40, s31, s26, $0xb8;
	[tilespmem:$0x1AE00] =	vst v63  }
0xdb: {  	_ =	swait.ge [sflag:s23], $0x2000  }
0xdc: {  	[sflag:s23] =	ssyncset.done $0x0  }
.Ltmp6:
0xdd: {  	[sflag:s23] =	ssyncadd.s32 $0xFFFFE000;
	(pc) =	sbr.rel .LBB2_12-.Ltmp6, $4  }
0xde: {  	[spmem:s4] =	stream.indirect.scatter.add.f32 [tilespmem:s24], [sflag:$0x3], $0x10, s31, s26, $0xb8;
	[tilespmem:$0x1AE00] =	vst v63  }
0xdf: {  	_ =	swait.ge [sflag:s23], $0x800  }
0xe0: {  	[sflag:s23] =	ssyncset.done $0x0  }
0xe1: {  	s11 =	simm.s32 $0x9D80;
	[sflag:s23] =	ssyncadd.s32 $0xFFFFF800  }
.LBB2_6:
0xe2: {  	[tilespmem:s22], [sflag:$0x1] =	stream.indirect.gather [hbm4b:s1+s26], $0x40, s0, s26, $0xb8;
	[tilespmem:$0x1AE00] =	vst v63  }
0xe3: {  	s5 =	simm.s32 $0x80  }
0xe4: {  	[tilespmem:s28], [sflag:$0x2] =	stream.indirect.gather [hbm4b:s1+s26], $0x40, s5, s26, $0xb8;
	[tilespmem:$0x1AE00] =	vst v63  }
0xe5: {  	_ =	swait.ge [sflag:s29], $0x2000  }
0xe6: {  	[sflag:s29] =	ssyncset.done $0x0  }
0xe7: {  	s9 =	simm.s32 $0x4F00;
	[sflag:s29] =	ssyncadd.s32 $0xFFFFE000  }
0xe8: {  	[spmem:s3] =	stream.indirect.scatter.add.f32 [tilespmem:s22], [sflag:$0x3], $0x40, s9, s26, $0xb8;
	[tilespmem:$0x1AE00] =	vst v63  }
0xe9: {  	_ =	swait.ge [sflag:s23], $0x2000  }
0xea: {  	[sflag:s23] =	ssyncset.done $0x0  }
0xeb: {  	[sflag:s23] =	ssyncadd.s32 $0xFFFFE000  }
0xec: {  	[spmem:s4] =	stream.indirect.scatter.add.f32 [tilespmem:s24], [sflag:$0x3], $0x10, s9, s26, $0xb8;
	[tilespmem:$0x1AE00] =	vst v63  }
0xed: {  	_ =	swait.ge [sflag:s23], $0x800  }
0xee: {  	[sflag:s23] =	ssyncset.done $0x0  }
0xef: {  	s10 =	simm.s32 $0x100;
	[sflag:s23] =	ssyncadd.s32 $0xFFFFF800  }
0xf0: {  	[tilespmem:s22], [sflag:$0x1] =	stream.indirect.gather [hbm4b:s1+s26], $0x40, s10, s26, $0xb8;
	[tilespmem:$0x1AE00] =	vst v63  }
0xf1: {  	_ =	swait.ge [sflag:s30], $0x2000  }
0xf2: {  	[sflag:s30] =	ssyncset.done $0x0  }
0xf3: {  	s25 =	simm.s32 $0x4F80;
	[sflag:s30] =	ssyncadd.s32 $0xFFFFE000  }
0xf4: {  	[spmem:s3] =	stream.indirect.scatter.add.f32 [tilespmem:s28], [sflag:$0x3], $0x40, s25, s26, $0xb8;
	[tilespmem:$0x1AE00] =	vst v63  }
0xf5: {  	_ =	swait.ge [sflag:s23], $0x2000  }
0xf6: {  	s0 =	simm.s32 $0x800;
	s31 =	simm.s32 $0x100;
	[sflag:s23] =	ssyncset.done $0x0  }
.LBB2_7:
0xf7: {  	s25 =	sadd.s32 $0x80, s31  }
0xf8: {  	[sflag:s23] =	ssyncadd.s32 $0xFFFFE000;
	s5 =	smov.u32 s0;
	s9 =	sadd.s32 $0x400, s0  }
0xf9: {  	[tilespmem:s28], [sflag:$0x2] =	stream.indirect.gather [hbm4b:s1+s26], $0x40, s25, s26, $0xb8;
	[tilespmem:$0x1AE00] =	vst v63  }
0xfa: {  	p1 =	seq.s32 s0, $0x13400;
	_ =	swait.ge [sflag:s29], $0x2000  }
0xfb: {  	[sflag:s29] =	ssyncset.done $0x0  }
0xfc: {  	s0 =	sadd.s32 $0x4F00, s31;
	[sflag:s29] =	ssyncadd.s32 $0xFFFFE000  }
0xfd: {  	[spmem:s3] =	stream.indirect.scatter.add.f32 [tilespmem:s22], [sflag:$0x3], $0x40, s0, s26, $0xb8;
	[tilespmem:$0x1AE00] =	vst v63  }
0xfe: {  	_ =	swait.ge [sflag:s23], $0x2000  }
0xff: {  	[sflag:s23] =	ssyncset.done $0x0  }
0x100: {  	[sflag:s23] =	ssyncadd.s32 $0xFFFFE000  }
0x101: {  	[spmem:s4] =	stream.indirect.scatter.add.f32 [tilespmem:s24], [sflag:$0x3], $0x10, s0, s26, $0xb8;
	[tilespmem:$0x1AE00] =	vst v63  }
0x102: {  	_ =	swait.ge [sflag:s23], $0x800  }
0x103: {  	[sflag:s23] =	ssyncset.done $0x0  }
0x104: {  	s0 =	sadd.s32 $0x100, s31;
	[sflag:s23] =	ssyncadd.s32 $0xFFFFF800  }
0x105: {  	[tilespmem:s22], [sflag:$0x1] =	stream.indirect.gather [hbm4b:s1+s26], $0x40, s0, s26, $0xb8;
	[tilespmem:$0x1AE00] =	vst v63  }
0x106: {  	_ =	swait.ge [sflag:s30], $0x2000  }
.Ltmp7:
0x107: {  	[sflag:s30] =	ssyncset.done $0x0;
	(pc) =	sbr.rel @!p1 .LBB2_7-.Ltmp7, $4  }
0x108: {  	s0 =	sadd.s32 $0x4F80, s31;
	[sflag:s30] =	ssyncadd.s32 $0xFFFFE000  }
0x109: {  	[spmem:s3] =	stream.indirect.scatter.add.f32 [tilespmem:s28], [sflag:$0x3], $0x40, s0, s26, $0xb8;
	[tilespmem:$0x1AE00] =	vst v63  }
0x10a: {  	_ =	swait.ge [sflag:s23], $0x2000  }
0x10b: {  	s31 =	sshra.s32 s5, $0x2;
	s0 =	smov.u32 s9;
	[sflag:s23] =	ssyncset.done $0x0  }
.Ltmp8:
0x10c: {  	_ = 	snop;
	(pc) =	sbr.rel .LBB2_8-.Ltmp8, $1  }
0x10d: {  	_ =	sdelay $0x3  }
.LBB2_13:
0x10e: {  	_ =	sfence.sel $0x180000  }
0x10f: {  	[bflag:$0x0] =	sbarrier.arrive $0xFFFF  }
0x110: {  	_ =	strace $0x90000047  }
0x111: {  	s0 =	stileid.u32;
	[bflag:$0x2] =	sbarrier.arrive $0xFFFF  }
0x112: {  	p0 =	sne.s32 s0, $0x0;
	s0 =	rddreg [dreg:$0x4]  }
0x113: {  	s0 =	sadd.s32 @!p0 $0x100000, s0  }
0x114: {  	[sflag:s0] =	ssyncadd.tile.s32 @!p0 $0x1;
	_ =	shalt  }
.Lfunc_end2:
_tile_overlayer_lowered:
.L_overlay_start_2:
0x115: {  	(tag) =	ssettag $0x2  }
0x116: {  	s0 =	rddreg [dreg:$0x0];
	s2 =	stileid.u32  }
0x117: {  	s1 =	rddreg [dreg:$0x1];
	p0 =	sne.s32 s2, $0x0  }
0x118: {  	s3 =	rddreg [dreg:$0x2];
	[bflag:$0x3] =	sbarrier.arrive $0xFFFF;
	s2 =	simm.s32 @!p0 $0x1C03  }
0x119: {  	[timem:s3], [sflag:s2] =	dma.local @!p0 [hbm:s0], s1  }
0x11a: {  	s0 =	simm.s32 @!p0 $0x3  }
0x11b: {  	_ =	swait.ge @!p0 [sflag:s0], s1  }
0x11c: {  	s1 =	ssub.s32 @!p0 $0x0, s1;
	[sflag:s0] =	ssyncset.done @!p0 $0x0  }
0x11d: {  	[sflag:s0] =	ssyncadd.s32 @!p0 s1  }
0x11e: {  	[bflag:$0x3] =	sbarrier.arrive $0xFFFF  }
0x11f: {  	_ =	shalt  }

</sc_bundles>
